<compile_context>
chip_gen: v7x
topology: tpu7x:2x2x1
jax: 0.10.2.dev20260603
libtpu: 0.0.44.dev20260713+nightly
codegen_flags: <defaults>
</compile_context>

<pallas_src>
import functools

import numpy as np

import jax
import jax.numpy as jnp
from jax import lax
from jax.experimental import pallas as pl
from jax.experimental.pallas import tpu as pltpu
from jax.experimental.pallas import tpu_sc as plsc

N_WORKERS = 32
NODES_PER_WORKER = 320
BLOCK = 256
SLAB = 328
TRASH = SLAB - 1


_SHIFT = BLOCK.bit_length() - 1
assert (1 << _SHIFT) == BLOCK


def _sc_segment_sum(i, idx, cuts, n_nodes, n_feat):
    mesh = plsc.VectorSubcoreMesh(core_axis_name="c", subcore_axis_name="s")

    @functools.partial(
        pl.kernel,
        out_type=jax.ShapeDtypeStruct((n_nodes, n_feat), jnp.float32),
        mesh=mesh,
        scratch_types=[
            pltpu.VMEM((BLOCK, n_feat), jnp.float32),
            pltpu.VMEM((BLOCK, n_feat), jnp.float32),
            pltpu.VMEM((BLOCK,), jnp.int32),
            pltpu.VMEM((BLOCK,), jnp.int32),
            pltpu.VMEM((2, 128), jnp.int32),
            pltpu.VMEM((2, 128), jnp.int32),
            pltpu.VMEM((16,), jnp.int32),
            pltpu.VMEM_SHARED((16 * SLAB, n_feat), jnp.float32),
            pltpu.SemaphoreType.DMA,
            pltpu.SemaphoreType.DMA,
            pltpu.SemaphoreType.DMA,
            pltpu.SemaphoreType.DMA,
        ],
    )
    def body(i_hbm, idx_hbm, cuts_hbm, out_hbm,
             ebuf0, ebuf1, ibuf0, ibuf1, lidx0, lidx1, cbuf, acc,
             lsem0, lsem1, ssem0, ssem1):
        c = lax.axis_index("c")
        s = lax.axis_index("s")
        wid = c * 16 + s
        slab = pl.multiple_of(s * SLAB, 8)

        pltpu.sync_copy(cuts_hbm.at[pl.ds(pl.multiple_of(wid * 16, 8), 16)], cbuf)
        pv = cbuf[...]
        n0 = pl.multiple_of(wid * NODES_PER_WORKER, 8)
        blk0 = lax.shift_right_logical(pv[0], _SHIFT)
        blkend = lax.shift_right_logical(pv[1] + (BLOCK - 1), _SHIFT)
        nblk = blkend - blk0
        ebufs = (ebuf0, ebuf1)
        ibufs = (ibuf0, ibuf1)
        lidxs = (lidx0, lidx1)
        lsems = (lsem0, lsem1)
        ssems = (ssem0, ssem1)

        def copies(b, k):
            e0 = pl.multiple_of(b * BLOCK, 8)
            return (
                pltpu.make_async_copy(i_hbm.at[pl.ds(e0, BLOCK)], ebufs[k], lsems[k]),
                pltpu.make_async_copy(idx_hbm.at[pl.ds(e0, BLOCK)], ibufs[k], lsems[k]),
            )

        @pl.when(nblk > 0)
        def _():
            for cp in copies(blk0, 0):
                cp.start()

        def zrow(r, carry):
            for cc in range(n_feat // 16):
                ebuf1[r, pl.ds(cc * 16, 16)] = jnp.zeros((16,), jnp.float32)
            return carry

        lax.fori_loop(0, BLOCK, zrow, 0)
        pltpu.sync_copy(ebuf1, acc.at[pl.ds(slab, BLOCK)])
        pltpu.sync_copy(
            ebuf1.at[pl.ds(0, SLAB - BLOCK)],
            acc.at[pl.ds(slab + BLOCK, SLAB - BLOCK)],
        )

        base = n0 - slab

        def drain_scatter(k):
            for j in range(BLOCK // 128):
                pltpu.make_async_copy(
                    i_hbm.at[pl.ds(0, 128)],
                    ebufs[k].at[pl.ds(j * 128, 128)],
                    ssems[k],
                ).wait()

        def process(b, k):
            for cp in copies(b, k):
                cp.wait()

            ibuf = ibufs[k]
            lidx = lidxs[k]
            for kk in range(BLOCK // 16):
                iv = ibuf[pl.ds(kk * 16, 16)]
                owned = (iv >= n0) & (iv < n0 + NODES_PER_WORKER)
                lv = jnp.where(owned, iv - base, slab + TRASH)
                lidx[kk // 8, pl.ds((kk % 8) * 16, 16)] = lv

            @pl.when(b + 1 < blkend)
            def _():
                @pl.when(b > blk0)
                def _():
                    drain_scatter(1 - k)

                for cp in copies(b + 1, 1 - k):
                    cp.start()

            for j in range(BLOCK // 128):
                pltpu.async_copy(
                    ebufs[k].at[pl.ds(j * 128, 128)],
                    acc.at[lidx.at[j]],
                    ssems[k],
                    add=True,
                )

        def pair(t, carry):
            b = blk0 + 2 * t
            process(b, 0)

            @pl.when(b + 1 < blkend)
            def _():
                process(b + 1, 1)

            return carry

        lax.fori_loop(0, (nblk + 1) // 2, pair, 0)

        @pl.when(nblk == 1)
        def _():
            drain_scatter(0)

        @pl.when(nblk >= 2)
        def _():
            drain_scatter(0)
            drain_scatter(1)

        last_rows = n_nodes - (N_WORKERS - 1) * NODES_PER_WORKER

        @pl.when(wid != N_WORKERS - 1)
        def _():
            pltpu.sync_copy(
                acc.at[pl.ds(slab, NODES_PER_WORKER)],
                out_hbm.at[pl.ds(n0, NODES_PER_WORKER)],
            )

        @pl.when(wid == N_WORKERS - 1)
        def _():
            pltpu.sync_copy(
                acc.at[pl.ds(slab, last_rows)],
                out_hbm.at[pl.ds(n0, last_rows)],
            )

    return body(i, idx, cuts)


def kernel(i, idx_i, p):
    n_nodes, n_feat = p.shape
    idx = idx_i.astype(jnp.int32)
    bounds = jnp.arange(N_WORKERS + 1, dtype=jnp.int32) * NODES_PER_WORKER
    cuts = jnp.sum((idx[:, None] < bounds[None, :]).astype(jnp.int32), axis=0)
    params = jnp.concatenate(
        [cuts[:N_WORKERS, None], cuts[1:, None],
         jnp.zeros((N_WORKERS, 14), jnp.int32)],
        axis=1,
    ).reshape(N_WORKERS * 16)
    return _sc_segment_sum(i, idx, params, n_nodes, n_feat)

# --- scband reference (transcript-rebuilt; emitter-appended) ---
"""Pipeline reference for scband-iplayer-41781441856160 (READ-ONLY COPY).

The authoritative reference and input builder live on the scoring server;
editing this copy changes nothing except your own understanding.
"""

import jax, jax.numpy as jnp
import numpy as np

N_EDGES = 320000
N_NODES = 10000
D = 128

def setup_inputs(seed: int = 0) -> dict:
    key = jax.random.key(seed)
    k1, k2 = jax.random.split(key)
    i = jax.random.normal(k1, (N_EDGES, D), dtype=jnp.float32)
    idx_i = jnp.sort(jax.random.randint(k2, (N_EDGES,), 0, N_NODES, dtype=jnp.int32))
    p = jnp.zeros((N_NODES, D), dtype=jnp.float32)
    return {"i": i, "idx_i": idx_i, "p": p}

def reference(i, idx_i, p):
    # Faithful translation of IPLayer.forward:
    #   maxm = p.shape[0]; p = scatter_add(i, idx_i, dim=0, dim_size=maxm)
    maxm = p.shape[0]
    out = jax.ops.segment_sum(i, idx_i, num_segments=maxm)
    return out

if __name__ == "__main__":
    import jax
    _d = setup_inputs()
    print(jax.jit(kernel)(*tuple(_d.values())))

</pallas_src>

<mosaic_0001>
#map = affine_map<(d0, d1) -> (0, 0)>
#map1 = affine_map<(d0, d1) -> (0)>
module attributes {stable_mosaic.version = 14 : i64} {
  func.func @body(%arg0: i32, %arg1: i32, %arg2: memref<320000x128xf32, #tpu.memory_space<hbm>>, %arg3: memref<320000xi32, #tpu.memory_space<hbm>>, %arg4: memref<512xi32, #tpu.memory_space<hbm>>, %arg5: memref<10000x128xf32, #tpu.memory_space<hbm>>, %arg6: memref<256x128xf32, #tpu.memory_space<vmem>>, %arg7: memref<256x128xf32, #tpu.memory_space<vmem>>, %arg8: memref<256xi32, #tpu.memory_space<vmem>>, %arg9: memref<256xi32, #tpu.memory_space<vmem>>, %arg10: memref<2x128xi32, #tpu.memory_space<vmem>>, %arg11: memref<2x128xi32, #tpu.memory_space<vmem>>, %arg12: memref<16xi32, #tpu.memory_space<vmem>>, %arg13: memref<5248x128xf32, #tpu.memory_space<vmem_shared>>, %arg14: memref<!tpu.dma_semaphore, #tpu.memory_space<semaphore_mem>>, %arg15: memref<!tpu.dma_semaphore, #tpu.memory_space<semaphore_mem>>, %arg16: memref<!tpu.dma_semaphore, #tpu.memory_space<semaphore_mem>>, %arg17: memref<!tpu.dma_semaphore, #tpu.memory_space<semaphore_mem>>) attributes {dimension_semantics = [#tpu.dimension_semantics<core_parallel>, #tpu.dimension_semantics<subcore_parallel>], iteration_bounds = array<i64: 2, 16>, scalar_prefetch = 0 : i64, scratch_operands = 12 : i64, tpu.core_type = #tpu.core_type<sc_vector_subcore>, window_params = [{transform_indices = #map}, {transform_indices = #map1}, {transform_indices = #map1}, {transform_indices = #map}]} {
    %mul3A = arith.constant 16 : i32
    %mul3A_0 = arith.muli %arg0, %mul3A : i32
    %add3A = arith.addi %mul3A_0, %arg1 : i32
    %mul3A_1 = arith.constant 328 : i32
    %mul3A_2 = arith.muli %arg1, %mul3A_1 : i32
    %multiple_of3A = tpu.assume_multiple %mul3A_2, 8 : i32
    %mul3A_3 = arith.constant 16 : i32
    %mul3A_4 = arith.muli %add3A, %mul3A_3 : i32
    %multiple_of3A_5 = tpu.assume_multiple %mul3A_4, 8 : i32
    "tpu.region"() ({
      %run_scoped3A = tpu.sem_alloc : memref<!tpu.dma_semaphore, #tpu.memory_space<semaphore_mem>>
      %dma_start3A = tpu.memref_slice %arg4[%multiple_of3A_5] : memref<512xi32, #tpu.memory_space<hbm>> -> memref<16xi32, #tpu.memory_space<hbm>>
      %dma_start3A_74 = tpu.memref_slice %arg4[%multiple_of3A_5] : memref<512xi32, #tpu.memory_space<hbm>> -> memref<16xi32, #tpu.memory_space<hbm>>
      tpu.enqueue_dma source(%dma_start3A_74 : memref<16xi32, #tpu.memory_space<hbm>>) target(%arg12 : memref<16xi32, #tpu.memory_space<vmem>>) target_semaphore(%run_scoped3A : memref<!tpu.dma_semaphore, #tpu.memory_space<semaphore_mem>>)
      %dma_wait3A = tpu.memref_slice %arg4[%multiple_of3A_5] : memref<512xi32, #tpu.memory_space<hbm>> -> memref<16xi32, #tpu.memory_space<hbm>>
      %dma_wait3A_75 = tpu.memref_slice %arg4[%multiple_of3A_5] : memref<512xi32, #tpu.memory_space<hbm>> -> memref<16xi32, #tpu.memory_space<hbm>>
      tpu.wait_dma2 semaphore(%run_scoped3A : memref<!tpu.dma_semaphore, #tpu.memory_space<semaphore_mem>>) src(%dma_wait3A_75 : memref<16xi32, #tpu.memory_space<hbm>>) dst(%arg12 : memref<16xi32, #tpu.memory_space<vmem>>)
      tpu.yield
    }) : () -> ()
    %get3A = arith.constant 0 : index
    %get3A_6 = tpu.vector_load %arg12[%get3A] {strides = array<i32>} : memref<16xi32, #tpu.memory_space<vmem>>, vector<16xi32>,
    %get3A_7 = vector.shape_cast %get3A_6 : vector<16xi32> to vector<16xi32>
    %mul3A_8 = arith.constant 320 : i32
    %mul3A_9 = arith.muli %add3A, %mul3A_8 : i32
    %multiple_of3A_10 = tpu.assume_multiple %mul3A_9, 8 : i32
    %slice3A = vector.extract_strided_slice %get3A_7 {offsets = [0], sizes = [1], strides = [1]} : vector<16xi32> to vector<1xi32>
    %squeeze3A = vector.extract %slice3A[0] : i32 from vector<1xi32>
    %shift_right_logical3A = arith.constant 8 : i32
    %shift_right_logical3A_11 = arith.shrui %squeeze3A, %shift_right_logical3A : i32
    %slice3A_12 = vector.extract_strided_slice %get3A_7 {offsets = [1], sizes = [1], strides = [1]} : vector<16xi32> to vector<1xi32>
    %squeeze3A_13 = vector.extract %slice3A_12[0] : i32 from vector<1xi32>
    %add3A_14 = arith.constant 255 : i32
    %add3A_15 = arith.addi %squeeze3A_13, %add3A_14 : i32
    %shift_right_logical3A_16 = arith.constant 8 : i32
    %shift_right_logical3A_17 = arith.shrui %add3A_15, %shift_right_logical3A_16 : i32
    %sub3A = arith.subi %shift_right_logical3A_17, %shift_right_logical3A_11 : i32
    %gt3A = arith.constant 0 : i32
    %gt3A_18 = arith.cmpi sgt, %sub3A, %gt3A : i32
    %convert_element_type3A = arith.extui %gt3A_18 : i1 to i32
    %cond3A = arith.constant 0 : i32
    %cond3A_19 = arith.cmpi ne, %convert_element_type3A, %cond3A : i32
    scf.if %cond3A_19 {
      %mul3A_74 = arith.constant 256 : i32
      %mul3A_75 = arith.muli %shift_right_logical3A_11, %mul3A_74 : i32
      %multiple_of3A_76 = tpu.assume_multiple %mul3A_75, 8 : i32
      %dma_start3A = arith.constant 0 : i32
      %dma_start3A_77 = tpu.memref_slice %arg2[%multiple_of3A_76, %dma_start3A] : memref<320000x128xf32, #tpu.memory_space<hbm>> -> memref<256x128xf32, #tpu.memory_space<hbm>>
      %dma_start3A_78 = arith.constant 0 : i32
      %dma_start3A_79 = tpu.memref_slice %arg2[%multiple_of3A_76, %dma_start3A_78] : memref<320000x128xf32, #tpu.memory_space<hbm>> -> memref<256x128xf32, #tpu.memory_space<hbm>>
      tpu.enqueue_dma source(%dma_start3A_79 : memref<256x128xf32, #tpu.memory_space<hbm>>) target(%arg6 : memref<256x128xf32, #tpu.memory_space<vmem>>) target_semaphore(%arg14 : memref<!tpu.dma_semaphore, #tpu.memory_space<semaphore_mem>>)
      %dma_start3A_80 = tpu.memref_slice %arg3[%multiple_of3A_76] : memref<320000xi32, #tpu.memory_space<hbm>> -> memref<256xi32, #tpu.memory_space<hbm>>
      %dma_start3A_81 = tpu.memref_slice %arg3[%multiple_of3A_76] : memref<320000xi32, #tpu.memory_space<hbm>> -> memref<256xi32, #tpu.memory_space<hbm>>
      tpu.enqueue_dma source(%dma_start3A_81 : memref<256xi32, #tpu.memory_space<hbm>>) target(%arg8 : memref<256xi32, #tpu.memory_space<vmem>>) target_semaphore(%arg14 : memref<!tpu.dma_semaphore, #tpu.memory_space<semaphore_mem>>)
    } else {
    }
    %scan3A = arith.constant 0 : i32
    %scan3A_20 = arith.constant 0 : i32
    %scan3A_21 = arith.constant 256 : i32
    %scan3A_22 = arith.addi %scan3A_20, %scan3A_21 : i32
    %scan3A_23 = arith.constant 1 : i32
    scf.for %scan3A_74 = %scan3A_20 to %scan3A_22 step %scan3A_23  : i32 {
      %broadcast_in_dim3A = arith.constant 0.000000e+00 : f32
      %broadcast_in_dim3A_75 = vector.broadcast %broadcast_in_dim3A : f32 to vector<16xf32>
      %swap3A = arith.index_cast %scan3A_74 : i32 to index
      %swap3A_76 = arith.constant 0 : index
      %swap3A_77 = tpu.vector_load %arg7[%swap3A, %swap3A_76] {strides = array<i32>} : memref<256x128xf32, #tpu.memory_space<vmem>>, vector<1x16xf32>,
      %swap3A_78 = vector.shape_cast %swap3A_77 : vector<1x16xf32> to vector<16xf32>
      %swap3A_79 = vector.shape_cast %broadcast_in_dim3A_75 : vector<16xf32> to vector<1x16xf32>
      tpu.vector_store %arg7[%swap3A, %swap3A_76], %swap3A_79 {strides = array<i32>} : memref<256x128xf32, #tpu.memory_space<vmem>>, vector<1x16xf32>,
      %broadcast_in_dim3A_80 = arith.constant 0.000000e+00 : f32
      %broadcast_in_dim3A_81 = vector.broadcast %broadcast_in_dim3A_80 : f32 to vector<16xf32>
      %swap3A_82 = arith.index_cast %scan3A_74 : i32 to index
      %swap3A_83 = arith.constant 16 : index
      %swap3A_84 = tpu.vector_load %arg7[%swap3A_82, %swap3A_83] {strides = array<i32>} : memref<256x128xf32, #tpu.memory_space<vmem>>, vector<1x16xf32>,
      %swap3A_85 = vector.shape_cast %swap3A_84 : vector<1x16xf32> to vector<16xf32>
      %swap3A_86 = vector.shape_cast %broadcast_in_dim3A_81 : vector<16xf32> to vector<1x16xf32>
      tpu.vector_store %arg7[%swap3A_82, %swap3A_83], %swap3A_86 {strides = array<i32>} : memref<256x128xf32, #tpu.memory_space<vmem>>, vector<1x16xf32>,
      %broadcast_in_dim3A_87 = arith.constant 0.000000e+00 : f32
      %broadcast_in_dim3A_88 = vector.broadcast %broadcast_in_dim3A_87 : f32 to vector<16xf32>
      %swap3A_89 = arith.index_cast %scan3A_74 : i32 to index
      %swap3A_90 = arith.constant 32 : index
      %swap3A_91 = tpu.vector_load %arg7[%swap3A_89, %swap3A_90] {strides = array<i32>} : memref<256x128xf32, #tpu.memory_space<vmem>>, vector<1x16xf32>,
      %swap3A_92 = vector.shape_cast %swap3A_91 : vector<1x16xf32> to vector<16xf32>
      %swap3A_93 = vector.shape_cast %broadcast_in_dim3A_88 : vector<16xf32> to vector<1x16xf32>
      tpu.vector_store %arg7[%swap3A_89, %swap3A_90], %swap3A_93 {strides = array<i32>} : memref<256x128xf32, #tpu.memory_space<vmem>>, vector<1x16xf32>,
      %broadcast_in_dim3A_94 = arith.constant 0.000000e+00 : f32
      %broadcast_in_dim3A_95 = vector.broadcast %broadcast_in_dim3A_94 : f32 to vector<16xf32>
      %swap3A_96 = arith.index_cast %scan3A_74 : i32 to index
      %swap3A_97 = arith.constant 48 : index
      %swap3A_98 = tpu.vector_load %arg7[%swap3A_96, %swap3A_97] {strides = array<i32>} : memref<256x128xf32, #tpu.memory_space<vmem>>, vector<1x16xf32>,
      %swap3A_99 = vector.shape_cast %swap3A_98 : vector<1x16xf32> to vector<16xf32>
      %swap3A_100 = vector.shape_cast %broadcast_in_dim3A_95 : vector<16xf32> to vector<1x16xf32>
      tpu.vector_store %arg7[%swap3A_96, %swap3A_97], %swap3A_100 {strides = array<i32>} : memref<256x128xf32, #tpu.memory_space<vmem>>, vector<1x16xf32>,
      %broadcast_in_dim3A_101 = arith.constant 0.000000e+00 : f32
      %broadcast_in_dim3A_102 = vector.broadcast %broadcast_in_dim3A_101 : f32 to vector<16xf32>
      %swap3A_103 = arith.index_cast %scan3A_74 : i32 to index
      %swap3A_104 = arith.constant 64 : index
      %swap3A_105 = tpu.vector_load %arg7[%swap3A_103, %swap3A_104] {strides = array<i32>} : memref<256x128xf32, #tpu.memory_space<vmem>>, vector<1x16xf32>,
      %swap3A_106 = vector.shape_cast %swap3A_105 : vector<1x16xf32> to vector<16xf32>
      %swap3A_107 = vector.shape_cast %broadcast_in_dim3A_102 : vector<16xf32> to vector<1x16xf32>
      tpu.vector_store %arg7[%swap3A_103, %swap3A_104], %swap3A_107 {strides = array<i32>} : memref<256x128xf32, #tpu.memory_space<vmem>>, vector<1x16xf32>,
      %broadcast_in_dim3A_108 = arith.constant 0.000000e+00 : f32
      %broadcast_in_dim3A_109 = vector.broadcast %broadcast_in_dim3A_108 : f32 to vector<16xf32>
      %swap3A_110 = arith.index_cast %scan3A_74 : i32 to index
      %swap3A_111 = arith.constant 80 : index
      %swap3A_112 = tpu.vector_load %arg7[%swap3A_110, %swap3A_111] {strides = array<i32>} : memref<256x128xf32, #tpu.memory_space<vmem>>, vector<1x16xf32>,
      %swap3A_113 = vector.shape_cast %swap3A_112 : vector<1x16xf32> to vector<16xf32>
      %swap3A_114 = vector.shape_cast %broadcast_in_dim3A_109 : vector<16xf32> to vector<1x16xf32>
      tpu.vector_store %arg7[%swap3A_110, %swap3A_111], %swap3A_114 {strides = array<i32>} : memref<256x128xf32, #tpu.memory_space<vmem>>, vector<1x16xf32>,
      %broadcast_in_dim3A_115 = arith.constant 0.000000e+00 : f32
      %broadcast_in_dim3A_116 = vector.broadcast %broadcast_in_dim3A_115 : f32 to vector<16xf32>
      %swap3A_117 = arith.index_cast %scan3A_74 : i32 to index
      %swap3A_118 = arith.constant 96 : index
      %swap3A_119 = tpu.vector_load %arg7[%swap3A_117, %swap3A_118] {strides = array<i32>} : memref<256x128xf32, #tpu.memory_space<vmem>>, vector<1x16xf32>,
      %swap3A_120 = vector.shape_cast %swap3A_119 : vector<1x16xf32> to vector<16xf32>
      %swap3A_121 = vector.shape_cast %broadcast_in_dim3A_116 : vector<16xf32> to vector<1x16xf32>
      tpu.vector_store %arg7[%swap3A_117, %swap3A_118], %swap3A_121 {strides = array<i32>} : memref<256x128xf32, #tpu.memory_space<vmem>>, vector<1x16xf32>,
      %broadcast_in_dim3A_122 = arith.constant 0.000000e+00 : f32
      %broadcast_in_dim3A_123 = vector.broadcast %broadcast_in_dim3A_122 : f32 to vector<16xf32>
      %swap3A_124 = arith.index_cast %scan3A_74 : i32 to index
      %swap3A_125 = arith.constant 112 : index
      %swap3A_126 = tpu.vector_load %arg7[%swap3A_124, %swap3A_125] {strides = array<i32>} : memref<256x128xf32, #tpu.memory_space<vmem>>, vector<1x16xf32>,
      %swap3A_127 = vector.shape_cast %swap3A_126 : vector<1x16xf32> to vector<16xf32>
      %swap3A_128 = vector.shape_cast %broadcast_in_dim3A_123 : vector<16xf32> to vector<1x16xf32>
      tpu.vector_store %arg7[%swap3A_124, %swap3A_125], %swap3A_128 {strides = array<i32>} : memref<256x128xf32, #tpu.memory_space<vmem>>, vector<1x16xf32>,
    }
    %scan3A_24 = arith.constant 256 : i32
    "tpu.region"() ({
      %run_scoped3A = tpu.sem_alloc : memref<!tpu.dma_semaphore, #tpu.memory_space<semaphore_mem>>
      %dma_start3A = arith.constant 0 : i32
      %dma_start3A_74 = tpu.memref_slice %arg13[%multiple_of3A, %dma_start3A] : memref<5248x128xf32, #tpu.memory_space<vmem_shared>> -> memref<256x128xf32, #tpu.memory_space<vmem_shared>>
      %dma_start3A_75 = arith.constant 0 : i32
      %dma_start3A_76 = tpu.memref_slice %arg13[%multiple_of3A, %dma_start3A_75] : memref<5248x128xf32, #tpu.memory_space<vmem_shared>> -> memref<256x128xf32, #tpu.memory_space<vmem_shared>>
      tpu.enqueue_dma source(%arg7 : memref<256x128xf32, #tpu.memory_space<vmem>>) target(%dma_start3A_76 : memref<256x128xf32, #tpu.memory_space<vmem_shared>>) target_semaphore(%run_scoped3A : memref<!tpu.dma_semaphore, #tpu.memory_space<semaphore_mem>>)
      %dma_wait3A = arith.constant 0 : i32
      %dma_wait3A_77 = tpu.memref_slice %arg13[%multiple_of3A, %dma_wait3A] : memref<5248x128xf32, #tpu.memory_space<vmem_shared>> -> memref<256x128xf32, #tpu.memory_space<vmem_shared>>
      %dma_wait3A_78 = arith.constant 0 : i32
      %dma_wait3A_79 = tpu.memref_slice %arg13[%multiple_of3A, %dma_wait3A_78] : memref<5248x128xf32, #tpu.memory_space<vmem_shared>> -> memref<256x128xf32, #tpu.memory_space<vmem_shared>>
      tpu.wait_dma2 semaphore(%run_scoped3A : memref<!tpu.dma_semaphore, #tpu.memory_space<semaphore_mem>>) src(%arg7 : memref<256x128xf32, #tpu.memory_space<vmem>>) dst(%dma_wait3A_79 : memref<256x128xf32, #tpu.memory_space<vmem_shared>>)
      tpu.yield
    }) : () -> ()
    %add3A_25 = arith.constant 256 : i32
    %add3A_26 = arith.addi %multiple_of3A, %add3A_25 : i32
    "tpu.region"() ({
      %run_scoped3A = tpu.sem_alloc : memref<!tpu.dma_semaphore, #tpu.memory_space<semaphore_mem>>
      %dma_start3A = arith.constant 0 : i32
      %dma_start3A_74 = arith.constant 0 : i32
      %dma_start3A_75 = tpu.memref_slice %arg7[%dma_start3A, %dma_start3A_74] : memref<256x128xf32, #tpu.memory_space<vmem>> -> memref<72x128xf32, #tpu.memory_space<vmem>>
      %dma_start3A_76 = arith.constant 0 : i32
      %dma_start3A_77 = tpu.memref_slice %arg13[%add3A_26, %dma_start3A_76] : memref<5248x128xf32, #tpu.memory_space<vmem_shared>> -> memref<72x128xf32, #tpu.memory_space<vmem_shared>>
      %dma_start3A_78 = arith.constant 0 : i32
      %dma_start3A_79 = tpu.memref_slice %arg13[%add3A_26, %dma_start3A_78] : memref<5248x128xf32, #tpu.memory_space<vmem_shared>> -> memref<72x128xf32, #tpu.memory_space<vmem_shared>>
      %dma_start3A_80 = arith.constant 0 : i32
      %dma_start3A_81 = arith.constant 0 : i32
      %dma_start3A_82 = tpu.memref_slice %arg7[%dma_start3A_80, %dma_start3A_81] : memref<256x128xf32, #tpu.memory_space<vmem>> -> memref<72x128xf32, #tpu.memory_space<vmem>>
      tpu.enqueue_dma source(%dma_start3A_82 : memref<72x128xf32, #tpu.memory_space<vmem>>) target(%dma_start3A_79 : memref<72x128xf32, #tpu.memory_space<vmem_shared>>) target_semaphore(%run_scoped3A : memref<!tpu.dma_semaphore, #tpu.memory_space<semaphore_mem>>)
      %dma_wait3A = arith.constant 0 : i32
      %dma_wait3A_83 = arith.constant 0 : i32
      %dma_wait3A_84 = tpu.memref_slice %arg7[%dma_wait3A, %dma_wait3A_83] : memref<256x128xf32, #tpu.memory_space<vmem>> -> memref<72x128xf32, #tpu.memory_space<vmem>>
      %dma_wait3A_85 = arith.constant 0 : i32
      %dma_wait3A_86 = tpu.memref_slice %arg13[%add3A_26, %dma_wait3A_85] : memref<5248x128xf32, #tpu.memory_space<vmem_shared>> -> memref<72x128xf32, #tpu.memory_space<vmem_shared>>
      %dma_wait3A_87 = arith.constant 0 : i32
      %dma_wait3A_88 = tpu.memref_slice %arg13[%add3A_26, %dma_wait3A_87] : memref<5248x128xf32, #tpu.memory_space<vmem_shared>> -> memref<72x128xf32, #tpu.memory_space<vmem_shared>>
      %dma_wait3A_89 = arith.constant 0 : i32
      %dma_wait3A_90 = arith.constant 0 : i32
      %dma_wait3A_91 = tpu.memref_slice %arg7[%dma_wait3A_89, %dma_wait3A_90] : memref<256x128xf32, #tpu.memory_space<vmem>> -> memref<72x128xf32, #tpu.memory_space<vmem>>
      tpu.wait_dma2 semaphore(%run_scoped3A : memref<!tpu.dma_semaphore, #tpu.memory_space<semaphore_mem>>) src(%dma_wait3A_91 : memref<72x128xf32, #tpu.memory_space<vmem>>) dst(%dma_wait3A_88 : memref<72x128xf32, #tpu.memory_space<vmem_shared>>)
      tpu.yield
    }) : () -> ()
    %sub3A_27 = arith.subi %multiple_of3A_10, %multiple_of3A : i32
    %add3A_28 = arith.constant 1 : i32
    %add3A_29 = arith.addi %sub3A, %add3A_28 : i32
    %jit3A = arith.constant 2 : i32
    %div3A = arith.divsi %add3A_29, %jit3A : i32
    %sign3A = arith.constant 0 : i32
    %sign3A_30 = arith.cmpi sgt, %add3A_29, %sign3A : i32
    %sign3A_31 = arith.extui %sign3A_30 : i1 to i32
    %sign3A_32 = arith.constant 0 : i32
    %sign3A_33 = arith.cmpi slt, %add3A_29, %sign3A_32 : i32
    %sign3A_34 = arith.extui %sign3A_33 : i1 to i32
    %sign3A_35 = arith.subi %sign3A_31, %sign3A_34 : i32
    %sign3A_36 = arith.constant 0 : i32
    %sign3A_37 = arith.cmpi sgt, %jit3A, %sign3A_36 : i32
    %sign3A_38 = arith.extui %sign3A_37 : i1 to i32
    %sign3A_39 = arith.constant 0 : i32
    %sign3A_40 = arith.cmpi slt, %jit3A, %sign3A_39 : i32
    %sign3A_41 = arith.extui %sign3A_40 : i1 to i32
    %sign3A_42 = arith.subi %sign3A_38, %sign3A_41 : i32
    %ne3A = arith.cmpi ne, %sign3A_35, %sign3A_42 : i32
    %rem3A = arith.remsi %add3A_29, %jit3A : i32
    %ne3A_43 = arith.constant 0 : i32
    %ne3A_44 = arith.cmpi ne, %rem3A, %ne3A_43 : i32
    %and3A = arith.andi %ne3A, %ne3A_44 : i1
    %sub3A_45 = arith.constant 1 : i32
    %sub3A_46 = arith.subi %div3A, %sub3A_45 : i32
    %select_n3A = arith.select %and3A, %sub3A_46, %div3A : i32
    %while3A = arith.constant 0 : i32
    %while3A_47 = arith.constant 0 : i32
    %while3A_48 = arith.subi %select_n3A, %while3A_47 : i32
    %while3A_49 = arith.addi %while3A_47, %while3A_48 : i32
    %while3A_50 = arith.constant 1 : i32
    %while3A_51 = arith.divsi %while3A_48, %while3A_50 : i32
    %while3A_52 = arith.muli %while3A_51, %while3A_50 : i32
    %while3A_53 = arith.addi %while3A_47, %while3A_52 : i32
    %while3A_54 = arith.constant 1 : i32
    scf.for %while3A_74 = %while3A_47 to %while3A_53 step %while3A_54  : i32 {
      %mul3A_75 = arith.constant 2 : i32
      %mul3A_76 = arith.muli %mul3A_75, %while3A_74 : i32
      %add3A_77 = arith.addi %shift_right_logical3A_11, %mul3A_76 : i32
      %mul3A_78 = arith.constant 256 : i32
      %mul3A_79 = arith.muli %add3A_77, %mul3A_78 : i32
      %multiple_of3A_80 = tpu.assume_multiple %mul3A_79, 8 : i32
      %dma_wait3A = arith.constant 0 : i32
      %dma_wait3A_81 = tpu.memref_slice %arg2[%multiple_of3A_80, %dma_wait3A] : memref<320000x128xf32, #tpu.memory_space<hbm>> -> memref<256x128xf32, #tpu.memory_space<hbm>>
      %dma_wait3A_82 = arith.constant 0 : i32
      %dma_wait3A_83 = tpu.memref_slice %arg2[%multiple_of3A_80, %dma_wait3A_82] : memref<320000x128xf32, #tpu.memory_space<hbm>> -> memref<256x128xf32, #tpu.memory_space<hbm>>
      tpu.wait_dma2 semaphore(%arg14 : memref<!tpu.dma_semaphore, #tpu.memory_space<semaphore_mem>>) src(%dma_wait3A_83 : memref<256x128xf32, #tpu.memory_space<hbm>>) dst(%arg6 : memref<256x128xf32, #tpu.memory_space<vmem>>)
      %dma_wait3A_84 = tpu.memref_slice %arg3[%multiple_of3A_80] : memref<320000xi32, #tpu.memory_space<hbm>> -> memref<256xi32, #tpu.memory_space<hbm>>
      %dma_wait3A_85 = tpu.memref_slice %arg3[%multiple_of3A_80] : memref<320000xi32, #tpu.memory_space<hbm>> -> memref<256xi32, #tpu.memory_space<hbm>>
      tpu.wait_dma2 semaphore(%arg14 : memref<!tpu.dma_semaphore, #tpu.memory_space<semaphore_mem>>) src(%dma_wait3A_85 : memref<256xi32, #tpu.memory_space<hbm>>) dst(%arg8 : memref<256xi32, #tpu.memory_space<vmem>>)
      %get3A_86 = arith.constant 0 : index
      %get3A_87 = tpu.vector_load %arg8[%get3A_86] {strides = array<i32>} : memref<256xi32, #tpu.memory_space<vmem>>, vector<16xi32>,
      %get3A_88 = vector.shape_cast %get3A_87 : vector<16xi32> to vector<16xi32>
      %ge3A_89 = vector.broadcast %multiple_of3A_10 : i32 to vector<16xi32>
      %ge3A_90 = arith.cmpi sge, %get3A_88, %ge3A_89 : vector<16xi32>
      %add3A_91 = arith.constant 320 : i32
      %add3A_92 = arith.addi %multiple_of3A_10, %add3A_91 : i32
      %lt3A = vector.broadcast %add3A_92 : i32 to vector<16xi32>
      %lt3A_93 = arith.cmpi slt, %get3A_88, %lt3A : vector<16xi32>
      %and3A_94 = arith.andi %ge3A_90, %lt3A_93 : vector<16xi1>
      %sub3A_95 = vector.broadcast %sub3A_27 : i32 to vector<16xi32>
      %sub3A_96 = arith.subi %get3A_88, %sub3A_95 : vector<16xi32>
      %add3A_97 = arith.constant 327 : i32
      %add3A_98 = arith.addi %multiple_of3A, %add3A_97 : i32
      %broadcast_in_dim3A = vector.broadcast %add3A_98 : i32 to vector<16xi32>
      %select_n3A_99 = arith.select %and3A_94, %sub3A_96, %broadcast_in_dim3A : vector<16xi1>, vector<16xi32>
      %swap3A = arith.constant 0 : i32
      %swap3A_100 = arith.index_cast %swap3A : i32 to index
      %swap3A_101 = arith.constant 0 : index
      %swap3A_102 = tpu.vector_load %arg10[%swap3A_100, %swap3A_101] {strides = array<i32>} : memref<2x128xi32, #tpu.memory_space<vmem>>, vector<1x16xi32>,
      %swap3A_103 = vector.shape_cast %swap3A_102 : vector<1x16xi32> to vector<16xi32>
      %swap3A_104 = vector.shape_cast %select_n3A_99 : vector<16xi32> to vector<1x16xi32>
      tpu.vector_store %arg10[%swap3A_100, %swap3A_101], %swap3A_104 {strides = array<i32>} : memref<2x128xi32, #tpu.memory_space<vmem>>, vector<1x16xi32>,
      %get3A_105 = arith.constant 16 : index
      %get3A_106 = tpu.vector_load %arg8[%get3A_105] {strides = array<i32>} : memref<256xi32, #tpu.memory_space<vmem>>, vector<16xi32>,
      %get3A_107 = vector.shape_cast %get3A_106 : vector<16xi32> to vector<16xi32>
      %ge3A_108 = vector.broadcast %multiple_of3A_10 : i32 to vector<16xi32>
      %ge3A_109 = arith.cmpi sge, %get3A_107, %ge3A_108 : vector<16xi32>
      %add3A_110 = arith.constant 320 : i32
      %add3A_111 = arith.addi %multiple_of3A_10, %add3A_110 : i32
      %lt3A_112 = vector.broadcast %add3A_111 : i32 to vector<16xi32>
      %lt3A_113 = arith.cmpi slt, %get3A_107, %lt3A_112 : vector<16xi32>
      %and3A_114 = arith.andi %ge3A_109, %lt3A_113 : vector<16xi1>
      %sub3A_115 = vector.broadcast %sub3A_27 : i32 to vector<16xi32>
      %sub3A_116 = arith.subi %get3A_107, %sub3A_115 : vector<16xi32>
      %add3A_117 = arith.constant 327 : i32
      %add3A_118 = arith.addi %multiple_of3A, %add3A_117 : i32
      %broadcast_in_dim3A_119 = vector.broadcast %add3A_118 : i32 to vector<16xi32>
      %select_n3A_120 = arith.select %and3A_114, %sub3A_116, %broadcast_in_dim3A_119 : vector<16xi1>, vector<16xi32>
      %swap3A_121 = arith.constant 0 : i32
      %swap3A_122 = arith.index_cast %swap3A_121 : i32 to index
      %swap3A_123 = arith.constant 16 : index
      %swap3A_124 = tpu.vector_load %arg10[%swap3A_122, %swap3A_123] {strides = array<i32>} : memref<2x128xi32, #tpu.memory_space<vmem>>, vector<1x16xi32>,
      %swap3A_125 = vector.shape_cast %swap3A_124 : vector<1x16xi32> to vector<16xi32>
      %swap3A_126 = vector.shape_cast %select_n3A_120 : vector<16xi32> to vector<1x16xi32>
      tpu.vector_store %arg10[%swap3A_122, %swap3A_123], %swap3A_126 {strides = array<i32>} : memref<2x128xi32, #tpu.memory_space<vmem>>, vector<1x16xi32>,
      %get3A_127 = arith.constant 32 : index
      %get3A_128 = tpu.vector_load %arg8[%get3A_127] {strides = array<i32>} : memref<256xi32, #tpu.memory_space<vmem>>, vector<16xi32>,
      %get3A_129 = vector.shape_cast %get3A_128 : vector<16xi32> to vector<16xi32>
      %ge3A_130 = vector.broadcast %multiple_of3A_10 : i32 to vector<16xi32>
      %ge3A_131 = arith.cmpi sge, %get3A_129, %ge3A_130 : vector<16xi32>
      %add3A_132 = arith.constant 320 : i32
      %add3A_133 = arith.addi %multiple_of3A_10, %add3A_132 : i32
      %lt3A_134 = vector.broadcast %add3A_133 : i32 to vector<16xi32>
      %lt3A_135 = arith.cmpi slt, %get3A_129, %lt3A_134 : vector<16xi32>
      %and3A_136 = arith.andi %ge3A_131, %lt3A_135 : vector<16xi1>
      %sub3A_137 = vector.broadcast %sub3A_27 : i32 to vector<16xi32>
      %sub3A_138 = arith.subi %get3A_129, %sub3A_137 : vector<16xi32>
      %add3A_139 = arith.constant 327 : i32
      %add3A_140 = arith.addi %multiple_of3A, %add3A_139 : i32
      %broadcast_in_dim3A_141 = vector.broadcast %add3A_140 : i32 to vector<16xi32>
      %select_n3A_142 = arith.select %and3A_136, %sub3A_138, %broadcast_in_dim3A_141 : vector<16xi1>, vector<16xi32>
      %swap3A_143 = arith.constant 0 : i32
      %swap3A_144 = arith.index_cast %swap3A_143 : i32 to index
      %swap3A_145 = arith.constant 32 : index
      %swap3A_146 = tpu.vector_load %arg10[%swap3A_144, %swap3A_145] {strides = array<i32>} : memref<2x128xi32, #tpu.memory_space<vmem>>, vector<1x16xi32>,
      %swap3A_147 = vector.shape_cast %swap3A_146 : vector<1x16xi32> to vector<16xi32>
      %swap3A_148 = vector.shape_cast %select_n3A_142 : vector<16xi32> to vector<1x16xi32>
      tpu.vector_store %arg10[%swap3A_144, %swap3A_145], %swap3A_148 {strides = array<i32>} : memref<2x128xi32, #tpu.memory_space<vmem>>, vector<1x16xi32>,
      %get3A_149 = arith.constant 48 : index
      %get3A_150 = tpu.vector_load %arg8[%get3A_149] {strides = array<i32>} : memref<256xi32, #tpu.memory_space<vmem>>, vector<16xi32>,
      %get3A_151 = vector.shape_cast %get3A_150 : vector<16xi32> to vector<16xi32>
      %ge3A_152 = vector.broadcast %multiple_of3A_10 : i32 to vector<16xi32>
      %ge3A_153 = arith.cmpi sge, %get3A_151, %ge3A_152 : vector<16xi32>
      %add3A_154 = arith.constant 320 : i32
      %add3A_155 = arith.addi %multiple_of3A_10, %add3A_154 : i32
      %lt3A_156 = vector.broadcast %add3A_155 : i32 to vector<16xi32>
      %lt3A_157 = arith.cmpi slt, %get3A_151, %lt3A_156 : vector<16xi32>
      %and3A_158 = arith.andi %ge3A_153, %lt3A_157 : vector<16xi1>
      %sub3A_159 = vector.broadcast %sub3A_27 : i32 to vector<16xi32>
      %sub3A_160 = arith.subi %get3A_151, %sub3A_159 : vector<16xi32>
      %add3A_161 = arith.constant 327 : i32
      %add3A_162 = arith.addi %multiple_of3A, %add3A_161 : i32
      %broadcast_in_dim3A_163 = vector.broadcast %add3A_162 : i32 to vector<16xi32>
      %select_n3A_164 = arith.select %and3A_158, %sub3A_160, %broadcast_in_dim3A_163 : vector<16xi1>, vector<16xi32>
      %swap3A_165 = arith.constant 0 : i32
      %swap3A_166 = arith.index_cast %swap3A_165 : i32 to index
      %swap3A_167 = arith.constant 48 : index
      %swap3A_168 = tpu.vector_load %arg10[%swap3A_166, %swap3A_167] {strides = array<i32>} : memref<2x128xi32, #tpu.memory_space<vmem>>, vector<1x16xi32>,
      %swap3A_169 = vector.shape_cast %swap3A_168 : vector<1x16xi32> to vector<16xi32>
      %swap3A_170 = vector.shape_cast %select_n3A_164 : vector<16xi32> to vector<1x16xi32>
      tpu.vector_store %arg10[%swap3A_166, %swap3A_167], %swap3A_170 {strides = array<i32>} : memref<2x128xi32, #tpu.memory_space<vmem>>, vector<1x16xi32>,
      %get3A_171 = arith.constant 64 : index
      %get3A_172 = tpu.vector_load %arg8[%get3A_171] {strides = array<i32>} : memref<256xi32, #tpu.memory_space<vmem>>, vector<16xi32>,
      %get3A_173 = vector.shape_cast %get3A_172 : vector<16xi32> to vector<16xi32>
      %ge3A_174 = vector.broadcast %multiple_of3A_10 : i32 to vector<16xi32>
      %ge3A_175 = arith.cmpi sge, %get3A_173, %ge3A_174 : vector<16xi32>
      %add3A_176 = arith.constant 320 : i32
      %add3A_177 = arith.addi %multiple_of3A_10, %add3A_176 : i32
      %lt3A_178 = vector.broadcast %add3A_177 : i32 to vector<16xi32>
      %lt3A_179 = arith.cmpi slt, %get3A_173, %lt3A_178 : vector<16xi32>
      %and3A_180 = arith.andi %ge3A_175, %lt3A_179 : vector<16xi1>
      %sub3A_181 = vector.broadcast %sub3A_27 : i32 to vector<16xi32>
      %sub3A_182 = arith.subi %get3A_173, %sub3A_181 : vector<16xi32>
      %add3A_183 = arith.constant 327 : i32
      %add3A_184 = arith.addi %multiple_of3A, %add3A_183 : i32
      %broadcast_in_dim3A_185 = vector.broadcast %add3A_184 : i32 to vector<16xi32>
      %select_n3A_186 = arith.select %and3A_180, %sub3A_182, %broadcast_in_dim3A_185 : vector<16xi1>, vector<16xi32>
      %swap3A_187 = arith.constant 0 : i32
      %swap3A_188 = arith.index_cast %swap3A_187 : i32 to index
      %swap3A_189 = arith.constant 64 : index
      %swap3A_190 = tpu.vector_load %arg10[%swap3A_188, %swap3A_189] {strides = array<i32>} : memref<2x128xi32, #tpu.memory_space<vmem>>, vector<1x16xi32>,
      %swap3A_191 = vector.shape_cast %swap3A_190 : vector<1x16xi32> to vector<16xi32>
      %swap3A_192 = vector.shape_cast %select_n3A_186 : vector<16xi32> to vector<1x16xi32>
      tpu.vector_store %arg10[%swap3A_188, %swap3A_189], %swap3A_192 {strides = array<i32>} : memref<2x128xi32, #tpu.memory_space<vmem>>, vector<1x16xi32>,
      %get3A_193 = arith.constant 80 : index
      %get3A_194 = tpu.vector_load %arg8[%get3A_193] {strides = array<i32>} : memref<256xi32, #tpu.memory_space<vmem>>, vector<16xi32>,
      %get3A_195 = vector.shape_cast %get3A_194 : vector<16xi32> to vector<16xi32>
      %ge3A_196 = vector.broadcast %multiple_of3A_10 : i32 to vector<16xi32>
      %ge3A_197 = arith.cmpi sge, %get3A_195, %ge3A_196 : vector<16xi32>
      %add3A_198 = arith.constant 320 : i32
      %add3A_199 = arith.addi %multiple_of3A_10, %add3A_198 : i32
      %lt3A_200 = vector.broadcast %add3A_199 : i32 to vector<16xi32>
      %lt3A_201 = arith.cmpi slt, %get3A_195, %lt3A_200 : vector<16xi32>
      %and3A_202 = arith.andi %ge3A_197, %lt3A_201 : vector<16xi1>
      %sub3A_203 = vector.broadcast %sub3A_27 : i32 to vector<16xi32>
      %sub3A_204 = arith.subi %get3A_195, %sub3A_203 : vector<16xi32>
      %add3A_205 = arith.constant 327 : i32
      %add3A_206 = arith.addi %multiple_of3A, %add3A_205 : i32
      %broadcast_in_dim3A_207 = vector.broadcast %add3A_206 : i32 to vector<16xi32>
      %select_n3A_208 = arith.select %and3A_202, %sub3A_204, %broadcast_in_dim3A_207 : vector<16xi1>, vector<16xi32>
      %swap3A_209 = arith.constant 0 : i32
      %swap3A_210 = arith.index_cast %swap3A_209 : i32 to index
      %swap3A_211 = arith.constant 80 : index
      %swap3A_212 = tpu.vector_load %arg10[%swap3A_210, %swap3A_211] {strides = array<i32>} : memref<2x128xi32, #tpu.memory_space<vmem>>, vector<1x16xi32>,
      %swap3A_213 = vector.shape_cast %swap3A_212 : vector<1x16xi32> to vector<16xi32>
      %swap3A_214 = vector.shape_cast %select_n3A_208 : vector<16xi32> to vector<1x16xi32>
      tpu.vector_store %arg10[%swap3A_210, %swap3A_211], %swap3A_214 {strides = array<i32>} : memref<2x128xi32, #tpu.memory_space<vmem>>, vector<1x16xi32>,
      %get3A_215 = arith.constant 96 : index
      %get3A_216 = tpu.vector_load %arg8[%get3A_215] {strides = array<i32>} : memref<256xi32, #tpu.memory_space<vmem>>, vector<16xi32>,
      %get3A_217 = vector.shape_cast %get3A_216 : vector<16xi32> to vector<16xi32>
      %ge3A_218 = vector.broadcast %multiple_of3A_10 : i32 to vector<16xi32>
      %ge3A_219 = arith.cmpi sge, %get3A_217, %ge3A_218 : vector<16xi32>
      %add3A_220 = arith.constant 320 : i32
      %add3A_221 = arith.addi %multiple_of3A_10, %add3A_220 : i32
      %lt3A_222 = vector.broadcast %add3A_221 : i32 to vector<16xi32>
      %lt3A_223 = arith.cmpi slt, %get3A_217, %lt3A_222 : vector<16xi32>
      %and3A_224 = arith.andi %ge3A_219, %lt3A_223 : vector<16xi1>
      %sub3A_225 = vector.broadcast %sub3A_27 : i32 to vector<16xi32>
      %sub3A_226 = arith.subi %get3A_217, %sub3A_225 : vector<16xi32>
      %add3A_227 = arith.constant 327 : i32
      %add3A_228 = arith.addi %multiple_of3A, %add3A_227 : i32
      %broadcast_in_dim3A_229 = vector.broadcast %add3A_228 : i32 to vector<16xi32>
      %select_n3A_230 = arith.select %and3A_224, %sub3A_226, %broadcast_in_dim3A_229 : vector<16xi1>, vector<16xi32>
      %swap3A_231 = arith.constant 0 : i32
      %swap3A_232 = arith.index_cast %swap3A_231 : i32 to index
      %swap3A_233 = arith.constant 96 : index
      %swap3A_234 = tpu.vector_load %arg10[%swap3A_232, %swap3A_233] {strides = array<i32>} : memref<2x128xi32, #tpu.memory_space<vmem>>, vector<1x16xi32>,
      %swap3A_235 = vector.shape_cast %swap3A_234 : vector<1x16xi32> to vector<16xi32>
      %swap3A_236 = vector.shape_cast %select_n3A_230 : vector<16xi32> to vector<1x16xi32>
      tpu.vector_store %arg10[%swap3A_232, %swap3A_233], %swap3A_236 {strides = array<i32>} : memref<2x128xi32, #tpu.memory_space<vmem>>, vector<1x16xi32>,
      %get3A_237 = arith.constant 112 : index
      %get3A_238 = tpu.vector_load %arg8[%get3A_237] {strides = array<i32>} : memref<256xi32, #tpu.memory_space<vmem>>, vector<16xi32>,
      %get3A_239 = vector.shape_cast %get3A_238 : vector<16xi32> to vector<16xi32>
      %ge3A_240 = vector.broadcast %multiple_of3A_10 : i32 to vector<16xi32>
      %ge3A_241 = arith.cmpi sge, %get3A_239, %ge3A_240 : vector<16xi32>
      %add3A_242 = arith.constant 320 : i32
      %add3A_243 = arith.addi %multiple_of3A_10, %add3A_242 : i32
      %lt3A_244 = vector.broadcast %add3A_243 : i32 to vector<16xi32>
      %lt3A_245 = arith.cmpi slt, %get3A_239, %lt3A_244 : vector<16xi32>
      %and3A_246 = arith.andi %ge3A_241, %lt3A_245 : vector<16xi1>
      %sub3A_247 = vector.broadcast %sub3A_27 : i32 to vector<16xi32>
      %sub3A_248 = arith.subi %get3A_239, %sub3A_247 : vector<16xi32>
      %add3A_249 = arith.constant 327 : i32
      %add3A_250 = arith.addi %multiple_of3A, %add3A_249 : i32
      %broadcast_in_dim3A_251 = vector.broadcast %add3A_250 : i32 to vector<16xi32>
      %select_n3A_252 = arith.select %and3A_246, %sub3A_248, %broadcast_in_dim3A_251 : vector<16xi1>, vector<16xi32>
      %swap3A_253 = arith.constant 0 : i32
      %swap3A_254 = arith.index_cast %swap3A_253 : i32 to index
      %swap3A_255 = arith.constant 112 : index
      %swap3A_256 = tpu.vector_load %arg10[%swap3A_254, %swap3A_255] {strides = array<i32>} : memref<2x128xi32, #tpu.memory_space<vmem>>, vector<1x16xi32>,
      %swap3A_257 = vector.shape_cast %swap3A_256 : vector<1x16xi32> to vector<16xi32>
      %swap3A_258 = vector.shape_cast %select_n3A_252 : vector<16xi32> to vector<1x16xi32>
      tpu.vector_store %arg10[%swap3A_254, %swap3A_255], %swap3A_258 {strides = array<i32>} : memref<2x128xi32, #tpu.memory_space<vmem>>, vector<1x16xi32>,
      %get3A_259 = arith.constant 128 : index
      %get3A_260 = tpu.vector_load %arg8[%get3A_259] {strides = array<i32>} : memref<256xi32, #tpu.memory_space<vmem>>, vector<16xi32>,
      %get3A_261 = vector.shape_cast %get3A_260 : vector<16xi32> to vector<16xi32>
      %ge3A_262 = vector.broadcast %multiple_of3A_10 : i32 to vector<16xi32>
      %ge3A_263 = arith.cmpi sge, %get3A_261, %ge3A_262 : vector<16xi32>
      %add3A_264 = arith.constant 320 : i32
      %add3A_265 = arith.addi %multiple_of3A_10, %add3A_264 : i32
      %lt3A_266 = vector.broadcast %add3A_265 : i32 to vector<16xi32>
      %lt3A_267 = arith.cmpi slt, %get3A_261, %lt3A_266 : vector<16xi32>
      %and3A_268 = arith.andi %ge3A_263, %lt3A_267 : vector<16xi1>
      %sub3A_269 = vector.broadcast %sub3A_27 : i32 to vector<16xi32>
      %sub3A_270 = arith.subi %get3A_261, %sub3A_269 : vector<16xi32>
      %add3A_271 = arith.constant 327 : i32
      %add3A_272 = arith.addi %multiple_of3A, %add3A_271 : i32
      %broadcast_in_dim3A_273 = vector.broadcast %add3A_272 : i32 to vector<16xi32>
      %select_n3A_274 = arith.select %and3A_268, %sub3A_270, %broadcast_in_dim3A_273 : vector<16xi1>, vector<16xi32>
      %swap3A_275 = arith.constant 1 : i32
      %swap3A_276 = arith.index_cast %swap3A_275 : i32 to index
      %swap3A_277 = arith.constant 0 : index
      %swap3A_278 = tpu.vector_load %arg10[%swap3A_276, %swap3A_277] {strides = array<i32>} : memref<2x128xi32, #tpu.memory_space<vmem>>, vector<1x16xi32>,
      %swap3A_279 = vector.shape_cast %swap3A_278 : vector<1x16xi32> to vector<16xi32>
      %swap3A_280 = vector.shape_cast %select_n3A_274 : vector<16xi32> to vector<1x16xi32>
      tpu.vector_store %arg10[%swap3A_276, %swap3A_277], %swap3A_280 {strides = array<i32>} : memref<2x128xi32, #tpu.memory_space<vmem>>, vector<1x16xi32>,
      %get3A_281 = arith.constant 144 : index
      %get3A_282 = tpu.vector_load %arg8[%get3A_281] {strides = array<i32>} : memref<256xi32, #tpu.memory_space<vmem>>, vector<16xi32>,
      %get3A_283 = vector.shape_cast %get3A_282 : vector<16xi32> to vector<16xi32>
      %ge3A_284 = vector.broadcast %multiple_of3A_10 : i32 to vector<16xi32>
      %ge3A_285 = arith.cmpi sge, %get3A_283, %ge3A_284 : vector<16xi32>
      %add3A_286 = arith.constant 320 : i32
      %add3A_287 = arith.addi %multiple_of3A_10, %add3A_286 : i32
      %lt3A_288 = vector.broadcast %add3A_287 : i32 to vector<16xi32>
      %lt3A_289 = arith.cmpi slt, %get3A_283, %lt3A_288 : vector<16xi32>
      %and3A_290 = arith.andi %ge3A_285, %lt3A_289 : vector<16xi1>
      %sub3A_291 = vector.broadcast %sub3A_27 : i32 to vector<16xi32>
      %sub3A_292 = arith.subi %get3A_283, %sub3A_291 : vector<16xi32>
      %add3A_293 = arith.constant 327 : i32
      %add3A_294 = arith.addi %multiple_of3A, %add3A_293 : i32
      %broadcast_in_dim3A_295 = vector.broadcast %add3A_294 : i32 to vector<16xi32>
      %select_n3A_296 = arith.select %and3A_290, %sub3A_292, %broadcast_in_dim3A_295 : vector<16xi1>, vector<16xi32>
      %swap3A_297 = arith.constant 1 : i32
      %swap3A_298 = arith.index_cast %swap3A_297 : i32 to index
      %swap3A_299 = arith.constant 16 : index
      %swap3A_300 = tpu.vector_load %arg10[%swap3A_298, %swap3A_299] {strides = array<i32>} : memref<2x128xi32, #tpu.memory_space<vmem>>, vector<1x16xi32>,
      %swap3A_301 = vector.shape_cast %swap3A_300 : vector<1x16xi32> to vector<16xi32>
      %swap3A_302 = vector.shape_cast %select_n3A_296 : vector<16xi32> to vector<1x16xi32>
      tpu.vector_store %arg10[%swap3A_298, %swap3A_299], %swap3A_302 {strides = array<i32>} : memref<2x128xi32, #tpu.memory_space<vmem>>, vector<1x16xi32>,
      %get3A_303 = arith.constant 160 : index
      %get3A_304 = tpu.vector_load %arg8[%get3A_303] {strides = array<i32>} : memref<256xi32, #tpu.memory_space<vmem>>, vector<16xi32>,
      %get3A_305 = vector.shape_cast %get3A_304 : vector<16xi32> to vector<16xi32>
      %ge3A_306 = vector.broadcast %multiple_of3A_10 : i32 to vector<16xi32>
      %ge3A_307 = arith.cmpi sge, %get3A_305, %ge3A_306 : vector<16xi32>
      %add3A_308 = arith.constant 320 : i32
      %add3A_309 = arith.addi %multiple_of3A_10, %add3A_308 : i32
      %lt3A_310 = vector.broadcast %add3A_309 : i32 to vector<16xi32>
      %lt3A_311 = arith.cmpi slt, %get3A_305, %lt3A_310 : vector<16xi32>
      %and3A_312 = arith.andi %ge3A_307, %lt3A_311 : vector<16xi1>
      %sub3A_313 = vector.broadcast %sub3A_27 : i32 to vector<16xi32>
      %sub3A_314 = arith.subi %get3A_305, %sub3A_313 : vector<16xi32>
      %add3A_315 = arith.constant 327 : i32
      %add3A_316 = arith.addi %multiple_of3A, %add3A_315 : i32
      %broadcast_in_dim3A_317 = vector.broadcast %add3A_316 : i32 to vector<16xi32>
      %select_n3A_318 = arith.select %and3A_312, %sub3A_314, %broadcast_in_dim3A_317 : vector<16xi1>, vector<16xi32>
      %swap3A_319 = arith.constant 1 : i32
      %swap3A_320 = arith.index_cast %swap3A_319 : i32 to index
      %swap3A_321 = arith.constant 32 : index
      %swap3A_322 = tpu.vector_load %arg10[%swap3A_320, %swap3A_321] {strides = array<i32>} : memref<2x128xi32, #tpu.memory_space<vmem>>, vector<1x16xi32>,
      %swap3A_323 = vector.shape_cast %swap3A_322 : vector<1x16xi32> to vector<16xi32>
      %swap3A_324 = vector.shape_cast %select_n3A_318 : vector<16xi32> to vector<1x16xi32>
      tpu.vector_store %arg10[%swap3A_320, %swap3A_321], %swap3A_324 {strides = array<i32>} : memref<2x128xi32, #tpu.memory_space<vmem>>, vector<1x16xi32>,
      %get3A_325 = arith.constant 176 : index
      %get3A_326 = tpu.vector_load %arg8[%get3A_325] {strides = array<i32>} : memref<256xi32, #tpu.memory_space<vmem>>, vector<16xi32>,
      %get3A_327 = vector.shape_cast %get3A_326 : vector<16xi32> to vector<16xi32>
      %ge3A_328 = vector.broadcast %multiple_of3A_10 : i32 to vector<16xi32>
      %ge3A_329 = arith.cmpi sge, %get3A_327, %ge3A_328 : vector<16xi32>
      %add3A_330 = arith.constant 320 : i32
      %add3A_331 = arith.addi %multiple_of3A_10, %add3A_330 : i32
      %lt3A_332 = vector.broadcast %add3A_331 : i32 to vector<16xi32>
      %lt3A_333 = arith.cmpi slt, %get3A_327, %lt3A_332 : vector<16xi32>
      %and3A_334 = arith.andi %ge3A_329, %lt3A_333 : vector<16xi1>
      %sub3A_335 = vector.broadcast %sub3A_27 : i32 to vector<16xi32>
      %sub3A_336 = arith.subi %get3A_327, %sub3A_335 : vector<16xi32>
      %add3A_337 = arith.constant 327 : i32
      %add3A_338 = arith.addi %multiple_of3A, %add3A_337 : i32
      %broadcast_in_dim3A_339 = vector.broadcast %add3A_338 : i32 to vector<16xi32>
      %select_n3A_340 = arith.select %and3A_334, %sub3A_336, %broadcast_in_dim3A_339 : vector<16xi1>, vector<16xi32>
      %swap3A_341 = arith.constant 1 : i32
      %swap3A_342 = arith.index_cast %swap3A_341 : i32 to index
      %swap3A_343 = arith.constant 48 : index
      %swap3A_344 = tpu.vector_load %arg10[%swap3A_342, %swap3A_343] {strides = array<i32>} : memref<2x128xi32, #tpu.memory_space<vmem>>, vector<1x16xi32>,
      %swap3A_345 = vector.shape_cast %swap3A_344 : vector<1x16xi32> to vector<16xi32>
      %swap3A_346 = vector.shape_cast %select_n3A_340 : vector<16xi32> to vector<1x16xi32>
      tpu.vector_store %arg10[%swap3A_342, %swap3A_343], %swap3A_346 {strides = array<i32>} : memref<2x128xi32, #tpu.memory_space<vmem>>, vector<1x16xi32>,
      %get3A_347 = arith.constant 192 : index
      %get3A_348 = tpu.vector_load %arg8[%get3A_347] {strides = array<i32>} : memref<256xi32, #tpu.memory_space<vmem>>, vector<16xi32>,
      %get3A_349 = vector.shape_cast %get3A_348 : vector<16xi32> to vector<16xi32>
      %ge3A_350 = vector.broadcast %multiple_of3A_10 : i32 to vector<16xi32>
      %ge3A_351 = arith.cmpi sge, %get3A_349, %ge3A_350 : vector<16xi32>
      %add3A_352 = arith.constant 320 : i32
      %add3A_353 = arith.addi %multiple_of3A_10, %add3A_352 : i32
      %lt3A_354 = vector.broadcast %add3A_353 : i32 to vector<16xi32>
      %lt3A_355 = arith.cmpi slt, %get3A_349, %lt3A_354 : vector<16xi32>
      %and3A_356 = arith.andi %ge3A_351, %lt3A_355 : vector<16xi1>
      %sub3A_357 = vector.broadcast %sub3A_27 : i32 to vector<16xi32>
      %sub3A_358 = arith.subi %get3A_349, %sub3A_357 : vector<16xi32>
      %add3A_359 = arith.constant 327 : i32
      %add3A_360 = arith.addi %multiple_of3A, %add3A_359 : i32
      %broadcast_in_dim3A_361 = vector.broadcast %add3A_360 : i32 to vector<16xi32>
      %select_n3A_362 = arith.select %and3A_356, %sub3A_358, %broadcast_in_dim3A_361 : vector<16xi1>, vector<16xi32>
      %swap3A_363 = arith.constant 1 : i32
      %swap3A_364 = arith.index_cast %swap3A_363 : i32 to index
      %swap3A_365 = arith.constant 64 : index
      %swap3A_366 = tpu.vector_load %arg10[%swap3A_364, %swap3A_365] {strides = array<i32>} : memref<2x128xi32, #tpu.memory_space<vmem>>, vector<1x16xi32>,
      %swap3A_367 = vector.shape_cast %swap3A_366 : vector<1x16xi32> to vector<16xi32>
      %swap3A_368 = vector.shape_cast %select_n3A_362 : vector<16xi32> to vector<1x16xi32>
      tpu.vector_store %arg10[%swap3A_364, %swap3A_365], %swap3A_368 {strides = array<i32>} : memref<2x128xi32, #tpu.memory_space<vmem>>, vector<1x16xi32>,
      %get3A_369 = arith.constant 208 : index
      %get3A_370 = tpu.vector_load %arg8[%get3A_369] {strides = array<i32>} : memref<256xi32, #tpu.memory_space<vmem>>, vector<16xi32>,
      %get3A_371 = vector.shape_cast %get3A_370 : vector<16xi32> to vector<16xi32>
      %ge3A_372 = vector.broadcast %multiple_of3A_10 : i32 to vector<16xi32>
      %ge3A_373 = arith.cmpi sge, %get3A_371, %ge3A_372 : vector<16xi32>
      %add3A_374 = arith.constant 320 : i32
      %add3A_375 = arith.addi %multiple_of3A_10, %add3A_374 : i32
      %lt3A_376 = vector.broadcast %add3A_375 : i32 to vector<16xi32>
      %lt3A_377 = arith.cmpi slt, %get3A_371, %lt3A_376 : vector<16xi32>
      %and3A_378 = arith.andi %ge3A_373, %lt3A_377 : vector<16xi1>
      %sub3A_379 = vector.broadcast %sub3A_27 : i32 to vector<16xi32>
      %sub3A_380 = arith.subi %get3A_371, %sub3A_379 : vector<16xi32>
      %add3A_381 = arith.constant 327 : i32
      %add3A_382 = arith.addi %multiple_of3A, %add3A_381 : i32
      %broadcast_in_dim3A_383 = vector.broadcast %add3A_382 : i32 to vector<16xi32>
      %select_n3A_384 = arith.select %and3A_378, %sub3A_380, %broadcast_in_dim3A_383 : vector<16xi1>, vector<16xi32>
      %swap3A_385 = arith.constant 1 : i32
      %swap3A_386 = arith.index_cast %swap3A_385 : i32 to index
      %swap3A_387 = arith.constant 80 : index
      %swap3A_388 = tpu.vector_load %arg10[%swap3A_386, %swap3A_387] {strides = array<i32>} : memref<2x128xi32, #tpu.memory_space<vmem>>, vector<1x16xi32>,
      %swap3A_389 = vector.shape_cast %swap3A_388 : vector<1x16xi32> to vector<16xi32>
      %swap3A_390 = vector.shape_cast %select_n3A_384 : vector<16xi32> to vector<1x16xi32>
      tpu.vector_store %arg10[%swap3A_386, %swap3A_387], %swap3A_390 {strides = array<i32>} : memref<2x128xi32, #tpu.memory_space<vmem>>, vector<1x16xi32>,
      %get3A_391 = arith.constant 224 : index
      %get3A_392 = tpu.vector_load %arg8[%get3A_391] {strides = array<i32>} : memref<256xi32, #tpu.memory_space<vmem>>, vector<16xi32>,
      %get3A_393 = vector.shape_cast %get3A_392 : vector<16xi32> to vector<16xi32>
      %ge3A_394 = vector.broadcast %multiple_of3A_10 : i32 to vector<16xi32>
      %ge3A_395 = arith.cmpi sge, %get3A_393, %ge3A_394 : vector<16xi32>
      %add3A_396 = arith.constant 320 : i32
      %add3A_397 = arith.addi %multiple_of3A_10, %add3A_396 : i32
      %lt3A_398 = vector.broadcast %add3A_397 : i32 to vector<16xi32>
      %lt3A_399 = arith.cmpi slt, %get3A_393, %lt3A_398 : vector<16xi32>
      %and3A_400 = arith.andi %ge3A_395, %lt3A_399 : vector<16xi1>
      %sub3A_401 = vector.broadcast %sub3A_27 : i32 to vector<16xi32>
      %sub3A_402 = arith.subi %get3A_393, %sub3A_401 : vector<16xi32>
      %add3A_403 = arith.constant 327 : i32
      %add3A_404 = arith.addi %multiple_of3A, %add3A_403 : i32
      %broadcast_in_dim3A_405 = vector.broadcast %add3A_404 : i32 to vector<16xi32>
      %select_n3A_406 = arith.select %and3A_400, %sub3A_402, %broadcast_in_dim3A_405 : vector<16xi1>, vector<16xi32>
      %swap3A_407 = arith.constant 1 : i32
      %swap3A_408 = arith.index_cast %swap3A_407 : i32 to index
      %swap3A_409 = arith.constant 96 : index
      %swap3A_410 = tpu.vector_load %arg10[%swap3A_408, %swap3A_409] {strides = array<i32>} : memref<2x128xi32, #tpu.memory_space<vmem>>, vector<1x16xi32>,
      %swap3A_411 = vector.shape_cast %swap3A_410 : vector<1x16xi32> to vector<16xi32>
      %swap3A_412 = vector.shape_cast %select_n3A_406 : vector<16xi32> to vector<1x16xi32>
      tpu.vector_store %arg10[%swap3A_408, %swap3A_409], %swap3A_412 {strides = array<i32>} : memref<2x128xi32, #tpu.memory_space<vmem>>, vector<1x16xi32>,
      %get3A_413 = arith.constant 240 : index
      %get3A_414 = tpu.vector_load %arg8[%get3A_413] {strides = array<i32>} : memref<256xi32, #tpu.memory_space<vmem>>, vector<16xi32>,
      %get3A_415 = vector.shape_cast %get3A_414 : vector<16xi32> to vector<16xi32>
      %ge3A_416 = vector.broadcast %multiple_of3A_10 : i32 to vector<16xi32>
      %ge3A_417 = arith.cmpi sge, %get3A_415, %ge3A_416 : vector<16xi32>
      %add3A_418 = arith.constant 320 : i32
      %add3A_419 = arith.addi %multiple_of3A_10, %add3A_418 : i32
      %lt3A_420 = vector.broadcast %add3A_419 : i32 to vector<16xi32>
      %lt3A_421 = arith.cmpi slt, %get3A_415, %lt3A_420 : vector<16xi32>
      %and3A_422 = arith.andi %ge3A_417, %lt3A_421 : vector<16xi1>
      %sub3A_423 = vector.broadcast %sub3A_27 : i32 to vector<16xi32>
      %sub3A_424 = arith.subi %get3A_415, %sub3A_423 : vector<16xi32>
      %add3A_425 = arith.constant 327 : i32
      %add3A_426 = arith.addi %multiple_of3A, %add3A_425 : i32
      %broadcast_in_dim3A_427 = vector.broadcast %add3A_426 : i32 to vector<16xi32>
      %select_n3A_428 = arith.select %and3A_422, %sub3A_424, %broadcast_in_dim3A_427 : vector<16xi1>, vector<16xi32>
      %swap3A_429 = arith.constant 1 : i32
      %swap3A_430 = arith.index_cast %swap3A_429 : i32 to index
      %swap3A_431 = arith.constant 112 : index
      %swap3A_432 = tpu.vector_load %arg10[%swap3A_430, %swap3A_431] {strides = array<i32>} : memref<2x128xi32, #tpu.memory_space<vmem>>, vector<1x16xi32>,
      %swap3A_433 = vector.shape_cast %swap3A_432 : vector<1x16xi32> to vector<16xi32>
      %swap3A_434 = vector.shape_cast %select_n3A_428 : vector<16xi32> to vector<1x16xi32>
      tpu.vector_store %arg10[%swap3A_430, %swap3A_431], %swap3A_434 {strides = array<i32>} : memref<2x128xi32, #tpu.memory_space<vmem>>, vector<1x16xi32>,
      %add3A_435 = arith.constant 1 : i32
      %add3A_436 = arith.addi %add3A_77, %add3A_435 : i32
      %lt3A_437 = arith.cmpi slt, %add3A_436, %shift_right_logical3A_17 : i32
      %convert_element_type3A_438 = arith.extui %lt3A_437 : i1 to i32
      %cond3A_439 = arith.constant 0 : i32
      %cond3A_440 = arith.cmpi ne, %convert_element_type3A_438, %cond3A_439 : i32
      scf.if %cond3A_440 {
        %gt3A_466 = arith.cmpi sgt, %add3A_77, %shift_right_logical3A_11 : i32
        %convert_element_type3A_467 = arith.extui %gt3A_466 : i1 to i32
        %cond3A_468 = arith.constant 0 : i32
        %cond3A_469 = arith.cmpi ne, %convert_element_type3A_467, %cond3A_468 : i32
        scf.if %cond3A_469 {
          %dma_wait3A_481 = arith.constant 0 : i32
          %dma_wait3A_482 = arith.constant 0 : i32
          %dma_wait3A_483 = tpu.memref_slice %arg7[%dma_wait3A_481, %dma_wait3A_482] : memref<256x128xf32, #tpu.memory_space<vmem>> -> memref<128x128xf32, #tpu.memory_space<vmem>>
          %dma_wait3A_484 = arith.constant 0 : i32
          %dma_wait3A_485 = arith.constant 0 : i32
          %dma_wait3A_486 = tpu.memref_slice %arg2[%dma_wait3A_484, %dma_wait3A_485] : memref<320000x128xf32, #tpu.memory_space<hbm>> -> memref<128x128xf32, #tpu.memory_space<hbm>>
          %dma_wait3A_487 = arith.constant 0 : i32
          %dma_wait3A_488 = arith.constant 0 : i32
          %dma_wait3A_489 = tpu.memref_slice %arg7[%dma_wait3A_487, %dma_wait3A_488] : memref<256x128xf32, #tpu.memory_space<vmem>> -> memref<128x128xf32, #tpu.memory_space<vmem>>
          %dma_wait3A_490 = arith.constant 0 : i32
          %dma_wait3A_491 = arith.constant 0 : i32
          %dma_wait3A_492 = tpu.memref_slice %arg2[%dma_wait3A_490, %dma_wait3A_491] : memref<320000x128xf32, #tpu.memory_space<hbm>> -> memref<128x128xf32, #tpu.memory_space<hbm>>
          tpu.wait_dma2 semaphore(%arg17 : memref<!tpu.dma_semaphore, #tpu.memory_space<semaphore_mem>>) src(%dma_wait3A_492 : memref<128x128xf32, #tpu.memory_space<hbm>>) dst(%dma_wait3A_489 : memref<128x128xf32, #tpu.memory_space<vmem>>)
          %dma_wait3A_493 = arith.constant 128 : i32
          %dma_wait3A_494 = arith.constant 0 : i32
          %dma_wait3A_495 = tpu.memref_slice %arg7[%dma_wait3A_493, %dma_wait3A_494] : memref<256x128xf32, #tpu.memory_space<vmem>> -> memref<128x128xf32, #tpu.memory_space<vmem>>
          %dma_wait3A_496 = arith.constant 0 : i32
          %dma_wait3A_497 = arith.constant 0 : i32
          %dma_wait3A_498 = tpu.memref_slice %arg2[%dma_wait3A_496, %dma_wait3A_497] : memref<320000x128xf32, #tpu.memory_space<hbm>> -> memref<128x128xf32, #tpu.memory_space<hbm>>
          %dma_wait3A_499 = arith.constant 128 : i32
          %dma_wait3A_500 = arith.constant 0 : i32
          %dma_wait3A_501 = tpu.memref_slice %arg7[%dma_wait3A_499, %dma_wait3A_500] : memref<256x128xf32, #tpu.memory_space<vmem>> -> memref<128x128xf32, #tpu.memory_space<vmem>>
          %dma_wait3A_502 = arith.constant 0 : i32
          %dma_wait3A_503 = arith.constant 0 : i32
          %dma_wait3A_504 = tpu.memref_slice %arg2[%dma_wait3A_502, %dma_wait3A_503] : memref<320000x128xf32, #tpu.memory_space<hbm>> -> memref<128x128xf32, #tpu.memory_space<hbm>>
          tpu.wait_dma2 semaphore(%arg17 : memref<!tpu.dma_semaphore, #tpu.memory_space<semaphore_mem>>) src(%dma_wait3A_504 : memref<128x128xf32, #tpu.memory_space<hbm>>) dst(%dma_wait3A_501 : memref<128x128xf32, #tpu.memory_space<vmem>>)
        } else {
        }
        %add3A_470 = arith.constant 1 : i32
        %add3A_471 = arith.addi %add3A_77, %add3A_470 : i32
        %mul3A_472 = arith.constant 256 : i32
        %mul3A_473 = arith.muli %add3A_471, %mul3A_472 : i32
        %multiple_of3A_474 = tpu.assume_multiple %mul3A_473, 8 : i32
        %dma_start3A_475 = arith.constant 0 : i32
        %dma_start3A_476 = tpu.memref_slice %arg2[%multiple_of3A_474, %dma_start3A_475] : memref<320000x128xf32, #tpu.memory_space<hbm>> -> memref<256x128xf32, #tpu.memory_space<hbm>>
        %dma_start3A_477 = arith.constant 0 : i32
        %dma_start3A_478 = tpu.memref_slice %arg2[%multiple_of3A_474, %dma_start3A_477] : memref<320000x128xf32, #tpu.memory_space<hbm>> -> memref<256x128xf32, #tpu.memory_space<hbm>>
        tpu.enqueue_dma source(%dma_start3A_478 : memref<256x128xf32, #tpu.memory_space<hbm>>) target(%arg7 : memref<256x128xf32, #tpu.memory_space<vmem>>) target_semaphore(%arg15 : memref<!tpu.dma_semaphore, #tpu.memory_space<semaphore_mem>>)
        %dma_start3A_479 = tpu.memref_slice %arg3[%multiple_of3A_474] : memref<320000xi32, #tpu.memory_space<hbm>> -> memref<256xi32, #tpu.memory_space<hbm>>
        %dma_start3A_480 = tpu.memref_slice %arg3[%multiple_of3A_474] : memref<320000xi32, #tpu.memory_space<hbm>> -> memref<256xi32, #tpu.memory_space<hbm>>
        tpu.enqueue_dma source(%dma_start3A_480 : memref<256xi32, #tpu.memory_space<hbm>>) target(%arg9 : memref<256xi32, #tpu.memory_space<vmem>>) target_semaphore(%arg15 : memref<!tpu.dma_semaphore, #tpu.memory_space<semaphore_mem>>)
      } else {
      }
      %dma_start3A = arith.constant 0 : i32
      %dma_start3A_441 = arith.constant 0 : i32
      %dma_start3A_442 = arith.constant 0 : i32
      %dma_start3A_443 = tpu.memref_slice %arg6[%dma_start3A_441, %dma_start3A_442] : memref<256x128xf32, #tpu.memory_space<vmem>> -> memref<128x128xf32, #tpu.memory_space<vmem>>
      %dma_start3A_444 = arith.constant 0 : i32
      %dma_start3A_445 = tpu.memref_slice %arg10[%dma_start3A, %dma_start3A_444] : memref<2x128xi32, #tpu.memory_space<vmem>> -> memref<1x128xi32, #tpu.memory_space<vmem>>
      %dma_start3A_446 = tpu.memref_squeeze %dma_start3A_445 : memref<1x128xi32, #tpu.memory_space<vmem>> -> memref<128xi32, #tpu.memory_space<vmem>>
      %dma_start3A_447 = arith.constant 0 : i32
      %dma_start3A_448 = arith.constant 0 : i32
      %dma_start3A_449 = tpu.memref_slice %arg13[%dma_start3A_447, %dma_start3A_448] : memref<5248x128xf32, #tpu.memory_space<vmem_shared>> -> memref<5248x128xf32, #tpu.memory_space<vmem_shared>>
      tpu.enqueue_indirect_dma source(%dma_start3A_443 : memref<128x128xf32, #tpu.memory_space<vmem>>) target(%dma_start3A_449 : memref<5248x128xf32, #tpu.memory_space<vmem_shared>>) offsets(%dma_start3A_446 : memref<128xi32, #tpu.memory_space<vmem>>) semaphore(%arg16 : memref<!tpu.dma_semaphore, #tpu.memory_space<semaphore_mem>>) {add = true}
      %dma_start3A_450 = arith.constant 1 : i32
      %dma_start3A_451 = arith.constant 128 : i32
      %dma_start3A_452 = arith.constant 0 : i32
      %dma_start3A_453 = tpu.memref_slice %arg6[%dma_start3A_451, %dma_start3A_452] : memref<256x128xf32, #tpu.memory_space<vmem>> -> memref<128x128xf32, #tpu.memory_space<vmem>>
      %dma_start3A_454 = arith.constant 0 : i32
      %dma_start3A_455 = tpu.memref_slice %arg10[%dma_start3A_450, %dma_start3A_454] : memref<2x128xi32, #tpu.memory_space<vmem>> -> memref<1x128xi32, #tpu.memory_space<vmem>>
      %dma_start3A_456 = tpu.memref_squeeze %dma_start3A_455 : memref<1x128xi32, #tpu.memory_space<vmem>> -> memref<128xi32, #tpu.memory_space<vmem>>
      %dma_start3A_457 = arith.constant 0 : i32
      %dma_start3A_458 = arith.constant 0 : i32
      %dma_start3A_459 = tpu.memref_slice %arg13[%dma_start3A_457, %dma_start3A_458] : memref<5248x128xf32, #tpu.memory_space<vmem_shared>> -> memref<5248x128xf32, #tpu.memory_space<vmem_shared>>
      tpu.enqueue_indirect_dma source(%dma_start3A_453 : memref<128x128xf32, #tpu.memory_space<vmem>>) target(%dma_start3A_459 : memref<5248x128xf32, #tpu.memory_space<vmem_shared>>) offsets(%dma_start3A_456 : memref<128xi32, #tpu.memory_space<vmem>>) semaphore(%arg16 : memref<!tpu.dma_semaphore, #tpu.memory_space<semaphore_mem>>) {add = true}
      %add3A_460 = arith.constant 1 : i32
      %add3A_461 = arith.addi %add3A_77, %add3A_460 : i32
      %lt3A_462 = arith.cmpi slt, %add3A_461, %shift_right_logical3A_17 : i32
      %convert_element_type3A_463 = arith.extui %lt3A_462 : i1 to i32
      %cond3A_464 = arith.constant 0 : i32
      %cond3A_465 = arith.cmpi ne, %convert_element_type3A_463, %cond3A_464 : i32
      scf.if %cond3A_465 {
        %add3A_466 = arith.constant 1 : i32
        %add3A_467 = arith.addi %add3A_77, %add3A_466 : i32
        %mul3A_468 = arith.constant 256 : i32
        %mul3A_469 = arith.muli %add3A_467, %mul3A_468 : i32
        %multiple_of3A_470 = tpu.assume_multiple %mul3A_469, 8 : i32
        %dma_wait3A_471 = arith.constant 0 : i32
        %dma_wait3A_472 = tpu.memref_slice %arg2[%multiple_of3A_470, %dma_wait3A_471] : memref<320000x128xf32, #tpu.memory_space<hbm>> -> memref<256x128xf32, #tpu.memory_space<hbm>>
        %dma_wait3A_473 = arith.constant 0 : i32
        %dma_wait3A_474 = tpu.memref_slice %arg2[%multiple_of3A_470, %dma_wait3A_473] : memref<320000x128xf32, #tpu.memory_space<hbm>> -> memref<256x128xf32, #tpu.memory_space<hbm>>
        tpu.wait_dma2 semaphore(%arg15 : memref<!tpu.dma_semaphore, #tpu.memory_space<semaphore_mem>>) src(%dma_wait3A_474 : memref<256x128xf32, #tpu.memory_space<hbm>>) dst(%arg7 : memref<256x128xf32, #tpu.memory_space<vmem>>)
        %dma_wait3A_475 = tpu.memref_slice %arg3[%multiple_of3A_470] : memref<320000xi32, #tpu.memory_space<hbm>> -> memref<256xi32, #tpu.memory_space<hbm>>
        %dma_wait3A_476 = tpu.memref_slice %arg3[%multiple_of3A_470] : memref<320000xi32, #tpu.memory_space<hbm>> -> memref<256xi32, #tpu.memory_space<hbm>>
        tpu.wait_dma2 semaphore(%arg15 : memref<!tpu.dma_semaphore, #tpu.memory_space<semaphore_mem>>) src(%dma_wait3A_476 : memref<256xi32, #tpu.memory_space<hbm>>) dst(%arg9 : memref<256xi32, #tpu.memory_space<vmem>>)
        %get3A_477 = arith.constant 0 : index
        %get3A_478 = tpu.vector_load %arg9[%get3A_477] {strides = array<i32>} : memref<256xi32, #tpu.memory_space<vmem>>, vector<16xi32>,
        %get3A_479 = vector.shape_cast %get3A_478 : vector<16xi32> to vector<16xi32>
        %ge3A_480 = vector.broadcast %multiple_of3A_10 : i32 to vector<16xi32>
        %ge3A_481 = arith.cmpi sge, %get3A_479, %ge3A_480 : vector<16xi32>
        %add3A_482 = arith.constant 320 : i32
        %add3A_483 = arith.addi %multiple_of3A_10, %add3A_482 : i32
        %lt3A_484 = vector.broadcast %add3A_483 : i32 to vector<16xi32>
        %lt3A_485 = arith.cmpi slt, %get3A_479, %lt3A_484 : vector<16xi32>
        %and3A_486 = arith.andi %ge3A_481, %lt3A_485 : vector<16xi1>
        %sub3A_487 = vector.broadcast %sub3A_27 : i32 to vector<16xi32>
        %sub3A_488 = arith.subi %get3A_479, %sub3A_487 : vector<16xi32>
        %add3A_489 = arith.constant 327 : i32
        %add3A_490 = arith.addi %multiple_of3A, %add3A_489 : i32
        %broadcast_in_dim3A_491 = vector.broadcast %add3A_490 : i32 to vector<16xi32>
        %select_n3A_492 = arith.select %and3A_486, %sub3A_488, %broadcast_in_dim3A_491 : vector<16xi1>, vector<16xi32>
        %swap3A_493 = arith.constant 0 : i32
        %swap3A_494 = arith.index_cast %swap3A_493 : i32 to index
        %swap3A_495 = arith.constant 0 : index
        %swap3A_496 = tpu.vector_load %arg11[%swap3A_494, %swap3A_495] {strides = array<i32>} : memref<2x128xi32, #tpu.memory_space<vmem>>, vector<1x16xi32>,
        %swap3A_497 = vector.shape_cast %swap3A_496 : vector<1x16xi32> to vector<16xi32>
        %swap3A_498 = vector.shape_cast %select_n3A_492 : vector<16xi32> to vector<1x16xi32>
        tpu.vector_store %arg11[%swap3A_494, %swap3A_495], %swap3A_498 {strides = array<i32>} : memref<2x128xi32, #tpu.memory_space<vmem>>, vector<1x16xi32>,
        %get3A_499 = arith.constant 16 : index
        %get3A_500 = tpu.vector_load %arg9[%get3A_499] {strides = array<i32>} : memref<256xi32, #tpu.memory_space<vmem>>, vector<16xi32>,
        %get3A_501 = vector.shape_cast %get3A_500 : vector<16xi32> to vector<16xi32>
        %ge3A_502 = vector.broadcast %multiple_of3A_10 : i32 to vector<16xi32>
        %ge3A_503 = arith.cmpi sge, %get3A_501, %ge3A_502 : vector<16xi32>
        %add3A_504 = arith.constant 320 : i32
        %add3A_505 = arith.addi %multiple_of3A_10, %add3A_504 : i32
        %lt3A_506 = vector.broadcast %add3A_505 : i32 to vector<16xi32>
        %lt3A_507 = arith.cmpi slt, %get3A_501, %lt3A_506 : vector<16xi32>
        %and3A_508 = arith.andi %ge3A_503, %lt3A_507 : vector<16xi1>
        %sub3A_509 = vector.broadcast %sub3A_27 : i32 to vector<16xi32>
        %sub3A_510 = arith.subi %get3A_501, %sub3A_509 : vector<16xi32>
        %add3A_511 = arith.constant 327 : i32
        %add3A_512 = arith.addi %multiple_of3A, %add3A_511 : i32
        %broadcast_in_dim3A_513 = vector.broadcast %add3A_512 : i32 to vector<16xi32>
        %select_n3A_514 = arith.select %and3A_508, %sub3A_510, %broadcast_in_dim3A_513 : vector<16xi1>, vector<16xi32>
        %swap3A_515 = arith.constant 0 : i32
        %swap3A_516 = arith.index_cast %swap3A_515 : i32 to index
        %swap3A_517 = arith.constant 16 : index
        %swap3A_518 = tpu.vector_load %arg11[%swap3A_516, %swap3A_517] {strides = array<i32>} : memref<2x128xi32, #tpu.memory_space<vmem>>, vector<1x16xi32>,
        %swap3A_519 = vector.shape_cast %swap3A_518 : vector<1x16xi32> to vector<16xi32>
        %swap3A_520 = vector.shape_cast %select_n3A_514 : vector<16xi32> to vector<1x16xi32>
        tpu.vector_store %arg11[%swap3A_516, %swap3A_517], %swap3A_520 {strides = array<i32>} : memref<2x128xi32, #tpu.memory_space<vmem>>, vector<1x16xi32>,
        %get3A_521 = arith.constant 32 : index
        %get3A_522 = tpu.vector_load %arg9[%get3A_521] {strides = array<i32>} : memref<256xi32, #tpu.memory_space<vmem>>, vector<16xi32>,
        %get3A_523 = vector.shape_cast %get3A_522 : vector<16xi32> to vector<16xi32>
        %ge3A_524 = vector.broadcast %multiple_of3A_10 : i32 to vector<16xi32>
        %ge3A_525 = arith.cmpi sge, %get3A_523, %ge3A_524 : vector<16xi32>
        %add3A_526 = arith.constant 320 : i32
        %add3A_527 = arith.addi %multiple_of3A_10, %add3A_526 : i32
        %lt3A_528 = vector.broadcast %add3A_527 : i32 to vector<16xi32>
        %lt3A_529 = arith.cmpi slt, %get3A_523, %lt3A_528 : vector<16xi32>
        %and3A_530 = arith.andi %ge3A_525, %lt3A_529 : vector<16xi1>
        %sub3A_531 = vector.broadcast %sub3A_27 : i32 to vector<16xi32>
        %sub3A_532 = arith.subi %get3A_523, %sub3A_531 : vector<16xi32>
        %add3A_533 = arith.constant 327 : i32
        %add3A_534 = arith.addi %multiple_of3A, %add3A_533 : i32
        %broadcast_in_dim3A_535 = vector.broadcast %add3A_534 : i32 to vector<16xi32>
        %select_n3A_536 = arith.select %and3A_530, %sub3A_532, %broadcast_in_dim3A_535 : vector<16xi1>, vector<16xi32>
        %swap3A_537 = arith.constant 0 : i32
        %swap3A_538 = arith.index_cast %swap3A_537 : i32 to index
        %swap3A_539 = arith.constant 32 : index
        %swap3A_540 = tpu.vector_load %arg11[%swap3A_538, %swap3A_539] {strides = array<i32>} : memref<2x128xi32, #tpu.memory_space<vmem>>, vector<1x16xi32>,
        %swap3A_541 = vector.shape_cast %swap3A_540 : vector<1x16xi32> to vector<16xi32>
        %swap3A_542 = vector.shape_cast %select_n3A_536 : vector<16xi32> to vector<1x16xi32>
        tpu.vector_store %arg11[%swap3A_538, %swap3A_539], %swap3A_542 {strides = array<i32>} : memref<2x128xi32, #tpu.memory_space<vmem>>, vector<1x16xi32>,
        %get3A_543 = arith.constant 48 : index
        %get3A_544 = tpu.vector_load %arg9[%get3A_543] {strides = array<i32>} : memref<256xi32, #tpu.memory_space<vmem>>, vector<16xi32>,
        %get3A_545 = vector.shape_cast %get3A_544 : vector<16xi32> to vector<16xi32>
        %ge3A_546 = vector.broadcast %multiple_of3A_10 : i32 to vector<16xi32>
        %ge3A_547 = arith.cmpi sge, %get3A_545, %ge3A_546 : vector<16xi32>
        %add3A_548 = arith.constant 320 : i32
        %add3A_549 = arith.addi %multiple_of3A_10, %add3A_548 : i32
        %lt3A_550 = vector.broadcast %add3A_549 : i32 to vector<16xi32>
        %lt3A_551 = arith.cmpi slt, %get3A_545, %lt3A_550 : vector<16xi32>
        %and3A_552 = arith.andi %ge3A_547, %lt3A_551 : vector<16xi1>
        %sub3A_553 = vector.broadcast %sub3A_27 : i32 to vector<16xi32>
        %sub3A_554 = arith.subi %get3A_545, %sub3A_553 : vector<16xi32>
        %add3A_555 = arith.constant 327 : i32
        %add3A_556 = arith.addi %multiple_of3A, %add3A_555 : i32
        %broadcast_in_dim3A_557 = vector.broadcast %add3A_556 : i32 to vector<16xi32>
        %select_n3A_558 = arith.select %and3A_552, %sub3A_554, %broadcast_in_dim3A_557 : vector<16xi1>, vector<16xi32>
        %swap3A_559 = arith.constant 0 : i32
        %swap3A_560 = arith.index_cast %swap3A_559 : i32 to index
        %swap3A_561 = arith.constant 48 : index
        %swap3A_562 = tpu.vector_load %arg11[%swap3A_560, %swap3A_561] {strides = array<i32>} : memref<2x128xi32, #tpu.memory_space<vmem>>, vector<1x16xi32>,
        %swap3A_563 = vector.shape_cast %swap3A_562 : vector<1x16xi32> to vector<16xi32>
        %swap3A_564 = vector.shape_cast %select_n3A_558 : vector<16xi32> to vector<1x16xi32>
        tpu.vector_store %arg11[%swap3A_560, %swap3A_561], %swap3A_564 {strides = array<i32>} : memref<2x128xi32, #tpu.memory_space<vmem>>, vector<1x16xi32>,
        %get3A_565 = arith.constant 64 : index
        %get3A_566 = tpu.vector_load %arg9[%get3A_565] {strides = array<i32>} : memref<256xi32, #tpu.memory_space<vmem>>, vector<16xi32>,
        %get3A_567 = vector.shape_cast %get3A_566 : vector<16xi32> to vector<16xi32>
        %ge3A_568 = vector.broadcast %multiple_of3A_10 : i32 to vector<16xi32>
        %ge3A_569 = arith.cmpi sge, %get3A_567, %ge3A_568 : vector<16xi32>
        %add3A_570 = arith.constant 320 : i32
        %add3A_571 = arith.addi %multiple_of3A_10, %add3A_570 : i32
        %lt3A_572 = vector.broadcast %add3A_571 : i32 to vector<16xi32>
        %lt3A_573 = arith.cmpi slt, %get3A_567, %lt3A_572 : vector<16xi32>
        %and3A_574 = arith.andi %ge3A_569, %lt3A_573 : vector<16xi1>
        %sub3A_575 = vector.broadcast %sub3A_27 : i32 to vector<16xi32>
        %sub3A_576 = arith.subi %get3A_567, %sub3A_575 : vector<16xi32>
        %add3A_577 = arith.constant 327 : i32
        %add3A_578 = arith.addi %multiple_of3A, %add3A_577 : i32
        %broadcast_in_dim3A_579 = vector.broadcast %add3A_578 : i32 to vector<16xi32>
        %select_n3A_580 = arith.select %and3A_574, %sub3A_576, %broadcast_in_dim3A_579 : vector<16xi1>, vector<16xi32>
        %swap3A_581 = arith.constant 0 : i32
        %swap3A_582 = arith.index_cast %swap3A_581 : i32 to index
        %swap3A_583 = arith.constant 64 : index
        %swap3A_584 = tpu.vector_load %arg11[%swap3A_582, %swap3A_583] {strides = array<i32>} : memref<2x128xi32, #tpu.memory_space<vmem>>, vector<1x16xi32>,
        %swap3A_585 = vector.shape_cast %swap3A_584 : vector<1x16xi32> to vector<16xi32>
        %swap3A_586 = vector.shape_cast %select_n3A_580 : vector<16xi32> to vector<1x16xi32>
        tpu.vector_store %arg11[%swap3A_582, %swap3A_583], %swap3A_586 {strides = array<i32>} : memref<2x128xi32, #tpu.memory_space<vmem>>, vector<1x16xi32>,
        %get3A_587 = arith.constant 80 : index
        %get3A_588 = tpu.vector_load %arg9[%get3A_587] {strides = array<i32>} : memref<256xi32, #tpu.memory_space<vmem>>, vector<16xi32>,
        %get3A_589 = vector.shape_cast %get3A_588 : vector<16xi32> to vector<16xi32>
        %ge3A_590 = vector.broadcast %multiple_of3A_10 : i32 to vector<16xi32>
        %ge3A_591 = arith.cmpi sge, %get3A_589, %ge3A_590 : vector<16xi32>
        %add3A_592 = arith.constant 320 : i32
        %add3A_593 = arith.addi %multiple_of3A_10, %add3A_592 : i32
        %lt3A_594 = vector.broadcast %add3A_593 : i32 to vector<16xi32>
        %lt3A_595 = arith.cmpi slt, %get3A_589, %lt3A_594 : vector<16xi32>
        %and3A_596 = arith.andi %ge3A_591, %lt3A_595 : vector<16xi1>
        %sub3A_597 = vector.broadcast %sub3A_27 : i32 to vector<16xi32>
        %sub3A_598 = arith.subi %get3A_589, %sub3A_597 : vector<16xi32>
        %add3A_599 = arith.constant 327 : i32
        %add3A_600 = arith.addi %multiple_of3A, %add3A_599 : i32
        %broadcast_in_dim3A_601 = vector.broadcast %add3A_600 : i32 to vector<16xi32>
        %select_n3A_602 = arith.select %and3A_596, %sub3A_598, %broadcast_in_dim3A_601 : vector<16xi1>, vector<16xi32>
        %swap3A_603 = arith.constant 0 : i32
        %swap3A_604 = arith.index_cast %swap3A_603 : i32 to index
        %swap3A_605 = arith.constant 80 : index
        %swap3A_606 = tpu.vector_load %arg11[%swap3A_604, %swap3A_605] {strides = array<i32>} : memref<2x128xi32, #tpu.memory_space<vmem>>, vector<1x16xi32>,
        %swap3A_607 = vector.shape_cast %swap3A_606 : vector<1x16xi32> to vector<16xi32>
        %swap3A_608 = vector.shape_cast %select_n3A_602 : vector<16xi32> to vector<1x16xi32>
        tpu.vector_store %arg11[%swap3A_604, %swap3A_605], %swap3A_608 {strides = array<i32>} : memref<2x128xi32, #tpu.memory_space<vmem>>, vector<1x16xi32>,
        %get3A_609 = arith.constant 96 : index
        %get3A_610 = tpu.vector_load %arg9[%get3A_609] {strides = array<i32>} : memref<256xi32, #tpu.memory_space<vmem>>, vector<16xi32>,
        %get3A_611 = vector.shape_cast %get3A_610 : vector<16xi32> to vector<16xi32>
        %ge3A_612 = vector.broadcast %multiple_of3A_10 : i32 to vector<16xi32>
        %ge3A_613 = arith.cmpi sge, %get3A_611, %ge3A_612 : vector<16xi32>
        %add3A_614 = arith.constant 320 : i32
        %add3A_615 = arith.addi %multiple_of3A_10, %add3A_614 : i32
        %lt3A_616 = vector.broadcast %add3A_615 : i32 to vector<16xi32>
        %lt3A_617 = arith.cmpi slt, %get3A_611, %lt3A_616 : vector<16xi32>
        %and3A_618 = arith.andi %ge3A_613, %lt3A_617 : vector<16xi1>
        %sub3A_619 = vector.broadcast %sub3A_27 : i32 to vector<16xi32>
        %sub3A_620 = arith.subi %get3A_611, %sub3A_619 : vector<16xi32>
        %add3A_621 = arith.constant 327 : i32
        %add3A_622 = arith.addi %multiple_of3A, %add3A_621 : i32
        %broadcast_in_dim3A_623 = vector.broadcast %add3A_622 : i32 to vector<16xi32>
        %select_n3A_624 = arith.select %and3A_618, %sub3A_620, %broadcast_in_dim3A_623 : vector<16xi1>, vector<16xi32>
        %swap3A_625 = arith.constant 0 : i32
        %swap3A_626 = arith.index_cast %swap3A_625 : i32 to index
        %swap3A_627 = arith.constant 96 : index
        %swap3A_628 = tpu.vector_load %arg11[%swap3A_626, %swap3A_627] {strides = array<i32>} : memref<2x128xi32, #tpu.memory_space<vmem>>, vector<1x16xi32>,
        %swap3A_629 = vector.shape_cast %swap3A_628 : vector<1x16xi32> to vector<16xi32>
        %swap3A_630 = vector.shape_cast %select_n3A_624 : vector<16xi32> to vector<1x16xi32>
        tpu.vector_store %arg11[%swap3A_626, %swap3A_627], %swap3A_630 {strides = array<i32>} : memref<2x128xi32, #tpu.memory_space<vmem>>, vector<1x16xi32>,
        %get3A_631 = arith.constant 112 : index
        %get3A_632 = tpu.vector_load %arg9[%get3A_631] {strides = array<i32>} : memref<256xi32, #tpu.memory_space<vmem>>, vector<16xi32>,
        %get3A_633 = vector.shape_cast %get3A_632 : vector<16xi32> to vector<16xi32>
        %ge3A_634 = vector.broadcast %multiple_of3A_10 : i32 to vector<16xi32>
        %ge3A_635 = arith.cmpi sge, %get3A_633, %ge3A_634 : vector<16xi32>
        %add3A_636 = arith.constant 320 : i32
        %add3A_637 = arith.addi %multiple_of3A_10, %add3A_636 : i32
        %lt3A_638 = vector.broadcast %add3A_637 : i32 to vector<16xi32>
        %lt3A_639 = arith.cmpi slt, %get3A_633, %lt3A_638 : vector<16xi32>
        %and3A_640 = arith.andi %ge3A_635, %lt3A_639 : vector<16xi1>
        %sub3A_641 = vector.broadcast %sub3A_27 : i32 to vector<16xi32>
        %sub3A_642 = arith.subi %get3A_633, %sub3A_641 : vector<16xi32>
        %add3A_643 = arith.constant 327 : i32
        %add3A_644 = arith.addi %multiple_of3A, %add3A_643 : i32
        %broadcast_in_dim3A_645 = vector.broadcast %add3A_644 : i32 to vector<16xi32>
        %select_n3A_646 = arith.select %and3A_640, %sub3A_642, %broadcast_in_dim3A_645 : vector<16xi1>, vector<16xi32>
        %swap3A_647 = arith.constant 0 : i32
        %swap3A_648 = arith.index_cast %swap3A_647 : i32 to index
        %swap3A_649 = arith.constant 112 : index
        %swap3A_650 = tpu.vector_load %arg11[%swap3A_648, %swap3A_649] {strides = array<i32>} : memref<2x128xi32, #tpu.memory_space<vmem>>, vector<1x16xi32>,
        %swap3A_651 = vector.shape_cast %swap3A_650 : vector<1x16xi32> to vector<16xi32>
        %swap3A_652 = vector.shape_cast %select_n3A_646 : vector<16xi32> to vector<1x16xi32>
        tpu.vector_store %arg11[%swap3A_648, %swap3A_649], %swap3A_652 {strides = array<i32>} : memref<2x128xi32, #tpu.memory_space<vmem>>, vector<1x16xi32>,
        %get3A_653 = arith.constant 128 : index
        %get3A_654 = tpu.vector_load %arg9[%get3A_653] {strides = array<i32>} : memref<256xi32, #tpu.memory_space<vmem>>, vector<16xi32>,
        %get3A_655 = vector.shape_cast %get3A_654 : vector<16xi32> to vector<16xi32>
        %ge3A_656 = vector.broadcast %multiple_of3A_10 : i32 to vector<16xi32>
        %ge3A_657 = arith.cmpi sge, %get3A_655, %ge3A_656 : vector<16xi32>
        %add3A_658 = arith.constant 320 : i32
        %add3A_659 = arith.addi %multiple_of3A_10, %add3A_658 : i32
        %lt3A_660 = vector.broadcast %add3A_659 : i32 to vector<16xi32>
        %lt3A_661 = arith.cmpi slt, %get3A_655, %lt3A_660 : vector<16xi32>
        %and3A_662 = arith.andi %ge3A_657, %lt3A_661 : vector<16xi1>
        %sub3A_663 = vector.broadcast %sub3A_27 : i32 to vector<16xi32>
        %sub3A_664 = arith.subi %get3A_655, %sub3A_663 : vector<16xi32>
        %add3A_665 = arith.constant 327 : i32
        %add3A_666 = arith.addi %multiple_of3A, %add3A_665 : i32
        %broadcast_in_dim3A_667 = vector.broadcast %add3A_666 : i32 to vector<16xi32>
        %select_n3A_668 = arith.select %and3A_662, %sub3A_664, %broadcast_in_dim3A_667 : vector<16xi1>, vector<16xi32>
        %swap3A_669 = arith.constant 1 : i32
        %swap3A_670 = arith.index_cast %swap3A_669 : i32 to index
        %swap3A_671 = arith.constant 0 : index
        %swap3A_672 = tpu.vector_load %arg11[%swap3A_670, %swap3A_671] {strides = array<i32>} : memref<2x128xi32, #tpu.memory_space<vmem>>, vector<1x16xi32>,
        %swap3A_673 = vector.shape_cast %swap3A_672 : vector<1x16xi32> to vector<16xi32>
        %swap3A_674 = vector.shape_cast %select_n3A_668 : vector<16xi32> to vector<1x16xi32>
        tpu.vector_store %arg11[%swap3A_670, %swap3A_671], %swap3A_674 {strides = array<i32>} : memref<2x128xi32, #tpu.memory_space<vmem>>, vector<1x16xi32>,
        %get3A_675 = arith.constant 144 : index
        %get3A_676 = tpu.vector_load %arg9[%get3A_675] {strides = array<i32>} : memref<256xi32, #tpu.memory_space<vmem>>, vector<16xi32>,
        %get3A_677 = vector.shape_cast %get3A_676 : vector<16xi32> to vector<16xi32>
        %ge3A_678 = vector.broadcast %multiple_of3A_10 : i32 to vector<16xi32>
        %ge3A_679 = arith.cmpi sge, %get3A_677, %ge3A_678 : vector<16xi32>
        %add3A_680 = arith.constant 320 : i32
        %add3A_681 = arith.addi %multiple_of3A_10, %add3A_680 : i32
        %lt3A_682 = vector.broadcast %add3A_681 : i32 to vector<16xi32>
        %lt3A_683 = arith.cmpi slt, %get3A_677, %lt3A_682 : vector<16xi32>
        %and3A_684 = arith.andi %ge3A_679, %lt3A_683 : vector<16xi1>
        %sub3A_685 = vector.broadcast %sub3A_27 : i32 to vector<16xi32>
        %sub3A_686 = arith.subi %get3A_677, %sub3A_685 : vector<16xi32>
        %add3A_687 = arith.constant 327 : i32
        %add3A_688 = arith.addi %multiple_of3A, %add3A_687 : i32
        %broadcast_in_dim3A_689 = vector.broadcast %add3A_688 : i32 to vector<16xi32>
        %select_n3A_690 = arith.select %and3A_684, %sub3A_686, %broadcast_in_dim3A_689 : vector<16xi1>, vector<16xi32>
        %swap3A_691 = arith.constant 1 : i32
        %swap3A_692 = arith.index_cast %swap3A_691 : i32 to index
        %swap3A_693 = arith.constant 16 : index
        %swap3A_694 = tpu.vector_load %arg11[%swap3A_692, %swap3A_693] {strides = array<i32>} : memref<2x128xi32, #tpu.memory_space<vmem>>, vector<1x16xi32>,
        %swap3A_695 = vector.shape_cast %swap3A_694 : vector<1x16xi32> to vector<16xi32>
        %swap3A_696 = vector.shape_cast %select_n3A_690 : vector<16xi32> to vector<1x16xi32>
        tpu.vector_store %arg11[%swap3A_692, %swap3A_693], %swap3A_696 {strides = array<i32>} : memref<2x128xi32, #tpu.memory_space<vmem>>, vector<1x16xi32>,
        %get3A_697 = arith.constant 160 : index
        %get3A_698 = tpu.vector_load %arg9[%get3A_697] {strides = array<i32>} : memref<256xi32, #tpu.memory_space<vmem>>, vector<16xi32>,
        %get3A_699 = vector.shape_cast %get3A_698 : vector<16xi32> to vector<16xi32>
        %ge3A_700 = vector.broadcast %multiple_of3A_10 : i32 to vector<16xi32>
        %ge3A_701 = arith.cmpi sge, %get3A_699, %ge3A_700 : vector<16xi32>
        %add3A_702 = arith.constant 320 : i32
        %add3A_703 = arith.addi %multiple_of3A_10, %add3A_702 : i32
        %lt3A_704 = vector.broadcast %add3A_703 : i32 to vector<16xi32>
        %lt3A_705 = arith.cmpi slt, %get3A_699, %lt3A_704 : vector<16xi32>
        %and3A_706 = arith.andi %ge3A_701, %lt3A_705 : vector<16xi1>
        %sub3A_707 = vector.broadcast %sub3A_27 : i32 to vector<16xi32>
        %sub3A_708 = arith.subi %get3A_699, %sub3A_707 : vector<16xi32>
        %add3A_709 = arith.constant 327 : i32
        %add3A_710 = arith.addi %multiple_of3A, %add3A_709 : i32
        %broadcast_in_dim3A_711 = vector.broadcast %add3A_710 : i32 to vector<16xi32>
        %select_n3A_712 = arith.select %and3A_706, %sub3A_708, %broadcast_in_dim3A_711 : vector<16xi1>, vector<16xi32>
        %swap3A_713 = arith.constant 1 : i32
        %swap3A_714 = arith.index_cast %swap3A_713 : i32 to index
        %swap3A_715 = arith.constant 32 : index
        %swap3A_716 = tpu.vector_load %arg11[%swap3A_714, %swap3A_715] {strides = array<i32>} : memref<2x128xi32, #tpu.memory_space<vmem>>, vector<1x16xi32>,
        %swap3A_717 = vector.shape_cast %swap3A_716 : vector<1x16xi32> to vector<16xi32>
        %swap3A_718 = vector.shape_cast %select_n3A_712 : vector<16xi32> to vector<1x16xi32>
        tpu.vector_store %arg11[%swap3A_714, %swap3A_715], %swap3A_718 {strides = array<i32>} : memref<2x128xi32, #tpu.memory_space<vmem>>, vector<1x16xi32>,
        %get3A_719 = arith.constant 176 : index
        %get3A_720 = tpu.vector_load %arg9[%get3A_719] {strides = array<i32>} : memref<256xi32, #tpu.memory_space<vmem>>, vector<16xi32>,
        %get3A_721 = vector.shape_cast %get3A_720 : vector<16xi32> to vector<16xi32>
        %ge3A_722 = vector.broadcast %multiple_of3A_10 : i32 to vector<16xi32>
        %ge3A_723 = arith.cmpi sge, %get3A_721, %ge3A_722 : vector<16xi32>
        %add3A_724 = arith.constant 320 : i32
        %add3A_725 = arith.addi %multiple_of3A_10, %add3A_724 : i32
        %lt3A_726 = vector.broadcast %add3A_725 : i32 to vector<16xi32>
        %lt3A_727 = arith.cmpi slt, %get3A_721, %lt3A_726 : vector<16xi32>
        %and3A_728 = arith.andi %ge3A_723, %lt3A_727 : vector<16xi1>
        %sub3A_729 = vector.broadcast %sub3A_27 : i32 to vector<16xi32>
        %sub3A_730 = arith.subi %get3A_721, %sub3A_729 : vector<16xi32>
        %add3A_731 = arith.constant 327 : i32
        %add3A_732 = arith.addi %multiple_of3A, %add3A_731 : i32
        %broadcast_in_dim3A_733 = vector.broadcast %add3A_732 : i32 to vector<16xi32>
        %select_n3A_734 = arith.select %and3A_728, %sub3A_730, %broadcast_in_dim3A_733 : vector<16xi1>, vector<16xi32>
        %swap3A_735 = arith.constant 1 : i32
        %swap3A_736 = arith.index_cast %swap3A_735 : i32 to index
        %swap3A_737 = arith.constant 48 : index
        %swap3A_738 = tpu.vector_load %arg11[%swap3A_736, %swap3A_737] {strides = array<i32>} : memref<2x128xi32, #tpu.memory_space<vmem>>, vector<1x16xi32>,
        %swap3A_739 = vector.shape_cast %swap3A_738 : vector<1x16xi32> to vector<16xi32>
        %swap3A_740 = vector.shape_cast %select_n3A_734 : vector<16xi32> to vector<1x16xi32>
        tpu.vector_store %arg11[%swap3A_736, %swap3A_737], %swap3A_740 {strides = array<i32>} : memref<2x128xi32, #tpu.memory_space<vmem>>, vector<1x16xi32>,
        %get3A_741 = arith.constant 192 : index
        %get3A_742 = tpu.vector_load %arg9[%get3A_741] {strides = array<i32>} : memref<256xi32, #tpu.memory_space<vmem>>, vector<16xi32>,
        %get3A_743 = vector.shape_cast %get3A_742 : vector<16xi32> to vector<16xi32>
        %ge3A_744 = vector.broadcast %multiple_of3A_10 : i32 to vector<16xi32>
        %ge3A_745 = arith.cmpi sge, %get3A_743, %ge3A_744 : vector<16xi32>
        %add3A_746 = arith.constant 320 : i32
        %add3A_747 = arith.addi %multiple_of3A_10, %add3A_746 : i32
        %lt3A_748 = vector.broadcast %add3A_747 : i32 to vector<16xi32>
        %lt3A_749 = arith.cmpi slt, %get3A_743, %lt3A_748 : vector<16xi32>
        %and3A_750 = arith.andi %ge3A_745, %lt3A_749 : vector<16xi1>
        %sub3A_751 = vector.broadcast %sub3A_27 : i32 to vector<16xi32>
        %sub3A_752 = arith.subi %get3A_743, %sub3A_751 : vector<16xi32>
        %add3A_753 = arith.constant 327 : i32
        %add3A_754 = arith.addi %multiple_of3A, %add3A_753 : i32
        %broadcast_in_dim3A_755 = vector.broadcast %add3A_754 : i32 to vector<16xi32>
        %select_n3A_756 = arith.select %and3A_750, %sub3A_752, %broadcast_in_dim3A_755 : vector<16xi1>, vector<16xi32>
        %swap3A_757 = arith.constant 1 : i32
        %swap3A_758 = arith.index_cast %swap3A_757 : i32 to index
        %swap3A_759 = arith.constant 64 : index
        %swap3A_760 = tpu.vector_load %arg11[%swap3A_758, %swap3A_759] {strides = array<i32>} : memref<2x128xi32, #tpu.memory_space<vmem>>, vector<1x16xi32>,
        %swap3A_761 = vector.shape_cast %swap3A_760 : vector<1x16xi32> to vector<16xi32>
        %swap3A_762 = vector.shape_cast %select_n3A_756 : vector<16xi32> to vector<1x16xi32>
        tpu.vector_store %arg11[%swap3A_758, %swap3A_759], %swap3A_762 {strides = array<i32>} : memref<2x128xi32, #tpu.memory_space<vmem>>, vector<1x16xi32>,
        %get3A_763 = arith.constant 208 : index
        %get3A_764 = tpu.vector_load %arg9[%get3A_763] {strides = array<i32>} : memref<256xi32, #tpu.memory_space<vmem>>, vector<16xi32>,
        %get3A_765 = vector.shape_cast %get3A_764 : vector<16xi32> to vector<16xi32>
        %ge3A_766 = vector.broadcast %multiple_of3A_10 : i32 to vector<16xi32>
        %ge3A_767 = arith.cmpi sge, %get3A_765, %ge3A_766 : vector<16xi32>
        %add3A_768 = arith.constant 320 : i32
        %add3A_769 = arith.addi %multiple_of3A_10, %add3A_768 : i32
        %lt3A_770 = vector.broadcast %add3A_769 : i32 to vector<16xi32>
        %lt3A_771 = arith.cmpi slt, %get3A_765, %lt3A_770 : vector<16xi32>
        %and3A_772 = arith.andi %ge3A_767, %lt3A_771 : vector<16xi1>
        %sub3A_773 = vector.broadcast %sub3A_27 : i32 to vector<16xi32>
        %sub3A_774 = arith.subi %get3A_765, %sub3A_773 : vector<16xi32>
        %add3A_775 = arith.constant 327 : i32
        %add3A_776 = arith.addi %multiple_of3A, %add3A_775 : i32
        %broadcast_in_dim3A_777 = vector.broadcast %add3A_776 : i32 to vector<16xi32>
        %select_n3A_778 = arith.select %and3A_772, %sub3A_774, %broadcast_in_dim3A_777 : vector<16xi1>, vector<16xi32>
        %swap3A_779 = arith.constant 1 : i32
        %swap3A_780 = arith.index_cast %swap3A_779 : i32 to index
        %swap3A_781 = arith.constant 80 : index
        %swap3A_782 = tpu.vector_load %arg11[%swap3A_780, %swap3A_781] {strides = array<i32>} : memref<2x128xi32, #tpu.memory_space<vmem>>, vector<1x16xi32>,
        %swap3A_783 = vector.shape_cast %swap3A_782 : vector<1x16xi32> to vector<16xi32>
        %swap3A_784 = vector.shape_cast %select_n3A_778 : vector<16xi32> to vector<1x16xi32>
        tpu.vector_store %arg11[%swap3A_780, %swap3A_781], %swap3A_784 {strides = array<i32>} : memref<2x128xi32, #tpu.memory_space<vmem>>, vector<1x16xi32>,
        %get3A_785 = arith.constant 224 : index
        %get3A_786 = tpu.vector_load %arg9[%get3A_785] {strides = array<i32>} : memref<256xi32, #tpu.memory_space<vmem>>, vector<16xi32>,
        %get3A_787 = vector.shape_cast %get3A_786 : vector<16xi32> to vector<16xi32>
        %ge3A_788 = vector.broadcast %multiple_of3A_10 : i32 to vector<16xi32>
        %ge3A_789 = arith.cmpi sge, %get3A_787, %ge3A_788 : vector<16xi32>
        %add3A_790 = arith.constant 320 : i32
        %add3A_791 = arith.addi %multiple_of3A_10, %add3A_790 : i32
        %lt3A_792 = vector.broadcast %add3A_791 : i32 to vector<16xi32>
        %lt3A_793 = arith.cmpi slt, %get3A_787, %lt3A_792 : vector<16xi32>
        %and3A_794 = arith.andi %ge3A_789, %lt3A_793 : vector<16xi1>
        %sub3A_795 = vector.broadcast %sub3A_27 : i32 to vector<16xi32>
        %sub3A_796 = arith.subi %get3A_787, %sub3A_795 : vector<16xi32>
        %add3A_797 = arith.constant 327 : i32
        %add3A_798 = arith.addi %multiple_of3A, %add3A_797 : i32
        %broadcast_in_dim3A_799 = vector.broadcast %add3A_798 : i32 to vector<16xi32>
        %select_n3A_800 = arith.select %and3A_794, %sub3A_796, %broadcast_in_dim3A_799 : vector<16xi1>, vector<16xi32>
        %swap3A_801 = arith.constant 1 : i32
        %swap3A_802 = arith.index_cast %swap3A_801 : i32 to index
        %swap3A_803 = arith.constant 96 : index
        %swap3A_804 = tpu.vector_load %arg11[%swap3A_802, %swap3A_803] {strides = array<i32>} : memref<2x128xi32, #tpu.memory_space<vmem>>, vector<1x16xi32>,
        %swap3A_805 = vector.shape_cast %swap3A_804 : vector<1x16xi32> to vector<16xi32>
        %swap3A_806 = vector.shape_cast %select_n3A_800 : vector<16xi32> to vector<1x16xi32>
        tpu.vector_store %arg11[%swap3A_802, %swap3A_803], %swap3A_806 {strides = array<i32>} : memref<2x128xi32, #tpu.memory_space<vmem>>, vector<1x16xi32>,
        %get3A_807 = arith.constant 240 : index
        %get3A_808 = tpu.vector_load %arg9[%get3A_807] {strides = array<i32>} : memref<256xi32, #tpu.memory_space<vmem>>, vector<16xi32>,
        %get3A_809 = vector.shape_cast %get3A_808 : vector<16xi32> to vector<16xi32>
        %ge3A_810 = vector.broadcast %multiple_of3A_10 : i32 to vector<16xi32>
        %ge3A_811 = arith.cmpi sge, %get3A_809, %ge3A_810 : vector<16xi32>
        %add3A_812 = arith.constant 320 : i32
        %add3A_813 = arith.addi %multiple_of3A_10, %add3A_812 : i32
        %lt3A_814 = vector.broadcast %add3A_813 : i32 to vector<16xi32>
        %lt3A_815 = arith.cmpi slt, %get3A_809, %lt3A_814 : vector<16xi32>
        %and3A_816 = arith.andi %ge3A_811, %lt3A_815 : vector<16xi1>
        %sub3A_817 = vector.broadcast %sub3A_27 : i32 to vector<16xi32>
        %sub3A_818 = arith.subi %get3A_809, %sub3A_817 : vector<16xi32>
        %add3A_819 = arith.constant 327 : i32
        %add3A_820 = arith.addi %multiple_of3A, %add3A_819 : i32
        %broadcast_in_dim3A_821 = vector.broadcast %add3A_820 : i32 to vector<16xi32>
        %select_n3A_822 = arith.select %and3A_816, %sub3A_818, %broadcast_in_dim3A_821 : vector<16xi1>, vector<16xi32>
        %swap3A_823 = arith.constant 1 : i32
        %swap3A_824 = arith.index_cast %swap3A_823 : i32 to index
        %swap3A_825 = arith.constant 112 : index
        %swap3A_826 = tpu.vector_load %arg11[%swap3A_824, %swap3A_825] {strides = array<i32>} : memref<2x128xi32, #tpu.memory_space<vmem>>, vector<1x16xi32>,
        %swap3A_827 = vector.shape_cast %swap3A_826 : vector<1x16xi32> to vector<16xi32>
        %swap3A_828 = vector.shape_cast %select_n3A_822 : vector<16xi32> to vector<1x16xi32>
        tpu.vector_store %arg11[%swap3A_824, %swap3A_825], %swap3A_828 {strides = array<i32>} : memref<2x128xi32, #tpu.memory_space<vmem>>, vector<1x16xi32>,
        %add3A_829 = arith.constant 1 : i32
        %add3A_830 = arith.addi %add3A_467, %add3A_829 : i32
        %lt3A_831 = arith.cmpi slt, %add3A_830, %shift_right_logical3A_17 : i32
        %convert_element_type3A_832 = arith.extui %lt3A_831 : i1 to i32
        %cond3A_833 = arith.constant 0 : i32
        %cond3A_834 = arith.cmpi ne, %convert_element_type3A_832, %cond3A_833 : i32
        scf.if %cond3A_834 {
          %gt3A_855 = arith.cmpi sgt, %add3A_467, %shift_right_logical3A_11 : i32
          %convert_element_type3A_856 = arith.extui %gt3A_855 : i1 to i32
          %cond3A_857 = arith.constant 0 : i32
          %cond3A_858 = arith.cmpi ne, %convert_element_type3A_856, %cond3A_857 : i32
          scf.if %cond3A_858 {
            %dma_wait3A_870 = arith.constant 0 : i32
            %dma_wait3A_871 = arith.constant 0 : i32
            %dma_wait3A_872 = tpu.memref_slice %arg6[%dma_wait3A_870, %dma_wait3A_871] : memref<256x128xf32, #tpu.memory_space<vmem>> -> memref<128x128xf32, #tpu.memory_space<vmem>>
            %dma_wait3A_873 = arith.constant 0 : i32
            %dma_wait3A_874 = arith.constant 0 : i32
            %dma_wait3A_875 = tpu.memref_slice %arg2[%dma_wait3A_873, %dma_wait3A_874] : memref<320000x128xf32, #tpu.memory_space<hbm>> -> memref<128x128xf32, #tpu.memory_space<hbm>>
            %dma_wait3A_876 = arith.constant 0 : i32
            %dma_wait3A_877 = arith.constant 0 : i32
            %dma_wait3A_878 = tpu.memref_slice %arg6[%dma_wait3A_876, %dma_wait3A_877] : memref<256x128xf32, #tpu.memory_space<vmem>> -> memref<128x128xf32, #tpu.memory_space<vmem>>
            %dma_wait3A_879 = arith.constant 0 : i32
            %dma_wait3A_880 = arith.constant 0 : i32
            %dma_wait3A_881 = tpu.memref_slice %arg2[%dma_wait3A_879, %dma_wait3A_880] : memref<320000x128xf32, #tpu.memory_space<hbm>> -> memref<128x128xf32, #tpu.memory_space<hbm>>
            tpu.wait_dma2 semaphore(%arg16 : memref<!tpu.dma_semaphore, #tpu.memory_space<semaphore_mem>>) src(%dma_wait3A_881 : memref<128x128xf32, #tpu.memory_space<hbm>>) dst(%dma_wait3A_878 : memref<128x128xf32, #tpu.memory_space<vmem>>)
            %dma_wait3A_882 = arith.constant 128 : i32
            %dma_wait3A_883 = arith.constant 0 : i32
            %dma_wait3A_884 = tpu.memref_slice %arg6[%dma_wait3A_882, %dma_wait3A_883] : memref<256x128xf32, #tpu.memory_space<vmem>> -> memref<128x128xf32, #tpu.memory_space<vmem>>
            %dma_wait3A_885 = arith.constant 0 : i32
            %dma_wait3A_886 = arith.constant 0 : i32
            %dma_wait3A_887 = tpu.memref_slice %arg2[%dma_wait3A_885, %dma_wait3A_886] : memref<320000x128xf32, #tpu.memory_space<hbm>> -> memref<128x128xf32, #tpu.memory_space<hbm>>
            %dma_wait3A_888 = arith.constant 128 : i32
            %dma_wait3A_889 = arith.constant 0 : i32
            %dma_wait3A_890 = tpu.memref_slice %arg6[%dma_wait3A_888, %dma_wait3A_889] : memref<256x128xf32, #tpu.memory_space<vmem>> -> memref<128x128xf32, #tpu.memory_space<vmem>>
            %dma_wait3A_891 = arith.constant 0 : i32
            %dma_wait3A_892 = arith.constant 0 : i32
            %dma_wait3A_893 = tpu.memref_slice %arg2[%dma_wait3A_891, %dma_wait3A_892] : memref<320000x128xf32, #tpu.memory_space<hbm>> -> memref<128x128xf32, #tpu.memory_space<hbm>>
            tpu.wait_dma2 semaphore(%arg16 : memref<!tpu.dma_semaphore, #tpu.memory_space<semaphore_mem>>) src(%dma_wait3A_893 : memref<128x128xf32, #tpu.memory_space<hbm>>) dst(%dma_wait3A_890 : memref<128x128xf32, #tpu.memory_space<vmem>>)
          } else {
          }
          %add3A_859 = arith.constant 1 : i32
          %add3A_860 = arith.addi %add3A_467, %add3A_859 : i32
          %mul3A_861 = arith.constant 256 : i32
          %mul3A_862 = arith.muli %add3A_860, %mul3A_861 : i32
          %multiple_of3A_863 = tpu.assume_multiple %mul3A_862, 8 : i32
          %dma_start3A_864 = arith.constant 0 : i32
          %dma_start3A_865 = tpu.memref_slice %arg2[%multiple_of3A_863, %dma_start3A_864] : memref<320000x128xf32, #tpu.memory_space<hbm>> -> memref<256x128xf32, #tpu.memory_space<hbm>>
          %dma_start3A_866 = arith.constant 0 : i32
          %dma_start3A_867 = tpu.memref_slice %arg2[%multiple_of3A_863, %dma_start3A_866] : memref<320000x128xf32, #tpu.memory_space<hbm>> -> memref<256x128xf32, #tpu.memory_space<hbm>>
          tpu.enqueue_dma source(%dma_start3A_867 : memref<256x128xf32, #tpu.memory_space<hbm>>) target(%arg6 : memref<256x128xf32, #tpu.memory_space<vmem>>) target_semaphore(%arg14 : memref<!tpu.dma_semaphore, #tpu.memory_space<semaphore_mem>>)
          %dma_start3A_868 = tpu.memref_slice %arg3[%multiple_of3A_863] : memref<320000xi32, #tpu.memory_space<hbm>> -> memref<256xi32, #tpu.memory_space<hbm>>
          %dma_start3A_869 = tpu.memref_slice %arg3[%multiple_of3A_863] : memref<320000xi32, #tpu.memory_space<hbm>> -> memref<256xi32, #tpu.memory_space<hbm>>
          tpu.enqueue_dma source(%dma_start3A_869 : memref<256xi32, #tpu.memory_space<hbm>>) target(%arg8 : memref<256xi32, #tpu.memory_space<vmem>>) target_semaphore(%arg14 : memref<!tpu.dma_semaphore, #tpu.memory_space<semaphore_mem>>)
        } else {
        }
        %dma_start3A_835 = arith.constant 0 : i32
        %dma_start3A_836 = arith.constant 0 : i32
        %dma_start3A_837 = arith.constant 0 : i32
        %dma_start3A_838 = tpu.memref_slice %arg7[%dma_start3A_836, %dma_start3A_837] : memref<256x128xf32, #tpu.memory_space<vmem>> -> memref<128x128xf32, #tpu.memory_space<vmem>>
        %dma_start3A_839 = arith.constant 0 : i32
        %dma_start3A_840 = tpu.memref_slice %arg11[%dma_start3A_835, %dma_start3A_839] : memref<2x128xi32, #tpu.memory_space<vmem>> -> memref<1x128xi32, #tpu.memory_space<vmem>>
        %dma_start3A_841 = tpu.memref_squeeze %dma_start3A_840 : memref<1x128xi32, #tpu.memory_space<vmem>> -> memref<128xi32, #tpu.memory_space<vmem>>
        %dma_start3A_842 = arith.constant 0 : i32
        %dma_start3A_843 = arith.constant 0 : i32
        %dma_start3A_844 = tpu.memref_slice %arg13[%dma_start3A_842, %dma_start3A_843] : memref<5248x128xf32, #tpu.memory_space<vmem_shared>> -> memref<5248x128xf32, #tpu.memory_space<vmem_shared>>
        tpu.enqueue_indirect_dma source(%dma_start3A_838 : memref<128x128xf32, #tpu.memory_space<vmem>>) target(%dma_start3A_844 : memref<5248x128xf32, #tpu.memory_space<vmem_shared>>) offsets(%dma_start3A_841 : memref<128xi32, #tpu.memory_space<vmem>>) semaphore(%arg17 : memref<!tpu.dma_semaphore, #tpu.memory_space<semaphore_mem>>) {add = true}
        %dma_start3A_845 = arith.constant 1 : i32
        %dma_start3A_846 = arith.constant 128 : i32
        %dma_start3A_847 = arith.constant 0 : i32
        %dma_start3A_848 = tpu.memref_slice %arg7[%dma_start3A_846, %dma_start3A_847] : memref<256x128xf32, #tpu.memory_space<vmem>> -> memref<128x128xf32, #tpu.memory_space<vmem>>
        %dma_start3A_849 = arith.constant 0 : i32
        %dma_start3A_850 = tpu.memref_slice %arg11[%dma_start3A_845, %dma_start3A_849] : memref<2x128xi32, #tpu.memory_space<vmem>> -> memref<1x128xi32, #tpu.memory_space<vmem>>
        %dma_start3A_851 = tpu.memref_squeeze %dma_start3A_850 : memref<1x128xi32, #tpu.memory_space<vmem>> -> memref<128xi32, #tpu.memory_space<vmem>>
        %dma_start3A_852 = arith.constant 0 : i32
        %dma_start3A_853 = arith.constant 0 : i32
        %dma_start3A_854 = tpu.memref_slice %arg13[%dma_start3A_852, %dma_start3A_853] : memref<5248x128xf32, #tpu.memory_space<vmem_shared>> -> memref<5248x128xf32, #tpu.memory_space<vmem_shared>>
        tpu.enqueue_indirect_dma source(%dma_start3A_848 : memref<128x128xf32, #tpu.memory_space<vmem>>) target(%dma_start3A_854 : memref<5248x128xf32, #tpu.memory_space<vmem_shared>>) offsets(%dma_start3A_851 : memref<128xi32, #tpu.memory_space<vmem>>) semaphore(%arg17 : memref<!tpu.dma_semaphore, #tpu.memory_space<semaphore_mem>>) {add = true}
      } else {
      }
    }
    %while3A_55 = arith.constant 1 : i32
    scf.for %while3A_74 = %while3A_53 to %while3A_49 step %while3A_55  : i32 {
      %mul3A_75 = arith.constant 2 : i32
      %mul3A_76 = arith.muli %mul3A_75, %while3A_74 : i32
      %add3A_77 = arith.addi %shift_right_logical3A_11, %mul3A_76 : i32
      %mul3A_78 = arith.constant 256 : i32
      %mul3A_79 = arith.muli %add3A_77, %mul3A_78 : i32
      %multiple_of3A_80 = tpu.assume_multiple %mul3A_79, 8 : i32
      %dma_wait3A = arith.constant 0 : i32
      %dma_wait3A_81 = tpu.memref_slice %arg2[%multiple_of3A_80, %dma_wait3A] : memref<320000x128xf32, #tpu.memory_space<hbm>> -> memref<256x128xf32, #tpu.memory_space<hbm>>
      %dma_wait3A_82 = arith.constant 0 : i32
      %dma_wait3A_83 = tpu.memref_slice %arg2[%multiple_of3A_80, %dma_wait3A_82] : memref<320000x128xf32, #tpu.memory_space<hbm>> -> memref<256x128xf32, #tpu.memory_space<hbm>>
      tpu.wait_dma2 semaphore(%arg14 : memref<!tpu.dma_semaphore, #tpu.memory_space<semaphore_mem>>) src(%dma_wait3A_83 : memref<256x128xf32, #tpu.memory_space<hbm>>) dst(%arg6 : memref<256x128xf32, #tpu.memory_space<vmem>>)
      %dma_wait3A_84 = tpu.memref_slice %arg3[%multiple_of3A_80] : memref<320000xi32, #tpu.memory_space<hbm>> -> memref<256xi32, #tpu.memory_space<hbm>>
      %dma_wait3A_85 = tpu.memref_slice %arg3[%multiple_of3A_80] : memref<320000xi32, #tpu.memory_space<hbm>> -> memref<256xi32, #tpu.memory_space<hbm>>
      tpu.wait_dma2 semaphore(%arg14 : memref<!tpu.dma_semaphore, #tpu.memory_space<semaphore_mem>>) src(%dma_wait3A_85 : memref<256xi32, #tpu.memory_space<hbm>>) dst(%arg8 : memref<256xi32, #tpu.memory_space<vmem>>)
      %get3A_86 = arith.constant 0 : index
      %get3A_87 = tpu.vector_load %arg8[%get3A_86] {strides = array<i32>} : memref<256xi32, #tpu.memory_space<vmem>>, vector<16xi32>,
      %get3A_88 = vector.shape_cast %get3A_87 : vector<16xi32> to vector<16xi32>
      %ge3A_89 = vector.broadcast %multiple_of3A_10 : i32 to vector<16xi32>
      %ge3A_90 = arith.cmpi sge, %get3A_88, %ge3A_89 : vector<16xi32>
      %add3A_91 = arith.constant 320 : i32
      %add3A_92 = arith.addi %multiple_of3A_10, %add3A_91 : i32
      %lt3A = vector.broadcast %add3A_92 : i32 to vector<16xi32>
      %lt3A_93 = arith.cmpi slt, %get3A_88, %lt3A : vector<16xi32>
      %and3A_94 = arith.andi %ge3A_90, %lt3A_93 : vector<16xi1>
      %sub3A_95 = vector.broadcast %sub3A_27 : i32 to vector<16xi32>
      %sub3A_96 = arith.subi %get3A_88, %sub3A_95 : vector<16xi32>
      %add3A_97 = arith.constant 327 : i32
      %add3A_98 = arith.addi %multiple_of3A, %add3A_97 : i32
      %broadcast_in_dim3A = vector.broadcast %add3A_98 : i32 to vector<16xi32>
      %select_n3A_99 = arith.select %and3A_94, %sub3A_96, %broadcast_in_dim3A : vector<16xi1>, vector<16xi32>
      %swap3A = arith.constant 0 : i32
      %swap3A_100 = arith.index_cast %swap3A : i32 to index
      %swap3A_101 = arith.constant 0 : index
      %swap3A_102 = tpu.vector_load %arg10[%swap3A_100, %swap3A_101] {strides = array<i32>} : memref<2x128xi32, #tpu.memory_space<vmem>>, vector<1x16xi32>,
      %swap3A_103 = vector.shape_cast %swap3A_102 : vector<1x16xi32> to vector<16xi32>
      %swap3A_104 = vector.shape_cast %select_n3A_99 : vector<16xi32> to vector<1x16xi32>
      tpu.vector_store %arg10[%swap3A_100, %swap3A_101], %swap3A_104 {strides = array<i32>} : memref<2x128xi32, #tpu.memory_space<vmem>>, vector<1x16xi32>,
      %get3A_105 = arith.constant 16 : index
      %get3A_106 = tpu.vector_load %arg8[%get3A_105] {strides = array<i32>} : memref<256xi32, #tpu.memory_space<vmem>>, vector<16xi32>,
      %get3A_107 = vector.shape_cast %get3A_106 : vector<16xi32> to vector<16xi32>
      %ge3A_108 = vector.broadcast %multiple_of3A_10 : i32 to vector<16xi32>
      %ge3A_109 = arith.cmpi sge, %get3A_107, %ge3A_108 : vector<16xi32>
      %add3A_110 = arith.constant 320 : i32
      %add3A_111 = arith.addi %multiple_of3A_10, %add3A_110 : i32
      %lt3A_112 = vector.broadcast %add3A_111 : i32 to vector<16xi32>
      %lt3A_113 = arith.cmpi slt, %get3A_107, %lt3A_112 : vector<16xi32>
      %and3A_114 = arith.andi %ge3A_109, %lt3A_113 : vector<16xi1>
      %sub3A_115 = vector.broadcast %sub3A_27 : i32 to vector<16xi32>
      %sub3A_116 = arith.subi %get3A_107, %sub3A_115 : vector<16xi32>
      %add3A_117 = arith.constant 327 : i32
      %add3A_118 = arith.addi %multiple_of3A, %add3A_117 : i32
      %broadcast_in_dim3A_119 = vector.broadcast %add3A_118 : i32 to vector<16xi32>
      %select_n3A_120 = arith.select %and3A_114, %sub3A_116, %broadcast_in_dim3A_119 : vector<16xi1>, vector<16xi32>
      %swap3A_121 = arith.constant 0 : i32
      %swap3A_122 = arith.index_cast %swap3A_121 : i32 to index
      %swap3A_123 = arith.constant 16 : index
      %swap3A_124 = tpu.vector_load %arg10[%swap3A_122, %swap3A_123] {strides = array<i32>} : memref<2x128xi32, #tpu.memory_space<vmem>>, vector<1x16xi32>,
      %swap3A_125 = vector.shape_cast %swap3A_124 : vector<1x16xi32> to vector<16xi32>
      %swap3A_126 = vector.shape_cast %select_n3A_120 : vector<16xi32> to vector<1x16xi32>
      tpu.vector_store %arg10[%swap3A_122, %swap3A_123], %swap3A_126 {strides = array<i32>} : memref<2x128xi32, #tpu.memory_space<vmem>>, vector<1x16xi32>,
      %get3A_127 = arith.constant 32 : index
      %get3A_128 = tpu.vector_load %arg8[%get3A_127] {strides = array<i32>} : memref<256xi32, #tpu.memory_space<vmem>>, vector<16xi32>,
      %get3A_129 = vector.shape_cast %get3A_128 : vector<16xi32> to vector<16xi32>
      %ge3A_130 = vector.broadcast %multiple_of3A_10 : i32 to vector<16xi32>
      %ge3A_131 = arith.cmpi sge, %get3A_129, %ge3A_130 : vector<16xi32>
      %add3A_132 = arith.constant 320 : i32
      %add3A_133 = arith.addi %multiple_of3A_10, %add3A_132 : i32
      %lt3A_134 = vector.broadcast %add3A_133 : i32 to vector<16xi32>
      %lt3A_135 = arith.cmpi slt, %get3A_129, %lt3A_134 : vector<16xi32>
      %and3A_136 = arith.andi %ge3A_131, %lt3A_135 : vector<16xi1>
      %sub3A_137 = vector.broadcast %sub3A_27 : i32 to vector<16xi32>
      %sub3A_138 = arith.subi %get3A_129, %sub3A_137 : vector<16xi32>
      %add3A_139 = arith.constant 327 : i32
      %add3A_140 = arith.addi %multiple_of3A, %add3A_139 : i32
      %broadcast_in_dim3A_141 = vector.broadcast %add3A_140 : i32 to vector<16xi32>
      %select_n3A_142 = arith.select %and3A_136, %sub3A_138, %broadcast_in_dim3A_141 : vector<16xi1>, vector<16xi32>
      %swap3A_143 = arith.constant 0 : i32
      %swap3A_144 = arith.index_cast %swap3A_143 : i32 to index
      %swap3A_145 = arith.constant 32 : index
      %swap3A_146 = tpu.vector_load %arg10[%swap3A_144, %swap3A_145] {strides = array<i32>} : memref<2x128xi32, #tpu.memory_space<vmem>>, vector<1x16xi32>,
      %swap3A_147 = vector.shape_cast %swap3A_146 : vector<1x16xi32> to vector<16xi32>
      %swap3A_148 = vector.shape_cast %select_n3A_142 : vector<16xi32> to vector<1x16xi32>
      tpu.vector_store %arg10[%swap3A_144, %swap3A_145], %swap3A_148 {strides = array<i32>} : memref<2x128xi32, #tpu.memory_space<vmem>>, vector<1x16xi32>,
      %get3A_149 = arith.constant 48 : index
      %get3A_150 = tpu.vector_load %arg8[%get3A_149] {strides = array<i32>} : memref<256xi32, #tpu.memory_space<vmem>>, vector<16xi32>,
      %get3A_151 = vector.shape_cast %get3A_150 : vector<16xi32> to vector<16xi32>
      %ge3A_152 = vector.broadcast %multiple_of3A_10 : i32 to vector<16xi32>
      %ge3A_153 = arith.cmpi sge, %get3A_151, %ge3A_152 : vector<16xi32>
      %add3A_154 = arith.constant 320 : i32
      %add3A_155 = arith.addi %multiple_of3A_10, %add3A_154 : i32
      %lt3A_156 = vector.broadcast %add3A_155 : i32 to vector<16xi32>
      %lt3A_157 = arith.cmpi slt, %get3A_151, %lt3A_156 : vector<16xi32>
      %and3A_158 = arith.andi %ge3A_153, %lt3A_157 : vector<16xi1>
      %sub3A_159 = vector.broadcast %sub3A_27 : i32 to vector<16xi32>
      %sub3A_160 = arith.subi %get3A_151, %sub3A_159 : vector<16xi32>
      %add3A_161 = arith.constant 327 : i32
      %add3A_162 = arith.addi %multiple_of3A, %add3A_161 : i32
      %broadcast_in_dim3A_163 = vector.broadcast %add3A_162 : i32 to vector<16xi32>
      %select_n3A_164 = arith.select %and3A_158, %sub3A_160, %broadcast_in_dim3A_163 : vector<16xi1>, vector<16xi32>
      %swap3A_165 = arith.constant 0 : i32
      %swap3A_166 = arith.index_cast %swap3A_165 : i32 to index
      %swap3A_167 = arith.constant 48 : index
      %swap3A_168 = tpu.vector_load %arg10[%swap3A_166, %swap3A_167] {strides = array<i32>} : memref<2x128xi32, #tpu.memory_space<vmem>>, vector<1x16xi32>,
      %swap3A_169 = vector.shape_cast %swap3A_168 : vector<1x16xi32> to vector<16xi32>
      %swap3A_170 = vector.shape_cast %select_n3A_164 : vector<16xi32> to vector<1x16xi32>
      tpu.vector_store %arg10[%swap3A_166, %swap3A_167], %swap3A_170 {strides = array<i32>} : memref<2x128xi32, #tpu.memory_space<vmem>>, vector<1x16xi32>,
      %get3A_171 = arith.constant 64 : index
      %get3A_172 = tpu.vector_load %arg8[%get3A_171] {strides = array<i32>} : memref<256xi32, #tpu.memory_space<vmem>>, vector<16xi32>,
      %get3A_173 = vector.shape_cast %get3A_172 : vector<16xi32> to vector<16xi32>
      %ge3A_174 = vector.broadcast %multiple_of3A_10 : i32 to vector<16xi32>
      %ge3A_175 = arith.cmpi sge, %get3A_173, %ge3A_174 : vector<16xi32>
      %add3A_176 = arith.constant 320 : i32
      %add3A_177 = arith.addi %multiple_of3A_10, %add3A_176 : i32
      %lt3A_178 = vector.broadcast %add3A_177 : i32 to vector<16xi32>
      %lt3A_179 = arith.cmpi slt, %get3A_173, %lt3A_178 : vector<16xi32>
      %and3A_180 = arith.andi %ge3A_175, %lt3A_179 : vector<16xi1>
      %sub3A_181 = vector.broadcast %sub3A_27 : i32 to vector<16xi32>
      %sub3A_182 = arith.subi %get3A_173, %sub3A_181 : vector<16xi32>
      %add3A_183 = arith.constant 327 : i32
      %add3A_184 = arith.addi %multiple_of3A, %add3A_183 : i32
      %broadcast_in_dim3A_185 = vector.broadcast %add3A_184 : i32 to vector<16xi32>
      %select_n3A_186 = arith.select %and3A_180, %sub3A_182, %broadcast_in_dim3A_185 : vector<16xi1>, vector<16xi32>
      %swap3A_187 = arith.constant 0 : i32
      %swap3A_188 = arith.index_cast %swap3A_187 : i32 to index
      %swap3A_189 = arith.constant 64 : index
      %swap3A_190 = tpu.vector_load %arg10[%swap3A_188, %swap3A_189] {strides = array<i32>} : memref<2x128xi32, #tpu.memory_space<vmem>>, vector<1x16xi32>,
      %swap3A_191 = vector.shape_cast %swap3A_190 : vector<1x16xi32> to vector<16xi32>
      %swap3A_192 = vector.shape_cast %select_n3A_186 : vector<16xi32> to vector<1x16xi32>
      tpu.vector_store %arg10[%swap3A_188, %swap3A_189], %swap3A_192 {strides = array<i32>} : memref<2x128xi32, #tpu.memory_space<vmem>>, vector<1x16xi32>,
      %get3A_193 = arith.constant 80 : index
      %get3A_194 = tpu.vector_load %arg8[%get3A_193] {strides = array<i32>} : memref<256xi32, #tpu.memory_space<vmem>>, vector<16xi32>,
      %get3A_195 = vector.shape_cast %get3A_194 : vector<16xi32> to vector<16xi32>
      %ge3A_196 = vector.broadcast %multiple_of3A_10 : i32 to vector<16xi32>
      %ge3A_197 = arith.cmpi sge, %get3A_195, %ge3A_196 : vector<16xi32>
      %add3A_198 = arith.constant 320 : i32
      %add3A_199 = arith.addi %multiple_of3A_10, %add3A_198 : i32
      %lt3A_200 = vector.broadcast %add3A_199 : i32 to vector<16xi32>
      %lt3A_201 = arith.cmpi slt, %get3A_195, %lt3A_200 : vector<16xi32>
      %and3A_202 = arith.andi %ge3A_197, %lt3A_201 : vector<16xi1>
      %sub3A_203 = vector.broadcast %sub3A_27 : i32 to vector<16xi32>
      %sub3A_204 = arith.subi %get3A_195, %sub3A_203 : vector<16xi32>
      %add3A_205 = arith.constant 327 : i32
      %add3A_206 = arith.addi %multiple_of3A, %add3A_205 : i32
      %broadcast_in_dim3A_207 = vector.broadcast %add3A_206 : i32 to vector<16xi32>
      %select_n3A_208 = arith.select %and3A_202, %sub3A_204, %broadcast_in_dim3A_207 : vector<16xi1>, vector<16xi32>
      %swap3A_209 = arith.constant 0 : i32
      %swap3A_210 = arith.index_cast %swap3A_209 : i32 to index
      %swap3A_211 = arith.constant 80 : index
      %swap3A_212 = tpu.vector_load %arg10[%swap3A_210, %swap3A_211] {strides = array<i32>} : memref<2x128xi32, #tpu.memory_space<vmem>>, vector<1x16xi32>,
      %swap3A_213 = vector.shape_cast %swap3A_212 : vector<1x16xi32> to vector<16xi32>
      %swap3A_214 = vector.shape_cast %select_n3A_208 : vector<16xi32> to vector<1x16xi32>
      tpu.vector_store %arg10[%swap3A_210, %swap3A_211], %swap3A_214 {strides = array<i32>} : memref<2x128xi32, #tpu.memory_space<vmem>>, vector<1x16xi32>,
      %get3A_215 = arith.constant 96 : index
      %get3A_216 = tpu.vector_load %arg8[%get3A_215] {strides = array<i32>} : memref<256xi32, #tpu.memory_space<vmem>>, vector<16xi32>,
      %get3A_217 = vector.shape_cast %get3A_216 : vector<16xi32> to vector<16xi32>
      %ge3A_218 = vector.broadcast %multiple_of3A_10 : i32 to vector<16xi32>
      %ge3A_219 = arith.cmpi sge, %get3A_217, %ge3A_218 : vector<16xi32>
      %add3A_220 = arith.constant 320 : i32
      %add3A_221 = arith.addi %multiple_of3A_10, %add3A_220 : i32
      %lt3A_222 = vector.broadcast %add3A_221 : i32 to vector<16xi32>
      %lt3A_223 = arith.cmpi slt, %get3A_217, %lt3A_222 : vector<16xi32>
      %and3A_224 = arith.andi %ge3A_219, %lt3A_223 : vector<16xi1>
      %sub3A_225 = vector.broadcast %sub3A_27 : i32 to vector<16xi32>
      %sub3A_226 = arith.subi %get3A_217, %sub3A_225 : vector<16xi32>
      %add3A_227 = arith.constant 327 : i32
      %add3A_228 = arith.addi %multiple_of3A, %add3A_227 : i32
      %broadcast_in_dim3A_229 = vector.broadcast %add3A_228 : i32 to vector<16xi32>
      %select_n3A_230 = arith.select %and3A_224, %sub3A_226, %broadcast_in_dim3A_229 : vector<16xi1>, vector<16xi32>
      %swap3A_231 = arith.constant 0 : i32
      %swap3A_232 = arith.index_cast %swap3A_231 : i32 to index
      %swap3A_233 = arith.constant 96 : index
      %swap3A_234 = tpu.vector_load %arg10[%swap3A_232, %swap3A_233] {strides = array<i32>} : memref<2x128xi32, #tpu.memory_space<vmem>>, vector<1x16xi32>,
      %swap3A_235 = vector.shape_cast %swap3A_234 : vector<1x16xi32> to vector<16xi32>
      %swap3A_236 = vector.shape_cast %select_n3A_230 : vector<16xi32> to vector<1x16xi32>
      tpu.vector_store %arg10[%swap3A_232, %swap3A_233], %swap3A_236 {strides = array<i32>} : memref<2x128xi32, #tpu.memory_space<vmem>>, vector<1x16xi32>,
      %get3A_237 = arith.constant 112 : index
      %get3A_238 = tpu.vector_load %arg8[%get3A_237] {strides = array<i32>} : memref<256xi32, #tpu.memory_space<vmem>>, vector<16xi32>,
      %get3A_239 = vector.shape_cast %get3A_238 : vector<16xi32> to vector<16xi32>
      %ge3A_240 = vector.broadcast %multiple_of3A_10 : i32 to vector<16xi32>
      %ge3A_241 = arith.cmpi sge, %get3A_239, %ge3A_240 : vector<16xi32>
      %add3A_242 = arith.constant 320 : i32
      %add3A_243 = arith.addi %multiple_of3A_10, %add3A_242 : i32
      %lt3A_244 = vector.broadcast %add3A_243 : i32 to vector<16xi32>
      %lt3A_245 = arith.cmpi slt, %get3A_239, %lt3A_244 : vector<16xi32>
      %and3A_246 = arith.andi %ge3A_241, %lt3A_245 : vector<16xi1>
      %sub3A_247 = vector.broadcast %sub3A_27 : i32 to vector<16xi32>
      %sub3A_248 = arith.subi %get3A_239, %sub3A_247 : vector<16xi32>
      %add3A_249 = arith.constant 327 : i32
      %add3A_250 = arith.addi %multiple_of3A, %add3A_249 : i32
      %broadcast_in_dim3A_251 = vector.broadcast %add3A_250 : i32 to vector<16xi32>
      %select_n3A_252 = arith.select %and3A_246, %sub3A_248, %broadcast_in_dim3A_251 : vector<16xi1>, vector<16xi32>
      %swap3A_253 = arith.constant 0 : i32
      %swap3A_254 = arith.index_cast %swap3A_253 : i32 to index
      %swap3A_255 = arith.constant 112 : index
      %swap3A_256 = tpu.vector_load %arg10[%swap3A_254, %swap3A_255] {strides = array<i32>} : memref<2x128xi32, #tpu.memory_space<vmem>>, vector<1x16xi32>,
      %swap3A_257 = vector.shape_cast %swap3A_256 : vector<1x16xi32> to vector<16xi32>
      %swap3A_258 = vector.shape_cast %select_n3A_252 : vector<16xi32> to vector<1x16xi32>
      tpu.vector_store %arg10[%swap3A_254, %swap3A_255], %swap3A_258 {strides = array<i32>} : memref<2x128xi32, #tpu.memory_space<vmem>>, vector<1x16xi32>,
      %get3A_259 = arith.constant 128 : index
      %get3A_260 = tpu.vector_load %arg8[%get3A_259] {strides = array<i32>} : memref<256xi32, #tpu.memory_space<vmem>>, vector<16xi32>,
      %get3A_261 = vector.shape_cast %get3A_260 : vector<16xi32> to vector<16xi32>
      %ge3A_262 = vector.broadcast %multiple_of3A_10 : i32 to vector<16xi32>
      %ge3A_263 = arith.cmpi sge, %get3A_261, %ge3A_262 : vector<16xi32>
      %add3A_264 = arith.constant 320 : i32
      %add3A_265 = arith.addi %multiple_of3A_10, %add3A_264 : i32
      %lt3A_266 = vector.broadcast %add3A_265 : i32 to vector<16xi32>
      %lt3A_267 = arith.cmpi slt, %get3A_261, %lt3A_266 : vector<16xi32>
      %and3A_268 = arith.andi %ge3A_263, %lt3A_267 : vector<16xi1>
      %sub3A_269 = vector.broadcast %sub3A_27 : i32 to vector<16xi32>
      %sub3A_270 = arith.subi %get3A_261, %sub3A_269 : vector<16xi32>
      %add3A_271 = arith.constant 327 : i32
      %add3A_272 = arith.addi %multiple_of3A, %add3A_271 : i32
      %broadcast_in_dim3A_273 = vector.broadcast %add3A_272 : i32 to vector<16xi32>
      %select_n3A_274 = arith.select %and3A_268, %sub3A_270, %broadcast_in_dim3A_273 : vector<16xi1>, vector<16xi32>
      %swap3A_275 = arith.constant 1 : i32
      %swap3A_276 = arith.index_cast %swap3A_275 : i32 to index
      %swap3A_277 = arith.constant 0 : index
      %swap3A_278 = tpu.vector_load %arg10[%swap3A_276, %swap3A_277] {strides = array<i32>} : memref<2x128xi32, #tpu.memory_space<vmem>>, vector<1x16xi32>,
      %swap3A_279 = vector.shape_cast %swap3A_278 : vector<1x16xi32> to vector<16xi32>
      %swap3A_280 = vector.shape_cast %select_n3A_274 : vector<16xi32> to vector<1x16xi32>
      tpu.vector_store %arg10[%swap3A_276, %swap3A_277], %swap3A_280 {strides = array<i32>} : memref<2x128xi32, #tpu.memory_space<vmem>>, vector<1x16xi32>,
      %get3A_281 = arith.constant 144 : index
      %get3A_282 = tpu.vector_load %arg8[%get3A_281] {strides = array<i32>} : memref<256xi32, #tpu.memory_space<vmem>>, vector<16xi32>,
      %get3A_283 = vector.shape_cast %get3A_282 : vector<16xi32> to vector<16xi32>
      %ge3A_284 = vector.broadcast %multiple_of3A_10 : i32 to vector<16xi32>
      %ge3A_285 = arith.cmpi sge, %get3A_283, %ge3A_284 : vector<16xi32>
      %add3A_286 = arith.constant 320 : i32
      %add3A_287 = arith.addi %multiple_of3A_10, %add3A_286 : i32
      %lt3A_288 = vector.broadcast %add3A_287 : i32 to vector<16xi32>
      %lt3A_289 = arith.cmpi slt, %get3A_283, %lt3A_288 : vector<16xi32>
      %and3A_290 = arith.andi %ge3A_285, %lt3A_289 : vector<16xi1>
      %sub3A_291 = vector.broadcast %sub3A_27 : i32 to vector<16xi32>
      %sub3A_292 = arith.subi %get3A_283, %sub3A_291 : vector<16xi32>
      %add3A_293 = arith.constant 327 : i32
      %add3A_294 = arith.addi %multiple_of3A, %add3A_293 : i32
      %broadcast_in_dim3A_295 = vector.broadcast %add3A_294 : i32 to vector<16xi32>
      %select_n3A_296 = arith.select %and3A_290, %sub3A_292, %broadcast_in_dim3A_295 : vector<16xi1>, vector<16xi32>
      %swap3A_297 = arith.constant 1 : i32
      %swap3A_298 = arith.index_cast %swap3A_297 : i32 to index
      %swap3A_299 = arith.constant 16 : index
      %swap3A_300 = tpu.vector_load %arg10[%swap3A_298, %swap3A_299] {strides = array<i32>} : memref<2x128xi32, #tpu.memory_space<vmem>>, vector<1x16xi32>,
      %swap3A_301 = vector.shape_cast %swap3A_300 : vector<1x16xi32> to vector<16xi32>
      %swap3A_302 = vector.shape_cast %select_n3A_296 : vector<16xi32> to vector<1x16xi32>
      tpu.vector_store %arg10[%swap3A_298, %swap3A_299], %swap3A_302 {strides = array<i32>} : memref<2x128xi32, #tpu.memory_space<vmem>>, vector<1x16xi32>,
      %get3A_303 = arith.constant 160 : index
      %get3A_304 = tpu.vector_load %arg8[%get3A_303] {strides = array<i32>} : memref<256xi32, #tpu.memory_space<vmem>>, vector<16xi32>,
      %get3A_305 = vector.shape_cast %get3A_304 : vector<16xi32> to vector<16xi32>
      %ge3A_306 = vector.broadcast %multiple_of3A_10 : i32 to vector<16xi32>
      %ge3A_307 = arith.cmpi sge, %get3A_305, %ge3A_306 : vector<16xi32>
      %add3A_308 = arith.constant 320 : i32
      %add3A_309 = arith.addi %multiple_of3A_10, %add3A_308 : i32
      %lt3A_310 = vector.broadcast %add3A_309 : i32 to vector<16xi32>
      %lt3A_311 = arith.cmpi slt, %get3A_305, %lt3A_310 : vector<16xi32>
      %and3A_312 = arith.andi %ge3A_307, %lt3A_311 : vector<16xi1>
      %sub3A_313 = vector.broadcast %sub3A_27 : i32 to vector<16xi32>
      %sub3A_314 = arith.subi %get3A_305, %sub3A_313 : vector<16xi32>
      %add3A_315 = arith.constant 327 : i32
      %add3A_316 = arith.addi %multiple_of3A, %add3A_315 : i32
      %broadcast_in_dim3A_317 = vector.broadcast %add3A_316 : i32 to vector<16xi32>
      %select_n3A_318 = arith.select %and3A_312, %sub3A_314, %broadcast_in_dim3A_317 : vector<16xi1>, vector<16xi32>
      %swap3A_319 = arith.constant 1 : i32
      %swap3A_320 = arith.index_cast %swap3A_319 : i32 to index
      %swap3A_321 = arith.constant 32 : index
      %swap3A_322 = tpu.vector_load %arg10[%swap3A_320, %swap3A_321] {strides = array<i32>} : memref<2x128xi32, #tpu.memory_space<vmem>>, vector<1x16xi32>,
      %swap3A_323 = vector.shape_cast %swap3A_322 : vector<1x16xi32> to vector<16xi32>
      %swap3A_324 = vector.shape_cast %select_n3A_318 : vector<16xi32> to vector<1x16xi32>
      tpu.vector_store %arg10[%swap3A_320, %swap3A_321], %swap3A_324 {strides = array<i32>} : memref<2x128xi32, #tpu.memory_space<vmem>>, vector<1x16xi32>,
      %get3A_325 = arith.constant 176 : index
      %get3A_326 = tpu.vector_load %arg8[%get3A_325] {strides = array<i32>} : memref<256xi32, #tpu.memory_space<vmem>>, vector<16xi32>,
      %get3A_327 = vector.shape_cast %get3A_326 : vector<16xi32> to vector<16xi32>
      %ge3A_328 = vector.broadcast %multiple_of3A_10 : i32 to vector<16xi32>
      %ge3A_329 = arith.cmpi sge, %get3A_327, %ge3A_328 : vector<16xi32>
      %add3A_330 = arith.constant 320 : i32
      %add3A_331 = arith.addi %multiple_of3A_10, %add3A_330 : i32
      %lt3A_332 = vector.broadcast %add3A_331 : i32 to vector<16xi32>
      %lt3A_333 = arith.cmpi slt, %get3A_327, %lt3A_332 : vector<16xi32>
      %and3A_334 = arith.andi %ge3A_329, %lt3A_333 : vector<16xi1>
      %sub3A_335 = vector.broadcast %sub3A_27 : i32 to vector<16xi32>
      %sub3A_336 = arith.subi %get3A_327, %sub3A_335 : vector<16xi32>
      %add3A_337 = arith.constant 327 : i32
      %add3A_338 = arith.addi %multiple_of3A, %add3A_337 : i32
      %broadcast_in_dim3A_339 = vector.broadcast %add3A_338 : i32 to vector<16xi32>
      %select_n3A_340 = arith.select %and3A_334, %sub3A_336, %broadcast_in_dim3A_339 : vector<16xi1>, vector<16xi32>
      %swap3A_341 = arith.constant 1 : i32
      %swap3A_342 = arith.index_cast %swap3A_341 : i32 to index
      %swap3A_343 = arith.constant 48 : index
      %swap3A_344 = tpu.vector_load %arg10[%swap3A_342, %swap3A_343] {strides = array<i32>} : memref<2x128xi32, #tpu.memory_space<vmem>>, vector<1x16xi32>,
      %swap3A_345 = vector.shape_cast %swap3A_344 : vector<1x16xi32> to vector<16xi32>
      %swap3A_346 = vector.shape_cast %select_n3A_340 : vector<16xi32> to vector<1x16xi32>
      tpu.vector_store %arg10[%swap3A_342, %swap3A_343], %swap3A_346 {strides = array<i32>} : memref<2x128xi32, #tpu.memory_space<vmem>>, vector<1x16xi32>,
      %get3A_347 = arith.constant 192 : index
      %get3A_348 = tpu.vector_load %arg8[%get3A_347] {strides = array<i32>} : memref<256xi32, #tpu.memory_space<vmem>>, vector<16xi32>,
      %get3A_349 = vector.shape_cast %get3A_348 : vector<16xi32> to vector<16xi32>
      %ge3A_350 = vector.broadcast %multiple_of3A_10 : i32 to vector<16xi32>
      %ge3A_351 = arith.cmpi sge, %get3A_349, %ge3A_350 : vector<16xi32>
      %add3A_352 = arith.constant 320 : i32
      %add3A_353 = arith.addi %multiple_of3A_10, %add3A_352 : i32
      %lt3A_354 = vector.broadcast %add3A_353 : i32 to vector<16xi32>
      %lt3A_355 = arith.cmpi slt, %get3A_349, %lt3A_354 : vector<16xi32>
      %and3A_356 = arith.andi %ge3A_351, %lt3A_355 : vector<16xi1>
      %sub3A_357 = vector.broadcast %sub3A_27 : i32 to vector<16xi32>
      %sub3A_358 = arith.subi %get3A_349, %sub3A_357 : vector<16xi32>
      %add3A_359 = arith.constant 327 : i32
      %add3A_360 = arith.addi %multiple_of3A, %add3A_359 : i32
      %broadcast_in_dim3A_361 = vector.broadcast %add3A_360 : i32 to vector<16xi32>
      %select_n3A_362 = arith.select %and3A_356, %sub3A_358, %broadcast_in_dim3A_361 : vector<16xi1>, vector<16xi32>
      %swap3A_363 = arith.constant 1 : i32
      %swap3A_364 = arith.index_cast %swap3A_363 : i32 to index
      %swap3A_365 = arith.constant 64 : index
      %swap3A_366 = tpu.vector_load %arg10[%swap3A_364, %swap3A_365] {strides = array<i32>} : memref<2x128xi32, #tpu.memory_space<vmem>>, vector<1x16xi32>,
      %swap3A_367 = vector.shape_cast %swap3A_366 : vector<1x16xi32> to vector<16xi32>
      %swap3A_368 = vector.shape_cast %select_n3A_362 : vector<16xi32> to vector<1x16xi32>
      tpu.vector_store %arg10[%swap3A_364, %swap3A_365], %swap3A_368 {strides = array<i32>} : memref<2x128xi32, #tpu.memory_space<vmem>>, vector<1x16xi32>,
      %get3A_369 = arith.constant 208 : index
      %get3A_370 = tpu.vector_load %arg8[%get3A_369] {strides = array<i32>} : memref<256xi32, #tpu.memory_space<vmem>>, vector<16xi32>,
      %get3A_371 = vector.shape_cast %get3A_370 : vector<16xi32> to vector<16xi32>
      %ge3A_372 = vector.broadcast %multiple_of3A_10 : i32 to vector<16xi32>
      %ge3A_373 = arith.cmpi sge, %get3A_371, %ge3A_372 : vector<16xi32>
      %add3A_374 = arith.constant 320 : i32
      %add3A_375 = arith.addi %multiple_of3A_10, %add3A_374 : i32
      %lt3A_376 = vector.broadcast %add3A_375 : i32 to vector<16xi32>
      %lt3A_377 = arith.cmpi slt, %get3A_371, %lt3A_376 : vector<16xi32>
      %and3A_378 = arith.andi %ge3A_373, %lt3A_377 : vector<16xi1>
      %sub3A_379 = vector.broadcast %sub3A_27 : i32 to vector<16xi32>
      %sub3A_380 = arith.subi %get3A_371, %sub3A_379 : vector<16xi32>
      %add3A_381 = arith.constant 327 : i32
      %add3A_382 = arith.addi %multiple_of3A, %add3A_381 : i32
      %broadcast_in_dim3A_383 = vector.broadcast %add3A_382 : i32 to vector<16xi32>
      %select_n3A_384 = arith.select %and3A_378, %sub3A_380, %broadcast_in_dim3A_383 : vector<16xi1>, vector<16xi32>
      %swap3A_385 = arith.constant 1 : i32
      %swap3A_386 = arith.index_cast %swap3A_385 : i32 to index
      %swap3A_387 = arith.constant 80 : index
      %swap3A_388 = tpu.vector_load %arg10[%swap3A_386, %swap3A_387] {strides = array<i32>} : memref<2x128xi32, #tpu.memory_space<vmem>>, vector<1x16xi32>,
      %swap3A_389 = vector.shape_cast %swap3A_388 : vector<1x16xi32> to vector<16xi32>
      %swap3A_390 = vector.shape_cast %select_n3A_384 : vector<16xi32> to vector<1x16xi32>
      tpu.vector_store %arg10[%swap3A_386, %swap3A_387], %swap3A_390 {strides = array<i32>} : memref<2x128xi32, #tpu.memory_space<vmem>>, vector<1x16xi32>,
      %get3A_391 = arith.constant 224 : index
      %get3A_392 = tpu.vector_load %arg8[%get3A_391] {strides = array<i32>} : memref<256xi32, #tpu.memory_space<vmem>>, vector<16xi32>,
      %get3A_393 = vector.shape_cast %get3A_392 : vector<16xi32> to vector<16xi32>
      %ge3A_394 = vector.broadcast %multiple_of3A_10 : i32 to vector<16xi32>
      %ge3A_395 = arith.cmpi sge, %get3A_393, %ge3A_394 : vector<16xi32>
      %add3A_396 = arith.constant 320 : i32
      %add3A_397 = arith.addi %multiple_of3A_10, %add3A_396 : i32
      %lt3A_398 = vector.broadcast %add3A_397 : i32 to vector<16xi32>
      %lt3A_399 = arith.cmpi slt, %get3A_393, %lt3A_398 : vector<16xi32>
      %and3A_400 = arith.andi %ge3A_395, %lt3A_399 : vector<16xi1>
      %sub3A_401 = vector.broadcast %sub3A_27 : i32 to vector<16xi32>
      %sub3A_402 = arith.subi %get3A_393, %sub3A_401 : vector<16xi32>
      %add3A_403 = arith.constant 327 : i32
      %add3A_404 = arith.addi %multiple_of3A, %add3A_403 : i32
      %broadcast_in_dim3A_405 = vector.broadcast %add3A_404 : i32 to vector<16xi32>
      %select_n3A_406 = arith.select %and3A_400, %sub3A_402, %broadcast_in_dim3A_405 : vector<16xi1>, vector<16xi32>
      %swap3A_407 = arith.constant 1 : i32
      %swap3A_408 = arith.index_cast %swap3A_407 : i32 to index
      %swap3A_409 = arith.constant 96 : index
      %swap3A_410 = tpu.vector_load %arg10[%swap3A_408, %swap3A_409] {strides = array<i32>} : memref<2x128xi32, #tpu.memory_space<vmem>>, vector<1x16xi32>,
      %swap3A_411 = vector.shape_cast %swap3A_410 : vector<1x16xi32> to vector<16xi32>
      %swap3A_412 = vector.shape_cast %select_n3A_406 : vector<16xi32> to vector<1x16xi32>
      tpu.vector_store %arg10[%swap3A_408, %swap3A_409], %swap3A_412 {strides = array<i32>} : memref<2x128xi32, #tpu.memory_space<vmem>>, vector<1x16xi32>,
      %get3A_413 = arith.constant 240 : index
      %get3A_414 = tpu.vector_load %arg8[%get3A_413] {strides = array<i32>} : memref<256xi32, #tpu.memory_space<vmem>>, vector<16xi32>,
      %get3A_415 = vector.shape_cast %get3A_414 : vector<16xi32> to vector<16xi32>
      %ge3A_416 = vector.broadcast %multiple_of3A_10 : i32 to vector<16xi32>
      %ge3A_417 = arith.cmpi sge, %get3A_415, %ge3A_416 : vector<16xi32>
      %add3A_418 = arith.constant 320 : i32
      %add3A_419 = arith.addi %multiple_of3A_10, %add3A_418 : i32
      %lt3A_420 = vector.broadcast %add3A_419 : i32 to vector<16xi32>
      %lt3A_421 = arith.cmpi slt, %get3A_415, %lt3A_420 : vector<16xi32>
      %and3A_422 = arith.andi %ge3A_417, %lt3A_421 : vector<16xi1>
      %sub3A_423 = vector.broadcast %sub3A_27 : i32 to vector<16xi32>
      %sub3A_424 = arith.subi %get3A_415, %sub3A_423 : vector<16xi32>
      %add3A_425 = arith.constant 327 : i32
      %add3A_426 = arith.addi %multiple_of3A, %add3A_425 : i32
      %broadcast_in_dim3A_427 = vector.broadcast %add3A_426 : i32 to vector<16xi32>
      %select_n3A_428 = arith.select %and3A_422, %sub3A_424, %broadcast_in_dim3A_427 : vector<16xi1>, vector<16xi32>
      %swap3A_429 = arith.constant 1 : i32
      %swap3A_430 = arith.index_cast %swap3A_429 : i32 to index
      %swap3A_431 = arith.constant 112 : index
      %swap3A_432 = tpu.vector_load %arg10[%swap3A_430, %swap3A_431] {strides = array<i32>} : memref<2x128xi32, #tpu.memory_space<vmem>>, vector<1x16xi32>,
      %swap3A_433 = vector.shape_cast %swap3A_432 : vector<1x16xi32> to vector<16xi32>
      %swap3A_434 = vector.shape_cast %select_n3A_428 : vector<16xi32> to vector<1x16xi32>
      tpu.vector_store %arg10[%swap3A_430, %swap3A_431], %swap3A_434 {strides = array<i32>} : memref<2x128xi32, #tpu.memory_space<vmem>>, vector<1x16xi32>,
      %add3A_435 = arith.constant 1 : i32
      %add3A_436 = arith.addi %add3A_77, %add3A_435 : i32
      %lt3A_437 = arith.cmpi slt, %add3A_436, %shift_right_logical3A_17 : i32
      %convert_element_type3A_438 = arith.extui %lt3A_437 : i1 to i32
      %cond3A_439 = arith.constant 0 : i32
      %cond3A_440 = arith.cmpi ne, %convert_element_type3A_438, %cond3A_439 : i32
      scf.if %cond3A_440 {
        %gt3A_466 = arith.cmpi sgt, %add3A_77, %shift_right_logical3A_11 : i32
        %convert_element_type3A_467 = arith.extui %gt3A_466 : i1 to i32
        %cond3A_468 = arith.constant 0 : i32
        %cond3A_469 = arith.cmpi ne, %convert_element_type3A_467, %cond3A_468 : i32
        scf.if %cond3A_469 {
          %dma_wait3A_481 = arith.constant 0 : i32
          %dma_wait3A_482 = arith.constant 0 : i32
          %dma_wait3A_483 = tpu.memref_slice %arg7[%dma_wait3A_481, %dma_wait3A_482] : memref<256x128xf32, #tpu.memory_space<vmem>> -> memref<128x128xf32, #tpu.memory_space<vmem>>
          %dma_wait3A_484 = arith.constant 0 : i32
          %dma_wait3A_485 = arith.constant 0 : i32
          %dma_wait3A_486 = tpu.memref_slice %arg2[%dma_wait3A_484, %dma_wait3A_485] : memref<320000x128xf32, #tpu.memory_space<hbm>> -> memref<128x128xf32, #tpu.memory_space<hbm>>
          %dma_wait3A_487 = arith.constant 0 : i32
          %dma_wait3A_488 = arith.constant 0 : i32
          %dma_wait3A_489 = tpu.memref_slice %arg7[%dma_wait3A_487, %dma_wait3A_488] : memref<256x128xf32, #tpu.memory_space<vmem>> -> memref<128x128xf32, #tpu.memory_space<vmem>>
          %dma_wait3A_490 = arith.constant 0 : i32
          %dma_wait3A_491 = arith.constant 0 : i32
          %dma_wait3A_492 = tpu.memref_slice %arg2[%dma_wait3A_490, %dma_wait3A_491] : memref<320000x128xf32, #tpu.memory_space<hbm>> -> memref<128x128xf32, #tpu.memory_space<hbm>>
          tpu.wait_dma2 semaphore(%arg17 : memref<!tpu.dma_semaphore, #tpu.memory_space<semaphore_mem>>) src(%dma_wait3A_492 : memref<128x128xf32, #tpu.memory_space<hbm>>) dst(%dma_wait3A_489 : memref<128x128xf32, #tpu.memory_space<vmem>>)
          %dma_wait3A_493 = arith.constant 128 : i32
          %dma_wait3A_494 = arith.constant 0 : i32
          %dma_wait3A_495 = tpu.memref_slice %arg7[%dma_wait3A_493, %dma_wait3A_494] : memref<256x128xf32, #tpu.memory_space<vmem>> -> memref<128x128xf32, #tpu.memory_space<vmem>>
          %dma_wait3A_496 = arith.constant 0 : i32
          %dma_wait3A_497 = arith.constant 0 : i32
          %dma_wait3A_498 = tpu.memref_slice %arg2[%dma_wait3A_496, %dma_wait3A_497] : memref<320000x128xf32, #tpu.memory_space<hbm>> -> memref<128x128xf32, #tpu.memory_space<hbm>>
          %dma_wait3A_499 = arith.constant 128 : i32
          %dma_wait3A_500 = arith.constant 0 : i32
          %dma_wait3A_501 = tpu.memref_slice %arg7[%dma_wait3A_499, %dma_wait3A_500] : memref<256x128xf32, #tpu.memory_space<vmem>> -> memref<128x128xf32, #tpu.memory_space<vmem>>
          %dma_wait3A_502 = arith.constant 0 : i32
          %dma_wait3A_503 = arith.constant 0 : i32
          %dma_wait3A_504 = tpu.memref_slice %arg2[%dma_wait3A_502, %dma_wait3A_503] : memref<320000x128xf32, #tpu.memory_space<hbm>> -> memref<128x128xf32, #tpu.memory_space<hbm>>
          tpu.wait_dma2 semaphore(%arg17 : memref<!tpu.dma_semaphore, #tpu.memory_space<semaphore_mem>>) src(%dma_wait3A_504 : memref<128x128xf32, #tpu.memory_space<hbm>>) dst(%dma_wait3A_501 : memref<128x128xf32, #tpu.memory_space<vmem>>)
        } else {
        }
        %add3A_470 = arith.constant 1 : i32
        %add3A_471 = arith.addi %add3A_77, %add3A_470 : i32
        %mul3A_472 = arith.constant 256 : i32
        %mul3A_473 = arith.muli %add3A_471, %mul3A_472 : i32
        %multiple_of3A_474 = tpu.assume_multiple %mul3A_473, 8 : i32
        %dma_start3A_475 = arith.constant 0 : i32
        %dma_start3A_476 = tpu.memref_slice %arg2[%multiple_of3A_474, %dma_start3A_475] : memref<320000x128xf32, #tpu.memory_space<hbm>> -> memref<256x128xf32, #tpu.memory_space<hbm>>
        %dma_start3A_477 = arith.constant 0 : i32
        %dma_start3A_478 = tpu.memref_slice %arg2[%multiple_of3A_474, %dma_start3A_477] : memref<320000x128xf32, #tpu.memory_space<hbm>> -> memref<256x128xf32, #tpu.memory_space<hbm>>
        tpu.enqueue_dma source(%dma_start3A_478 : memref<256x128xf32, #tpu.memory_space<hbm>>) target(%arg7 : memref<256x128xf32, #tpu.memory_space<vmem>>) target_semaphore(%arg15 : memref<!tpu.dma_semaphore, #tpu.memory_space<semaphore_mem>>)
        %dma_start3A_479 = tpu.memref_slice %arg3[%multiple_of3A_474] : memref<320000xi32, #tpu.memory_space<hbm>> -> memref<256xi32, #tpu.memory_space<hbm>>
        %dma_start3A_480 = tpu.memref_slice %arg3[%multiple_of3A_474] : memref<320000xi32, #tpu.memory_space<hbm>> -> memref<256xi32, #tpu.memory_space<hbm>>
        tpu.enqueue_dma source(%dma_start3A_480 : memref<256xi32, #tpu.memory_space<hbm>>) target(%arg9 : memref<256xi32, #tpu.memory_space<vmem>>) target_semaphore(%arg15 : memref<!tpu.dma_semaphore, #tpu.memory_space<semaphore_mem>>)
      } else {
      }
      %dma_start3A = arith.constant 0 : i32
      %dma_start3A_441 = arith.constant 0 : i32
      %dma_start3A_442 = arith.constant 0 : i32
      %dma_start3A_443 = tpu.memref_slice %arg6[%dma_start3A_441, %dma_start3A_442] : memref<256x128xf32, #tpu.memory_space<vmem>> -> memref<128x128xf32, #tpu.memory_space<vmem>>
      %dma_start3A_444 = arith.constant 0 : i32
      %dma_start3A_445 = tpu.memref_slice %arg10[%dma_start3A, %dma_start3A_444] : memref<2x128xi32, #tpu.memory_space<vmem>> -> memref<1x128xi32, #tpu.memory_space<vmem>>
      %dma_start3A_446 = tpu.memref_squeeze %dma_start3A_445 : memref<1x128xi32, #tpu.memory_space<vmem>> -> memref<128xi32, #tpu.memory_space<vmem>>
      %dma_start3A_447 = arith.constant 0 : i32
      %dma_start3A_448 = arith.constant 0 : i32
      %dma_start3A_449 = tpu.memref_slice %arg13[%dma_start3A_447, %dma_start3A_448] : memref<5248x128xf32, #tpu.memory_space<vmem_shared>> -> memref<5248x128xf32, #tpu.memory_space<vmem_shared>>
      tpu.enqueue_indirect_dma source(%dma_start3A_443 : memref<128x128xf32, #tpu.memory_space<vmem>>) target(%dma_start3A_449 : memref<5248x128xf32, #tpu.memory_space<vmem_shared>>) offsets(%dma_start3A_446 : memref<128xi32, #tpu.memory_space<vmem>>) semaphore(%arg16 : memref<!tpu.dma_semaphore, #tpu.memory_space<semaphore_mem>>) {add = true}
      %dma_start3A_450 = arith.constant 1 : i32
      %dma_start3A_451 = arith.constant 128 : i32
      %dma_start3A_452 = arith.constant 0 : i32
      %dma_start3A_453 = tpu.memref_slice %arg6[%dma_start3A_451, %dma_start3A_452] : memref<256x128xf32, #tpu.memory_space<vmem>> -> memref<128x128xf32, #tpu.memory_space<vmem>>
      %dma_start3A_454 = arith.constant 0 : i32
      %dma_start3A_455 = tpu.memref_slice %arg10[%dma_start3A_450, %dma_start3A_454] : memref<2x128xi32, #tpu.memory_space<vmem>> -> memref<1x128xi32, #tpu.memory_space<vmem>>
      %dma_start3A_456 = tpu.memref_squeeze %dma_start3A_455 : memref<1x128xi32, #tpu.memory_space<vmem>> -> memref<128xi32, #tpu.memory_space<vmem>>
      %dma_start3A_457 = arith.constant 0 : i32
      %dma_start3A_458 = arith.constant 0 : i32
      %dma_start3A_459 = tpu.memref_slice %arg13[%dma_start3A_457, %dma_start3A_458] : memref<5248x128xf32, #tpu.memory_space<vmem_shared>> -> memref<5248x128xf32, #tpu.memory_space<vmem_shared>>
      tpu.enqueue_indirect_dma source(%dma_start3A_453 : memref<128x128xf32, #tpu.memory_space<vmem>>) target(%dma_start3A_459 : memref<5248x128xf32, #tpu.memory_space<vmem_shared>>) offsets(%dma_start3A_456 : memref<128xi32, #tpu.memory_space<vmem>>) semaphore(%arg16 : memref<!tpu.dma_semaphore, #tpu.memory_space<semaphore_mem>>) {add = true}
      %add3A_460 = arith.constant 1 : i32
      %add3A_461 = arith.addi %add3A_77, %add3A_460 : i32
      %lt3A_462 = arith.cmpi slt, %add3A_461, %shift_right_logical3A_17 : i32
      %convert_element_type3A_463 = arith.extui %lt3A_462 : i1 to i32
      %cond3A_464 = arith.constant 0 : i32
      %cond3A_465 = arith.cmpi ne, %convert_element_type3A_463, %cond3A_464 : i32
      scf.if %cond3A_465 {
        %add3A_466 = arith.constant 1 : i32
        %add3A_467 = arith.addi %add3A_77, %add3A_466 : i32
        %mul3A_468 = arith.constant 256 : i32
        %mul3A_469 = arith.muli %add3A_467, %mul3A_468 : i32
        %multiple_of3A_470 = tpu.assume_multiple %mul3A_469, 8 : i32
        %dma_wait3A_471 = arith.constant 0 : i32
        %dma_wait3A_472 = tpu.memref_slice %arg2[%multiple_of3A_470, %dma_wait3A_471] : memref<320000x128xf32, #tpu.memory_space<hbm>> -> memref<256x128xf32, #tpu.memory_space<hbm>>
        %dma_wait3A_473 = arith.constant 0 : i32
        %dma_wait3A_474 = tpu.memref_slice %arg2[%multiple_of3A_470, %dma_wait3A_473] : memref<320000x128xf32, #tpu.memory_space<hbm>> -> memref<256x128xf32, #tpu.memory_space<hbm>>
        tpu.wait_dma2 semaphore(%arg15 : memref<!tpu.dma_semaphore, #tpu.memory_space<semaphore_mem>>) src(%dma_wait3A_474 : memref<256x128xf32, #tpu.memory_space<hbm>>) dst(%arg7 : memref<256x128xf32, #tpu.memory_space<vmem>>)
        %dma_wait3A_475 = tpu.memref_slice %arg3[%multiple_of3A_470] : memref<320000xi32, #tpu.memory_space<hbm>> -> memref<256xi32, #tpu.memory_space<hbm>>
        %dma_wait3A_476 = tpu.memref_slice %arg3[%multiple_of3A_470] : memref<320000xi32, #tpu.memory_space<hbm>> -> memref<256xi32, #tpu.memory_space<hbm>>
        tpu.wait_dma2 semaphore(%arg15 : memref<!tpu.dma_semaphore, #tpu.memory_space<semaphore_mem>>) src(%dma_wait3A_476 : memref<256xi32, #tpu.memory_space<hbm>>) dst(%arg9 : memref<256xi32, #tpu.memory_space<vmem>>)
        %get3A_477 = arith.constant 0 : index
        %get3A_478 = tpu.vector_load %arg9[%get3A_477] {strides = array<i32>} : memref<256xi32, #tpu.memory_space<vmem>>, vector<16xi32>,
        %get3A_479 = vector.shape_cast %get3A_478 : vector<16xi32> to vector<16xi32>
        %ge3A_480 = vector.broadcast %multiple_of3A_10 : i32 to vector<16xi32>
        %ge3A_481 = arith.cmpi sge, %get3A_479, %ge3A_480 : vector<16xi32>
        %add3A_482 = arith.constant 320 : i32
        %add3A_483 = arith.addi %multiple_of3A_10, %add3A_482 : i32
        %lt3A_484 = vector.broadcast %add3A_483 : i32 to vector<16xi32>
        %lt3A_485 = arith.cmpi slt, %get3A_479, %lt3A_484 : vector<16xi32>
        %and3A_486 = arith.andi %ge3A_481, %lt3A_485 : vector<16xi1>
        %sub3A_487 = vector.broadcast %sub3A_27 : i32 to vector<16xi32>
        %sub3A_488 = arith.subi %get3A_479, %sub3A_487 : vector<16xi32>
        %add3A_489 = arith.constant 327 : i32
        %add3A_490 = arith.addi %multiple_of3A, %add3A_489 : i32
        %broadcast_in_dim3A_491 = vector.broadcast %add3A_490 : i32 to vector<16xi32>
        %select_n3A_492 = arith.select %and3A_486, %sub3A_488, %broadcast_in_dim3A_491 : vector<16xi1>, vector<16xi32>
        %swap3A_493 = arith.constant 0 : i32
        %swap3A_494 = arith.index_cast %swap3A_493 : i32 to index
        %swap3A_495 = arith.constant 0 : index
        %swap3A_496 = tpu.vector_load %arg11[%swap3A_494, %swap3A_495] {strides = array<i32>} : memref<2x128xi32, #tpu.memory_space<vmem>>, vector<1x16xi32>,
        %swap3A_497 = vector.shape_cast %swap3A_496 : vector<1x16xi32> to vector<16xi32>
        %swap3A_498 = vector.shape_cast %select_n3A_492 : vector<16xi32> to vector<1x16xi32>
        tpu.vector_store %arg11[%swap3A_494, %swap3A_495], %swap3A_498 {strides = array<i32>} : memref<2x128xi32, #tpu.memory_space<vmem>>, vector<1x16xi32>,
        %get3A_499 = arith.constant 16 : index
        %get3A_500 = tpu.vector_load %arg9[%get3A_499] {strides = array<i32>} : memref<256xi32, #tpu.memory_space<vmem>>, vector<16xi32>,
        %get3A_501 = vector.shape_cast %get3A_500 : vector<16xi32> to vector<16xi32>
        %ge3A_502 = vector.broadcast %multiple_of3A_10 : i32 to vector<16xi32>
        %ge3A_503 = arith.cmpi sge, %get3A_501, %ge3A_502 : vector<16xi32>
        %add3A_504 = arith.constant 320 : i32
        %add3A_505 = arith.addi %multiple_of3A_10, %add3A_504 : i32
        %lt3A_506 = vector.broadcast %add3A_505 : i32 to vector<16xi32>
        %lt3A_507 = arith.cmpi slt, %get3A_501, %lt3A_506 : vector<16xi32>
        %and3A_508 = arith.andi %ge3A_503, %lt3A_507 : vector<16xi1>
        %sub3A_509 = vector.broadcast %sub3A_27 : i32 to vector<16xi32>
        %sub3A_510 = arith.subi %get3A_501, %sub3A_509 : vector<16xi32>
        %add3A_511 = arith.constant 327 : i32
        %add3A_512 = arith.addi %multiple_of3A, %add3A_511 : i32
        %broadcast_in_dim3A_513 = vector.broadcast %add3A_512 : i32 to vector<16xi32>
        %select_n3A_514 = arith.select %and3A_508, %sub3A_510, %broadcast_in_dim3A_513 : vector<16xi1>, vector<16xi32>
        %swap3A_515 = arith.constant 0 : i32
        %swap3A_516 = arith.index_cast %swap3A_515 : i32 to index
        %swap3A_517 = arith.constant 16 : index
        %swap3A_518 = tpu.vector_load %arg11[%swap3A_516, %swap3A_517] {strides = array<i32>} : memref<2x128xi32, #tpu.memory_space<vmem>>, vector<1x16xi32>,
        %swap3A_519 = vector.shape_cast %swap3A_518 : vector<1x16xi32> to vector<16xi32>
        %swap3A_520 = vector.shape_cast %select_n3A_514 : vector<16xi32> to vector<1x16xi32>
        tpu.vector_store %arg11[%swap3A_516, %swap3A_517], %swap3A_520 {strides = array<i32>} : memref<2x128xi32, #tpu.memory_space<vmem>>, vector<1x16xi32>,
        %get3A_521 = arith.constant 32 : index
        %get3A_522 = tpu.vector_load %arg9[%get3A_521] {strides = array<i32>} : memref<256xi32, #tpu.memory_space<vmem>>, vector<16xi32>,
        %get3A_523 = vector.shape_cast %get3A_522 : vector<16xi32> to vector<16xi32>
        %ge3A_524 = vector.broadcast %multiple_of3A_10 : i32 to vector<16xi32>
        %ge3A_525 = arith.cmpi sge, %get3A_523, %ge3A_524 : vector<16xi32>
        %add3A_526 = arith.constant 320 : i32
        %add3A_527 = arith.addi %multiple_of3A_10, %add3A_526 : i32
        %lt3A_528 = vector.broadcast %add3A_527 : i32 to vector<16xi32>
        %lt3A_529 = arith.cmpi slt, %get3A_523, %lt3A_528 : vector<16xi32>
        %and3A_530 = arith.andi %ge3A_525, %lt3A_529 : vector<16xi1>
        %sub3A_531 = vector.broadcast %sub3A_27 : i32 to vector<16xi32>
        %sub3A_532 = arith.subi %get3A_523, %sub3A_531 : vector<16xi32>
        %add3A_533 = arith.constant 327 : i32
        %add3A_534 = arith.addi %multiple_of3A, %add3A_533 : i32
        %broadcast_in_dim3A_535 = vector.broadcast %add3A_534 : i32 to vector<16xi32>
        %select_n3A_536 = arith.select %and3A_530, %sub3A_532, %broadcast_in_dim3A_535 : vector<16xi1>, vector<16xi32>
        %swap3A_537 = arith.constant 0 : i32
        %swap3A_538 = arith.index_cast %swap3A_537 : i32 to index
        %swap3A_539 = arith.constant 32 : index
        %swap3A_540 = tpu.vector_load %arg11[%swap3A_538, %swap3A_539] {strides = array<i32>} : memref<2x128xi32, #tpu.memory_space<vmem>>, vector<1x16xi32>,
        %swap3A_541 = vector.shape_cast %swap3A_540 : vector<1x16xi32> to vector<16xi32>
        %swap3A_542 = vector.shape_cast %select_n3A_536 : vector<16xi32> to vector<1x16xi32>
        tpu.vector_store %arg11[%swap3A_538, %swap3A_539], %swap3A_542 {strides = array<i32>} : memref<2x128xi32, #tpu.memory_space<vmem>>, vector<1x16xi32>,
        %get3A_543 = arith.constant 48 : index
        %get3A_544 = tpu.vector_load %arg9[%get3A_543] {strides = array<i32>} : memref<256xi32, #tpu.memory_space<vmem>>, vector<16xi32>,
        %get3A_545 = vector.shape_cast %get3A_544 : vector<16xi32> to vector<16xi32>
        %ge3A_546 = vector.broadcast %multiple_of3A_10 : i32 to vector<16xi32>
        %ge3A_547 = arith.cmpi sge, %get3A_545, %ge3A_546 : vector<16xi32>
        %add3A_548 = arith.constant 320 : i32
        %add3A_549 = arith.addi %multiple_of3A_10, %add3A_548 : i32
        %lt3A_550 = vector.broadcast %add3A_549 : i32 to vector<16xi32>
        %lt3A_551 = arith.cmpi slt, %get3A_545, %lt3A_550 : vector<16xi32>
        %and3A_552 = arith.andi %ge3A_547, %lt3A_551 : vector<16xi1>
        %sub3A_553 = vector.broadcast %sub3A_27 : i32 to vector<16xi32>
        %sub3A_554 = arith.subi %get3A_545, %sub3A_553 : vector<16xi32>
        %add3A_555 = arith.constant 327 : i32
        %add3A_556 = arith.addi %multiple_of3A, %add3A_555 : i32
        %broadcast_in_dim3A_557 = vector.broadcast %add3A_556 : i32 to vector<16xi32>
        %select_n3A_558 = arith.select %and3A_552, %sub3A_554, %broadcast_in_dim3A_557 : vector<16xi1>, vector<16xi32>
        %swap3A_559 = arith.constant 0 : i32
        %swap3A_560 = arith.index_cast %swap3A_559 : i32 to index
        %swap3A_561 = arith.constant 48 : index
        %swap3A_562 = tpu.vector_load %arg11[%swap3A_560, %swap3A_561] {strides = array<i32>} : memref<2x128xi32, #tpu.memory_space<vmem>>, vector<1x16xi32>,
        %swap3A_563 = vector.shape_cast %swap3A_562 : vector<1x16xi32> to vector<16xi32>
        %swap3A_564 = vector.shape_cast %select_n3A_558 : vector<16xi32> to vector<1x16xi32>
        tpu.vector_store %arg11[%swap3A_560, %swap3A_561], %swap3A_564 {strides = array<i32>} : memref<2x128xi32, #tpu.memory_space<vmem>>, vector<1x16xi32>,
        %get3A_565 = arith.constant 64 : index
        %get3A_566 = tpu.vector_load %arg9[%get3A_565] {strides = array<i32>} : memref<256xi32, #tpu.memory_space<vmem>>, vector<16xi32>,
        %get3A_567 = vector.shape_cast %get3A_566 : vector<16xi32> to vector<16xi32>
        %ge3A_568 = vector.broadcast %multiple_of3A_10 : i32 to vector<16xi32>
        %ge3A_569 = arith.cmpi sge, %get3A_567, %ge3A_568 : vector<16xi32>
        %add3A_570 = arith.constant 320 : i32
        %add3A_571 = arith.addi %multiple_of3A_10, %add3A_570 : i32
        %lt3A_572 = vector.broadcast %add3A_571 : i32 to vector<16xi32>
        %lt3A_573 = arith.cmpi slt, %get3A_567, %lt3A_572 : vector<16xi32>
        %and3A_574 = arith.andi %ge3A_569, %lt3A_573 : vector<16xi1>
        %sub3A_575 = vector.broadcast %sub3A_27 : i32 to vector<16xi32>
        %sub3A_576 = arith.subi %get3A_567, %sub3A_575 : vector<16xi32>
        %add3A_577 = arith.constant 327 : i32
        %add3A_578 = arith.addi %multiple_of3A, %add3A_577 : i32
        %broadcast_in_dim3A_579 = vector.broadcast %add3A_578 : i32 to vector<16xi32>
        %select_n3A_580 = arith.select %and3A_574, %sub3A_576, %broadcast_in_dim3A_579 : vector<16xi1>, vector<16xi32>
        %swap3A_581 = arith.constant 0 : i32
        %swap3A_582 = arith.index_cast %swap3A_581 : i32 to index
        %swap3A_583 = arith.constant 64 : index
        %swap3A_584 = tpu.vector_load %arg11[%swap3A_582, %swap3A_583] {strides = array<i32>} : memref<2x128xi32, #tpu.memory_space<vmem>>, vector<1x16xi32>,
        %swap3A_585 = vector.shape_cast %swap3A_584 : vector<1x16xi32> to vector<16xi32>
        %swap3A_586 = vector.shape_cast %select_n3A_580 : vector<16xi32> to vector<1x16xi32>
        tpu.vector_store %arg11[%swap3A_582, %swap3A_583], %swap3A_586 {strides = array<i32>} : memref<2x128xi32, #tpu.memory_space<vmem>>, vector<1x16xi32>,
        %get3A_587 = arith.constant 80 : index
        %get3A_588 = tpu.vector_load %arg9[%get3A_587] {strides = array<i32>} : memref<256xi32, #tpu.memory_space<vmem>>, vector<16xi32>,
        %get3A_589 = vector.shape_cast %get3A_588 : vector<16xi32> to vector<16xi32>
        %ge3A_590 = vector.broadcast %multiple_of3A_10 : i32 to vector<16xi32>
        %ge3A_591 = arith.cmpi sge, %get3A_589, %ge3A_590 : vector<16xi32>
        %add3A_592 = arith.constant 320 : i32
        %add3A_593 = arith.addi %multiple_of3A_10, %add3A_592 : i32
        %lt3A_594 = vector.broadcast %add3A_593 : i32 to vector<16xi32>
        %lt3A_595 = arith.cmpi slt, %get3A_589, %lt3A_594 : vector<16xi32>
        %and3A_596 = arith.andi %ge3A_591, %lt3A_595 : vector<16xi1>
        %sub3A_597 = vector.broadcast %sub3A_27 : i32 to vector<16xi32>
        %sub3A_598 = arith.subi %get3A_589, %sub3A_597 : vector<16xi32>
        %add3A_599 = arith.constant 327 : i32
        %add3A_600 = arith.addi %multiple_of3A, %add3A_599 : i32
        %broadcast_in_dim3A_601 = vector.broadcast %add3A_600 : i32 to vector<16xi32>
        %select_n3A_602 = arith.select %and3A_596, %sub3A_598, %broadcast_in_dim3A_601 : vector<16xi1>, vector<16xi32>
        %swap3A_603 = arith.constant 0 : i32
        %swap3A_604 = arith.index_cast %swap3A_603 : i32 to index
        %swap3A_605 = arith.constant 80 : index
        %swap3A_606 = tpu.vector_load %arg11[%swap3A_604, %swap3A_605] {strides = array<i32>} : memref<2x128xi32, #tpu.memory_space<vmem>>, vector<1x16xi32>,
        %swap3A_607 = vector.shape_cast %swap3A_606 : vector<1x16xi32> to vector<16xi32>
        %swap3A_608 = vector.shape_cast %select_n3A_602 : vector<16xi32> to vector<1x16xi32>
        tpu.vector_store %arg11[%swap3A_604, %swap3A_605], %swap3A_608 {strides = array<i32>} : memref<2x128xi32, #tpu.memory_space<vmem>>, vector<1x16xi32>,
        %get3A_609 = arith.constant 96 : index
        %get3A_610 = tpu.vector_load %arg9[%get3A_609] {strides = array<i32>} : memref<256xi32, #tpu.memory_space<vmem>>, vector<16xi32>,
        %get3A_611 = vector.shape_cast %get3A_610 : vector<16xi32> to vector<16xi32>
        %ge3A_612 = vector.broadcast %multiple_of3A_10 : i32 to vector<16xi32>
        %ge3A_613 = arith.cmpi sge, %get3A_611, %ge3A_612 : vector<16xi32>
        %add3A_614 = arith.constant 320 : i32
        %add3A_615 = arith.addi %multiple_of3A_10, %add3A_614 : i32
        %lt3A_616 = vector.broadcast %add3A_615 : i32 to vector<16xi32>
        %lt3A_617 = arith.cmpi slt, %get3A_611, %lt3A_616 : vector<16xi32>
        %and3A_618 = arith.andi %ge3A_613, %lt3A_617 : vector<16xi1>
        %sub3A_619 = vector.broadcast %sub3A_27 : i32 to vector<16xi32>
        %sub3A_620 = arith.subi %get3A_611, %sub3A_619 : vector<16xi32>
        %add3A_621 = arith.constant 327 : i32
        %add3A_622 = arith.addi %multiple_of3A, %add3A_621 : i32
        %broadcast_in_dim3A_623 = vector.broadcast %add3A_622 : i32 to vector<16xi32>
        %select_n3A_624 = arith.select %and3A_618, %sub3A_620, %broadcast_in_dim3A_623 : vector<16xi1>, vector<16xi32>
        %swap3A_625 = arith.constant 0 : i32
        %swap3A_626 = arith.index_cast %swap3A_625 : i32 to index
        %swap3A_627 = arith.constant 96 : index
        %swap3A_628 = tpu.vector_load %arg11[%swap3A_626, %swap3A_627] {strides = array<i32>} : memref<2x128xi32, #tpu.memory_space<vmem>>, vector<1x16xi32>,
        %swap3A_629 = vector.shape_cast %swap3A_628 : vector<1x16xi32> to vector<16xi32>
        %swap3A_630 = vector.shape_cast %select_n3A_624 : vector<16xi32> to vector<1x16xi32>
        tpu.vector_store %arg11[%swap3A_626, %swap3A_627], %swap3A_630 {strides = array<i32>} : memref<2x128xi32, #tpu.memory_space<vmem>>, vector<1x16xi32>,
        %get3A_631 = arith.constant 112 : index
        %get3A_632 = tpu.vector_load %arg9[%get3A_631] {strides = array<i32>} : memref<256xi32, #tpu.memory_space<vmem>>, vector<16xi32>,
        %get3A_633 = vector.shape_cast %get3A_632 : vector<16xi32> to vector<16xi32>
        %ge3A_634 = vector.broadcast %multiple_of3A_10 : i32 to vector<16xi32>
        %ge3A_635 = arith.cmpi sge, %get3A_633, %ge3A_634 : vector<16xi32>
        %add3A_636 = arith.constant 320 : i32
        %add3A_637 = arith.addi %multiple_of3A_10, %add3A_636 : i32
        %lt3A_638 = vector.broadcast %add3A_637 : i32 to vector<16xi32>
        %lt3A_639 = arith.cmpi slt, %get3A_633, %lt3A_638 : vector<16xi32>
        %and3A_640 = arith.andi %ge3A_635, %lt3A_639 : vector<16xi1>
        %sub3A_641 = vector.broadcast %sub3A_27 : i32 to vector<16xi32>
        %sub3A_642 = arith.subi %get3A_633, %sub3A_641 : vector<16xi32>
        %add3A_643 = arith.constant 327 : i32
        %add3A_644 = arith.addi %multiple_of3A, %add3A_643 : i32
        %broadcast_in_dim3A_645 = vector.broadcast %add3A_644 : i32 to vector<16xi32>
        %select_n3A_646 = arith.select %and3A_640, %sub3A_642, %broadcast_in_dim3A_645 : vector<16xi1>, vector<16xi32>
        %swap3A_647 = arith.constant 0 : i32
        %swap3A_648 = arith.index_cast %swap3A_647 : i32 to index
        %swap3A_649 = arith.constant 112 : index
        %swap3A_650 = tpu.vector_load %arg11[%swap3A_648, %swap3A_649] {strides = array<i32>} : memref<2x128xi32, #tpu.memory_space<vmem>>, vector<1x16xi32>,
        %swap3A_651 = vector.shape_cast %swap3A_650 : vector<1x16xi32> to vector<16xi32>
        %swap3A_652 = vector.shape_cast %select_n3A_646 : vector<16xi32> to vector<1x16xi32>
        tpu.vector_store %arg11[%swap3A_648, %swap3A_649], %swap3A_652 {strides = array<i32>} : memref<2x128xi32, #tpu.memory_space<vmem>>, vector<1x16xi32>,
        %get3A_653 = arith.constant 128 : index
        %get3A_654 = tpu.vector_load %arg9[%get3A_653] {strides = array<i32>} : memref<256xi32, #tpu.memory_space<vmem>>, vector<16xi32>,
        %get3A_655 = vector.shape_cast %get3A_654 : vector<16xi32> to vector<16xi32>
        %ge3A_656 = vector.broadcast %multiple_of3A_10 : i32 to vector<16xi32>
        %ge3A_657 = arith.cmpi sge, %get3A_655, %ge3A_656 : vector<16xi32>
        %add3A_658 = arith.constant 320 : i32
        %add3A_659 = arith.addi %multiple_of3A_10, %add3A_658 : i32
        %lt3A_660 = vector.broadcast %add3A_659 : i32 to vector<16xi32>
        %lt3A_661 = arith.cmpi slt, %get3A_655, %lt3A_660 : vector<16xi32>
        %and3A_662 = arith.andi %ge3A_657, %lt3A_661 : vector<16xi1>
        %sub3A_663 = vector.broadcast %sub3A_27 : i32 to vector<16xi32>
        %sub3A_664 = arith.subi %get3A_655, %sub3A_663 : vector<16xi32>
        %add3A_665 = arith.constant 327 : i32
        %add3A_666 = arith.addi %multiple_of3A, %add3A_665 : i32
        %broadcast_in_dim3A_667 = vector.broadcast %add3A_666 : i32 to vector<16xi32>
        %select_n3A_668 = arith.select %and3A_662, %sub3A_664, %broadcast_in_dim3A_667 : vector<16xi1>, vector<16xi32>
        %swap3A_669 = arith.constant 1 : i32
        %swap3A_670 = arith.index_cast %swap3A_669 : i32 to index
        %swap3A_671 = arith.constant 0 : index
        %swap3A_672 = tpu.vector_load %arg11[%swap3A_670, %swap3A_671] {strides = array<i32>} : memref<2x128xi32, #tpu.memory_space<vmem>>, vector<1x16xi32>,
        %swap3A_673 = vector.shape_cast %swap3A_672 : vector<1x16xi32> to vector<16xi32>
        %swap3A_674 = vector.shape_cast %select_n3A_668 : vector<16xi32> to vector<1x16xi32>
        tpu.vector_store %arg11[%swap3A_670, %swap3A_671], %swap3A_674 {strides = array<i32>} : memref<2x128xi32, #tpu.memory_space<vmem>>, vector<1x16xi32>,
        %get3A_675 = arith.constant 144 : index
        %get3A_676 = tpu.vector_load %arg9[%get3A_675] {strides = array<i32>} : memref<256xi32, #tpu.memory_space<vmem>>, vector<16xi32>,
        %get3A_677 = vector.shape_cast %get3A_676 : vector<16xi32> to vector<16xi32>
        %ge3A_678 = vector.broadcast %multiple_of3A_10 : i32 to vector<16xi32>
        %ge3A_679 = arith.cmpi sge, %get3A_677, %ge3A_678 : vector<16xi32>
        %add3A_680 = arith.constant 320 : i32
        %add3A_681 = arith.addi %multiple_of3A_10, %add3A_680 : i32
        %lt3A_682 = vector.broadcast %add3A_681 : i32 to vector<16xi32>
        %lt3A_683 = arith.cmpi slt, %get3A_677, %lt3A_682 : vector<16xi32>
        %and3A_684 = arith.andi %ge3A_679, %lt3A_683 : vector<16xi1>
        %sub3A_685 = vector.broadcast %sub3A_27 : i32 to vector<16xi32>
        %sub3A_686 = arith.subi %get3A_677, %sub3A_685 : vector<16xi32>
        %add3A_687 = arith.constant 327 : i32
        %add3A_688 = arith.addi %multiple_of3A, %add3A_687 : i32
        %broadcast_in_dim3A_689 = vector.broadcast %add3A_688 : i32 to vector<16xi32>
        %select_n3A_690 = arith.select %and3A_684, %sub3A_686, %broadcast_in_dim3A_689 : vector<16xi1>, vector<16xi32>
        %swap3A_691 = arith.constant 1 : i32
        %swap3A_692 = arith.index_cast %swap3A_691 : i32 to index
        %swap3A_693 = arith.constant 16 : index
        %swap3A_694 = tpu.vector_load %arg11[%swap3A_692, %swap3A_693] {strides = array<i32>} : memref<2x128xi32, #tpu.memory_space<vmem>>, vector<1x16xi32>,
        %swap3A_695 = vector.shape_cast %swap3A_694 : vector<1x16xi32> to vector<16xi32>
        %swap3A_696 = vector.shape_cast %select_n3A_690 : vector<16xi32> to vector<1x16xi32>
        tpu.vector_store %arg11[%swap3A_692, %swap3A_693], %swap3A_696 {strides = array<i32>} : memref<2x128xi32, #tpu.memory_space<vmem>>, vector<1x16xi32>,
        %get3A_697 = arith.constant 160 : index
        %get3A_698 = tpu.vector_load %arg9[%get3A_697] {strides = array<i32>} : memref<256xi32, #tpu.memory_space<vmem>>, vector<16xi32>,
        %get3A_699 = vector.shape_cast %get3A_698 : vector<16xi32> to vector<16xi32>
        %ge3A_700 = vector.broadcast %multiple_of3A_10 : i32 to vector<16xi32>
        %ge3A_701 = arith.cmpi sge, %get3A_699, %ge3A_700 : vector<16xi32>
        %add3A_702 = arith.constant 320 : i32
        %add3A_703 = arith.addi %multiple_of3A_10, %add3A_702 : i32
        %lt3A_704 = vector.broadcast %add3A_703 : i32 to vector<16xi32>
        %lt3A_705 = arith.cmpi slt, %get3A_699, %lt3A_704 : vector<16xi32>
        %and3A_706 = arith.andi %ge3A_701, %lt3A_705 : vector<16xi1>
        %sub3A_707 = vector.broadcast %sub3A_27 : i32 to vector<16xi32>
        %sub3A_708 = arith.subi %get3A_699, %sub3A_707 : vector<16xi32>
        %add3A_709 = arith.constant 327 : i32
        %add3A_710 = arith.addi %multiple_of3A, %add3A_709 : i32
        %broadcast_in_dim3A_711 = vector.broadcast %add3A_710 : i32 to vector<16xi32>
        %select_n3A_712 = arith.select %and3A_706, %sub3A_708, %broadcast_in_dim3A_711 : vector<16xi1>, vector<16xi32>
        %swap3A_713 = arith.constant 1 : i32
        %swap3A_714 = arith.index_cast %swap3A_713 : i32 to index
        %swap3A_715 = arith.constant 32 : index
        %swap3A_716 = tpu.vector_load %arg11[%swap3A_714, %swap3A_715] {strides = array<i32>} : memref<2x128xi32, #tpu.memory_space<vmem>>, vector<1x16xi32>,
        %swap3A_717 = vector.shape_cast %swap3A_716 : vector<1x16xi32> to vector<16xi32>
        %swap3A_718 = vector.shape_cast %select_n3A_712 : vector<16xi32> to vector<1x16xi32>
        tpu.vector_store %arg11[%swap3A_714, %swap3A_715], %swap3A_718 {strides = array<i32>} : memref<2x128xi32, #tpu.memory_space<vmem>>, vector<1x16xi32>,
        %get3A_719 = arith.constant 176 : index
        %get3A_720 = tpu.vector_load %arg9[%get3A_719] {strides = array<i32>} : memref<256xi32, #tpu.memory_space<vmem>>, vector<16xi32>,
        %get3A_721 = vector.shape_cast %get3A_720 : vector<16xi32> to vector<16xi32>
        %ge3A_722 = vector.broadcast %multiple_of3A_10 : i32 to vector<16xi32>
        %ge3A_723 = arith.cmpi sge, %get3A_721, %ge3A_722 : vector<16xi32>
        %add3A_724 = arith.constant 320 : i32
        %add3A_725 = arith.addi %multiple_of3A_10, %add3A_724 : i32
        %lt3A_726 = vector.broadcast %add3A_725 : i32 to vector<16xi32>
        %lt3A_727 = arith.cmpi slt, %get3A_721, %lt3A_726 : vector<16xi32>
        %and3A_728 = arith.andi %ge3A_723, %lt3A_727 : vector<16xi1>
        %sub3A_729 = vector.broadcast %sub3A_27 : i32 to vector<16xi32>
        %sub3A_730 = arith.subi %get3A_721, %sub3A_729 : vector<16xi32>
        %add3A_731 = arith.constant 327 : i32
        %add3A_732 = arith.addi %multiple_of3A, %add3A_731 : i32
        %broadcast_in_dim3A_733 = vector.broadcast %add3A_732 : i32 to vector<16xi32>
        %select_n3A_734 = arith.select %and3A_728, %sub3A_730, %broadcast_in_dim3A_733 : vector<16xi1>, vector<16xi32>
        %swap3A_735 = arith.constant 1 : i32
        %swap3A_736 = arith.index_cast %swap3A_735 : i32 to index
        %swap3A_737 = arith.constant 48 : index
        %swap3A_738 = tpu.vector_load %arg11[%swap3A_736, %swap3A_737] {strides = array<i32>} : memref<2x128xi32, #tpu.memory_space<vmem>>, vector<1x16xi32>,
        %swap3A_739 = vector.shape_cast %swap3A_738 : vector<1x16xi32> to vector<16xi32>
        %swap3A_740 = vector.shape_cast %select_n3A_734 : vector<16xi32> to vector<1x16xi32>
        tpu.vector_store %arg11[%swap3A_736, %swap3A_737], %swap3A_740 {strides = array<i32>} : memref<2x128xi32, #tpu.memory_space<vmem>>, vector<1x16xi32>,
        %get3A_741 = arith.constant 192 : index
        %get3A_742 = tpu.vector_load %arg9[%get3A_741] {strides = array<i32>} : memref<256xi32, #tpu.memory_space<vmem>>, vector<16xi32>,
        %get3A_743 = vector.shape_cast %get3A_742 : vector<16xi32> to vector<16xi32>
        %ge3A_744 = vector.broadcast %multiple_of3A_10 : i32 to vector<16xi32>
        %ge3A_745 = arith.cmpi sge, %get3A_743, %ge3A_744 : vector<16xi32>
        %add3A_746 = arith.constant 320 : i32
        %add3A_747 = arith.addi %multiple_of3A_10, %add3A_746 : i32
        %lt3A_748 = vector.broadcast %add3A_747 : i32 to vector<16xi32>
        %lt3A_749 = arith.cmpi slt, %get3A_743, %lt3A_748 : vector<16xi32>
        %and3A_750 = arith.andi %ge3A_745, %lt3A_749 : vector<16xi1>
        %sub3A_751 = vector.broadcast %sub3A_27 : i32 to vector<16xi32>
        %sub3A_752 = arith.subi %get3A_743, %sub3A_751 : vector<16xi32>
        %add3A_753 = arith.constant 327 : i32
        %add3A_754 = arith.addi %multiple_of3A, %add3A_753 : i32
        %broadcast_in_dim3A_755 = vector.broadcast %add3A_754 : i32 to vector<16xi32>
        %select_n3A_756 = arith.select %and3A_750, %sub3A_752, %broadcast_in_dim3A_755 : vector<16xi1>, vector<16xi32>
        %swap3A_757 = arith.constant 1 : i32
        %swap3A_758 = arith.index_cast %swap3A_757 : i32 to index
        %swap3A_759 = arith.constant 64 : index
        %swap3A_760 = tpu.vector_load %arg11[%swap3A_758, %swap3A_759] {strides = array<i32>} : memref<2x128xi32, #tpu.memory_space<vmem>>, vector<1x16xi32>,
        %swap3A_761 = vector.shape_cast %swap3A_760 : vector<1x16xi32> to vector<16xi32>
        %swap3A_762 = vector.shape_cast %select_n3A_756 : vector<16xi32> to vector<1x16xi32>
        tpu.vector_store %arg11[%swap3A_758, %swap3A_759], %swap3A_762 {strides = array<i32>} : memref<2x128xi32, #tpu.memory_space<vmem>>, vector<1x16xi32>,
        %get3A_763 = arith.constant 208 : index
        %get3A_764 = tpu.vector_load %arg9[%get3A_763] {strides = array<i32>} : memref<256xi32, #tpu.memory_space<vmem>>, vector<16xi32>,
        %get3A_765 = vector.shape_cast %get3A_764 : vector<16xi32> to vector<16xi32>
        %ge3A_766 = vector.broadcast %multiple_of3A_10 : i32 to vector<16xi32>
        %ge3A_767 = arith.cmpi sge, %get3A_765, %ge3A_766 : vector<16xi32>
        %add3A_768 = arith.constant 320 : i32
        %add3A_769 = arith.addi %multiple_of3A_10, %add3A_768 : i32
        %lt3A_770 = vector.broadcast %add3A_769 : i32 to vector<16xi32>
        %lt3A_771 = arith.cmpi slt, %get3A_765, %lt3A_770 : vector<16xi32>
        %and3A_772 = arith.andi %ge3A_767, %lt3A_771 : vector<16xi1>
        %sub3A_773 = vector.broadcast %sub3A_27 : i32 to vector<16xi32>
        %sub3A_774 = arith.subi %get3A_765, %sub3A_773 : vector<16xi32>
        %add3A_775 = arith.constant 327 : i32
        %add3A_776 = arith.addi %multiple_of3A, %add3A_775 : i32
        %broadcast_in_dim3A_777 = vector.broadcast %add3A_776 : i32 to vector<16xi32>
        %select_n3A_778 = arith.select %and3A_772, %sub3A_774, %broadcast_in_dim3A_777 : vector<16xi1>, vector<16xi32>
        %swap3A_779 = arith.constant 1 : i32
        %swap3A_780 = arith.index_cast %swap3A_779 : i32 to index
        %swap3A_781 = arith.constant 80 : index
        %swap3A_782 = tpu.vector_load %arg11[%swap3A_780, %swap3A_781] {strides = array<i32>} : memref<2x128xi32, #tpu.memory_space<vmem>>, vector<1x16xi32>,
        %swap3A_783 = vector.shape_cast %swap3A_782 : vector<1x16xi32> to vector<16xi32>
        %swap3A_784 = vector.shape_cast %select_n3A_778 : vector<16xi32> to vector<1x16xi32>
        tpu.vector_store %arg11[%swap3A_780, %swap3A_781], %swap3A_784 {strides = array<i32>} : memref<2x128xi32, #tpu.memory_space<vmem>>, vector<1x16xi32>,
        %get3A_785 = arith.constant 224 : index
        %get3A_786 = tpu.vector_load %arg9[%get3A_785] {strides = array<i32>} : memref<256xi32, #tpu.memory_space<vmem>>, vector<16xi32>,
        %get3A_787 = vector.shape_cast %get3A_786 : vector<16xi32> to vector<16xi32>
        %ge3A_788 = vector.broadcast %multiple_of3A_10 : i32 to vector<16xi32>
        %ge3A_789 = arith.cmpi sge, %get3A_787, %ge3A_788 : vector<16xi32>
        %add3A_790 = arith.constant 320 : i32
        %add3A_791 = arith.addi %multiple_of3A_10, %add3A_790 : i32
        %lt3A_792 = vector.broadcast %add3A_791 : i32 to vector<16xi32>
        %lt3A_793 = arith.cmpi slt, %get3A_787, %lt3A_792 : vector<16xi32>
        %and3A_794 = arith.andi %ge3A_789, %lt3A_793 : vector<16xi1>
        %sub3A_795 = vector.broadcast %sub3A_27 : i32 to vector<16xi32>
        %sub3A_796 = arith.subi %get3A_787, %sub3A_795 : vector<16xi32>
        %add3A_797 = arith.constant 327 : i32
        %add3A_798 = arith.addi %multiple_of3A, %add3A_797 : i32
        %broadcast_in_dim3A_799 = vector.broadcast %add3A_798 : i32 to vector<16xi32>
        %select_n3A_800 = arith.select %and3A_794, %sub3A_796, %broadcast_in_dim3A_799 : vector<16xi1>, vector<16xi32>
        %swap3A_801 = arith.constant 1 : i32
        %swap3A_802 = arith.index_cast %swap3A_801 : i32 to index
        %swap3A_803 = arith.constant 96 : index
        %swap3A_804 = tpu.vector_load %arg11[%swap3A_802, %swap3A_803] {strides = array<i32>} : memref<2x128xi32, #tpu.memory_space<vmem>>, vector<1x16xi32>,
        %swap3A_805 = vector.shape_cast %swap3A_804 : vector<1x16xi32> to vector<16xi32>
        %swap3A_806 = vector.shape_cast %select_n3A_800 : vector<16xi32> to vector<1x16xi32>
        tpu.vector_store %arg11[%swap3A_802, %swap3A_803], %swap3A_806 {strides = array<i32>} : memref<2x128xi32, #tpu.memory_space<vmem>>, vector<1x16xi32>,
        %get3A_807 = arith.constant 240 : index
        %get3A_808 = tpu.vector_load %arg9[%get3A_807] {strides = array<i32>} : memref<256xi32, #tpu.memory_space<vmem>>, vector<16xi32>,
        %get3A_809 = vector.shape_cast %get3A_808 : vector<16xi32> to vector<16xi32>
        %ge3A_810 = vector.broadcast %multiple_of3A_10 : i32 to vector<16xi32>
        %ge3A_811 = arith.cmpi sge, %get3A_809, %ge3A_810 : vector<16xi32>
        %add3A_812 = arith.constant 320 : i32
        %add3A_813 = arith.addi %multiple_of3A_10, %add3A_812 : i32
        %lt3A_814 = vector.broadcast %add3A_813 : i32 to vector<16xi32>
        %lt3A_815 = arith.cmpi slt, %get3A_809, %lt3A_814 : vector<16xi32>
        %and3A_816 = arith.andi %ge3A_811, %lt3A_815 : vector<16xi1>
        %sub3A_817 = vector.broadcast %sub3A_27 : i32 to vector<16xi32>
        %sub3A_818 = arith.subi %get3A_809, %sub3A_817 : vector<16xi32>
        %add3A_819 = arith.constant 327 : i32
        %add3A_820 = arith.addi %multiple_of3A, %add3A_819 : i32
        %broadcast_in_dim3A_821 = vector.broadcast %add3A_820 : i32 to vector<16xi32>
        %select_n3A_822 = arith.select %and3A_816, %sub3A_818, %broadcast_in_dim3A_821 : vector<16xi1>, vector<16xi32>
        %swap3A_823 = arith.constant 1 : i32
        %swap3A_824 = arith.index_cast %swap3A_823 : i32 to index
        %swap3A_825 = arith.constant 112 : index
        %swap3A_826 = tpu.vector_load %arg11[%swap3A_824, %swap3A_825] {strides = array<i32>} : memref<2x128xi32, #tpu.memory_space<vmem>>, vector<1x16xi32>,
        %swap3A_827 = vector.shape_cast %swap3A_826 : vector<1x16xi32> to vector<16xi32>
        %swap3A_828 = vector.shape_cast %select_n3A_822 : vector<16xi32> to vector<1x16xi32>
        tpu.vector_store %arg11[%swap3A_824, %swap3A_825], %swap3A_828 {strides = array<i32>} : memref<2x128xi32, #tpu.memory_space<vmem>>, vector<1x16xi32>,
        %add3A_829 = arith.constant 1 : i32
        %add3A_830 = arith.addi %add3A_467, %add3A_829 : i32
        %lt3A_831 = arith.cmpi slt, %add3A_830, %shift_right_logical3A_17 : i32
        %convert_element_type3A_832 = arith.extui %lt3A_831 : i1 to i32
        %cond3A_833 = arith.constant 0 : i32
        %cond3A_834 = arith.cmpi ne, %convert_element_type3A_832, %cond3A_833 : i32
        scf.if %cond3A_834 {
          %gt3A_855 = arith.cmpi sgt, %add3A_467, %shift_right_logical3A_11 : i32
          %convert_element_type3A_856 = arith.extui %gt3A_855 : i1 to i32
          %cond3A_857 = arith.constant 0 : i32
          %cond3A_858 = arith.cmpi ne, %convert_element_type3A_856, %cond3A_857 : i32
          scf.if %cond3A_858 {
            %dma_wait3A_870 = arith.constant 0 : i32
            %dma_wait3A_871 = arith.constant 0 : i32
            %dma_wait3A_872 = tpu.memref_slice %arg6[%dma_wait3A_870, %dma_wait3A_871] : memref<256x128xf32, #tpu.memory_space<vmem>> -> memref<128x128xf32, #tpu.memory_space<vmem>>
            %dma_wait3A_873 = arith.constant 0 : i32
            %dma_wait3A_874 = arith.constant 0 : i32
            %dma_wait3A_875 = tpu.memref_slice %arg2[%dma_wait3A_873, %dma_wait3A_874] : memref<320000x128xf32, #tpu.memory_space<hbm>> -> memref<128x128xf32, #tpu.memory_space<hbm>>
            %dma_wait3A_876 = arith.constant 0 : i32
            %dma_wait3A_877 = arith.constant 0 : i32
            %dma_wait3A_878 = tpu.memref_slice %arg6[%dma_wait3A_876, %dma_wait3A_877] : memref<256x128xf32, #tpu.memory_space<vmem>> -> memref<128x128xf32, #tpu.memory_space<vmem>>
            %dma_wait3A_879 = arith.constant 0 : i32
            %dma_wait3A_880 = arith.constant 0 : i32
            %dma_wait3A_881 = tpu.memref_slice %arg2[%dma_wait3A_879, %dma_wait3A_880] : memref<320000x128xf32, #tpu.memory_space<hbm>> -> memref<128x128xf32, #tpu.memory_space<hbm>>
            tpu.wait_dma2 semaphore(%arg16 : memref<!tpu.dma_semaphore, #tpu.memory_space<semaphore_mem>>) src(%dma_wait3A_881 : memref<128x128xf32, #tpu.memory_space<hbm>>) dst(%dma_wait3A_878 : memref<128x128xf32, #tpu.memory_space<vmem>>)
            %dma_wait3A_882 = arith.constant 128 : i32
            %dma_wait3A_883 = arith.constant 0 : i32
            %dma_wait3A_884 = tpu.memref_slice %arg6[%dma_wait3A_882, %dma_wait3A_883] : memref<256x128xf32, #tpu.memory_space<vmem>> -> memref<128x128xf32, #tpu.memory_space<vmem>>
            %dma_wait3A_885 = arith.constant 0 : i32
            %dma_wait3A_886 = arith.constant 0 : i32
            %dma_wait3A_887 = tpu.memref_slice %arg2[%dma_wait3A_885, %dma_wait3A_886] : memref<320000x128xf32, #tpu.memory_space<hbm>> -> memref<128x128xf32, #tpu.memory_space<hbm>>
            %dma_wait3A_888 = arith.constant 128 : i32
            %dma_wait3A_889 = arith.constant 0 : i32
            %dma_wait3A_890 = tpu.memref_slice %arg6[%dma_wait3A_888, %dma_wait3A_889] : memref<256x128xf32, #tpu.memory_space<vmem>> -> memref<128x128xf32, #tpu.memory_space<vmem>>
            %dma_wait3A_891 = arith.constant 0 : i32
            %dma_wait3A_892 = arith.constant 0 : i32
            %dma_wait3A_893 = tpu.memref_slice %arg2[%dma_wait3A_891, %dma_wait3A_892] : memref<320000x128xf32, #tpu.memory_space<hbm>> -> memref<128x128xf32, #tpu.memory_space<hbm>>
            tpu.wait_dma2 semaphore(%arg16 : memref<!tpu.dma_semaphore, #tpu.memory_space<semaphore_mem>>) src(%dma_wait3A_893 : memref<128x128xf32, #tpu.memory_space<hbm>>) dst(%dma_wait3A_890 : memref<128x128xf32, #tpu.memory_space<vmem>>)
          } else {
          }
          %add3A_859 = arith.constant 1 : i32
          %add3A_860 = arith.addi %add3A_467, %add3A_859 : i32
          %mul3A_861 = arith.constant 256 : i32
          %mul3A_862 = arith.muli %add3A_860, %mul3A_861 : i32
          %multiple_of3A_863 = tpu.assume_multiple %mul3A_862, 8 : i32
          %dma_start3A_864 = arith.constant 0 : i32
          %dma_start3A_865 = tpu.memref_slice %arg2[%multiple_of3A_863, %dma_start3A_864] : memref<320000x128xf32, #tpu.memory_space<hbm>> -> memref<256x128xf32, #tpu.memory_space<hbm>>
          %dma_start3A_866 = arith.constant 0 : i32
          %dma_start3A_867 = tpu.memref_slice %arg2[%multiple_of3A_863, %dma_start3A_866] : memref<320000x128xf32, #tpu.memory_space<hbm>> -> memref<256x128xf32, #tpu.memory_space<hbm>>
          tpu.enqueue_dma source(%dma_start3A_867 : memref<256x128xf32, #tpu.memory_space<hbm>>) target(%arg6 : memref<256x128xf32, #tpu.memory_space<vmem>>) target_semaphore(%arg14 : memref<!tpu.dma_semaphore, #tpu.memory_space<semaphore_mem>>)
          %dma_start3A_868 = tpu.memref_slice %arg3[%multiple_of3A_863] : memref<320000xi32, #tpu.memory_space<hbm>> -> memref<256xi32, #tpu.memory_space<hbm>>
          %dma_start3A_869 = tpu.memref_slice %arg3[%multiple_of3A_863] : memref<320000xi32, #tpu.memory_space<hbm>> -> memref<256xi32, #tpu.memory_space<hbm>>
          tpu.enqueue_dma source(%dma_start3A_869 : memref<256xi32, #tpu.memory_space<hbm>>) target(%arg8 : memref<256xi32, #tpu.memory_space<vmem>>) target_semaphore(%arg14 : memref<!tpu.dma_semaphore, #tpu.memory_space<semaphore_mem>>)
        } else {
        }
        %dma_start3A_835 = arith.constant 0 : i32
        %dma_start3A_836 = arith.constant 0 : i32
        %dma_start3A_837 = arith.constant 0 : i32
        %dma_start3A_838 = tpu.memref_slice %arg7[%dma_start3A_836, %dma_start3A_837] : memref<256x128xf32, #tpu.memory_space<vmem>> -> memref<128x128xf32, #tpu.memory_space<vmem>>
        %dma_start3A_839 = arith.constant 0 : i32
        %dma_start3A_840 = tpu.memref_slice %arg11[%dma_start3A_835, %dma_start3A_839] : memref<2x128xi32, #tpu.memory_space<vmem>> -> memref<1x128xi32, #tpu.memory_space<vmem>>
        %dma_start3A_841 = tpu.memref_squeeze %dma_start3A_840 : memref<1x128xi32, #tpu.memory_space<vmem>> -> memref<128xi32, #tpu.memory_space<vmem>>
        %dma_start3A_842 = arith.constant 0 : i32
        %dma_start3A_843 = arith.constant 0 : i32
        %dma_start3A_844 = tpu.memref_slice %arg13[%dma_start3A_842, %dma_start3A_843] : memref<5248x128xf32, #tpu.memory_space<vmem_shared>> -> memref<5248x128xf32, #tpu.memory_space<vmem_shared>>
        tpu.enqueue_indirect_dma source(%dma_start3A_838 : memref<128x128xf32, #tpu.memory_space<vmem>>) target(%dma_start3A_844 : memref<5248x128xf32, #tpu.memory_space<vmem_shared>>) offsets(%dma_start3A_841 : memref<128xi32, #tpu.memory_space<vmem>>) semaphore(%arg17 : memref<!tpu.dma_semaphore, #tpu.memory_space<semaphore_mem>>) {add = true}
        %dma_start3A_845 = arith.constant 1 : i32
        %dma_start3A_846 = arith.constant 128 : i32
        %dma_start3A_847 = arith.constant 0 : i32
        %dma_start3A_848 = tpu.memref_slice %arg7[%dma_start3A_846, %dma_start3A_847] : memref<256x128xf32, #tpu.memory_space<vmem>> -> memref<128x128xf32, #tpu.memory_space<vmem>>
        %dma_start3A_849 = arith.constant 0 : i32
        %dma_start3A_850 = tpu.memref_slice %arg11[%dma_start3A_845, %dma_start3A_849] : memref<2x128xi32, #tpu.memory_space<vmem>> -> memref<1x128xi32, #tpu.memory_space<vmem>>
        %dma_start3A_851 = tpu.memref_squeeze %dma_start3A_850 : memref<1x128xi32, #tpu.memory_space<vmem>> -> memref<128xi32, #tpu.memory_space<vmem>>
        %dma_start3A_852 = arith.constant 0 : i32
        %dma_start3A_853 = arith.constant 0 : i32
        %dma_start3A_854 = tpu.memref_slice %arg13[%dma_start3A_852, %dma_start3A_853] : memref<5248x128xf32, #tpu.memory_space<vmem_shared>> -> memref<5248x128xf32, #tpu.memory_space<vmem_shared>>
        tpu.enqueue_indirect_dma source(%dma_start3A_848 : memref<128x128xf32, #tpu.memory_space<vmem>>) target(%dma_start3A_854 : memref<5248x128xf32, #tpu.memory_space<vmem_shared>>) offsets(%dma_start3A_851 : memref<128xi32, #tpu.memory_space<vmem>>) semaphore(%arg17 : memref<!tpu.dma_semaphore, #tpu.memory_space<semaphore_mem>>) {add = true}
      } else {
      }
    }
    %eq3A = arith.constant 1 : i32
    %eq3A_56 = arith.cmpi eq, %sub3A, %eq3A : i32
    %convert_element_type3A_57 = arith.extui %eq3A_56 : i1 to i32
    %cond3A_58 = arith.constant 0 : i32
    %cond3A_59 = arith.cmpi ne, %convert_element_type3A_57, %cond3A_58 : i32
    scf.if %cond3A_59 {
      %dma_wait3A = arith.constant 0 : i32
      %dma_wait3A_74 = arith.constant 0 : i32
      %dma_wait3A_75 = tpu.memref_slice %arg6[%dma_wait3A, %dma_wait3A_74] : memref<256x128xf32, #tpu.memory_space<vmem>> -> memref<128x128xf32, #tpu.memory_space<vmem>>
      %dma_wait3A_76 = arith.constant 0 : i32
      %dma_wait3A_77 = arith.constant 0 : i32
      %dma_wait3A_78 = tpu.memref_slice %arg2[%dma_wait3A_76, %dma_wait3A_77] : memref<320000x128xf32, #tpu.memory_space<hbm>> -> memref<128x128xf32, #tpu.memory_space<hbm>>
      %dma_wait3A_79 = arith.constant 0 : i32
      %dma_wait3A_80 = arith.constant 0 : i32
      %dma_wait3A_81 = tpu.memref_slice %arg6[%dma_wait3A_79, %dma_wait3A_80] : memref<256x128xf32, #tpu.memory_space<vmem>> -> memref<128x128xf32, #tpu.memory_space<vmem>>
      %dma_wait3A_82 = arith.constant 0 : i32
      %dma_wait3A_83 = arith.constant 0 : i32
      %dma_wait3A_84 = tpu.memref_slice %arg2[%dma_wait3A_82, %dma_wait3A_83] : memref<320000x128xf32, #tpu.memory_space<hbm>> -> memref<128x128xf32, #tpu.memory_space<hbm>>
      tpu.wait_dma2 semaphore(%arg16 : memref<!tpu.dma_semaphore, #tpu.memory_space<semaphore_mem>>) src(%dma_wait3A_84 : memref<128x128xf32, #tpu.memory_space<hbm>>) dst(%dma_wait3A_81 : memref<128x128xf32, #tpu.memory_space<vmem>>)
      %dma_wait3A_85 = arith.constant 128 : i32
      %dma_wait3A_86 = arith.constant 0 : i32
      %dma_wait3A_87 = tpu.memref_slice %arg6[%dma_wait3A_85, %dma_wait3A_86] : memref<256x128xf32, #tpu.memory_space<vmem>> -> memref<128x128xf32, #tpu.memory_space<vmem>>
      %dma_wait3A_88 = arith.constant 0 : i32
      %dma_wait3A_89 = arith.constant 0 : i32
      %dma_wait3A_90 = tpu.memref_slice %arg2[%dma_wait3A_88, %dma_wait3A_89] : memref<320000x128xf32, #tpu.memory_space<hbm>> -> memref<128x128xf32, #tpu.memory_space<hbm>>
      %dma_wait3A_91 = arith.constant 128 : i32
      %dma_wait3A_92 = arith.constant 0 : i32
      %dma_wait3A_93 = tpu.memref_slice %arg6[%dma_wait3A_91, %dma_wait3A_92] : memref<256x128xf32, #tpu.memory_space<vmem>> -> memref<128x128xf32, #tpu.memory_space<vmem>>
      %dma_wait3A_94 = arith.constant 0 : i32
      %dma_wait3A_95 = arith.constant 0 : i32
      %dma_wait3A_96 = tpu.memref_slice %arg2[%dma_wait3A_94, %dma_wait3A_95] : memref<320000x128xf32, #tpu.memory_space<hbm>> -> memref<128x128xf32, #tpu.memory_space<hbm>>
      tpu.wait_dma2 semaphore(%arg16 : memref<!tpu.dma_semaphore, #tpu.memory_space<semaphore_mem>>) src(%dma_wait3A_96 : memref<128x128xf32, #tpu.memory_space<hbm>>) dst(%dma_wait3A_93 : memref<128x128xf32, #tpu.memory_space<vmem>>)
    } else {
    }
    %ge3A = arith.constant 2 : i32
    %ge3A_60 = arith.cmpi sge, %sub3A, %ge3A : i32
    %convert_element_type3A_61 = arith.extui %ge3A_60 : i1 to i32
    %cond3A_62 = arith.constant 0 : i32
    %cond3A_63 = arith.cmpi ne, %convert_element_type3A_61, %cond3A_62 : i32
    scf.if %cond3A_63 {
      %dma_wait3A = arith.constant 0 : i32
      %dma_wait3A_74 = arith.constant 0 : i32
      %dma_wait3A_75 = tpu.memref_slice %arg6[%dma_wait3A, %dma_wait3A_74] : memref<256x128xf32, #tpu.memory_space<vmem>> -> memref<128x128xf32, #tpu.memory_space<vmem>>
      %dma_wait3A_76 = arith.constant 0 : i32
      %dma_wait3A_77 = arith.constant 0 : i32
      %dma_wait3A_78 = tpu.memref_slice %arg2[%dma_wait3A_76, %dma_wait3A_77] : memref<320000x128xf32, #tpu.memory_space<hbm>> -> memref<128x128xf32, #tpu.memory_space<hbm>>
      %dma_wait3A_79 = arith.constant 0 : i32
      %dma_wait3A_80 = arith.constant 0 : i32
      %dma_wait3A_81 = tpu.memref_slice %arg6[%dma_wait3A_79, %dma_wait3A_80] : memref<256x128xf32, #tpu.memory_space<vmem>> -> memref<128x128xf32, #tpu.memory_space<vmem>>
      %dma_wait3A_82 = arith.constant 0 : i32
      %dma_wait3A_83 = arith.constant 0 : i32
      %dma_wait3A_84 = tpu.memref_slice %arg2[%dma_wait3A_82, %dma_wait3A_83] : memref<320000x128xf32, #tpu.memory_space<hbm>> -> memref<128x128xf32, #tpu.memory_space<hbm>>
      tpu.wait_dma2 semaphore(%arg16 : memref<!tpu.dma_semaphore, #tpu.memory_space<semaphore_mem>>) src(%dma_wait3A_84 : memref<128x128xf32, #tpu.memory_space<hbm>>) dst(%dma_wait3A_81 : memref<128x128xf32, #tpu.memory_space<vmem>>)
      %dma_wait3A_85 = arith.constant 128 : i32
      %dma_wait3A_86 = arith.constant 0 : i32
      %dma_wait3A_87 = tpu.memref_slice %arg6[%dma_wait3A_85, %dma_wait3A_86] : memref<256x128xf32, #tpu.memory_space<vmem>> -> memref<128x128xf32, #tpu.memory_space<vmem>>
      %dma_wait3A_88 = arith.constant 0 : i32
      %dma_wait3A_89 = arith.constant 0 : i32
      %dma_wait3A_90 = tpu.memref_slice %arg2[%dma_wait3A_88, %dma_wait3A_89] : memref<320000x128xf32, #tpu.memory_space<hbm>> -> memref<128x128xf32, #tpu.memory_space<hbm>>
      %dma_wait3A_91 = arith.constant 128 : i32
      %dma_wait3A_92 = arith.constant 0 : i32
      %dma_wait3A_93 = tpu.memref_slice %arg6[%dma_wait3A_91, %dma_wait3A_92] : memref<256x128xf32, #tpu.memory_space<vmem>> -> memref<128x128xf32, #tpu.memory_space<vmem>>
      %dma_wait3A_94 = arith.constant 0 : i32
      %dma_wait3A_95 = arith.constant 0 : i32
      %dma_wait3A_96 = tpu.memref_slice %arg2[%dma_wait3A_94, %dma_wait3A_95] : memref<320000x128xf32, #tpu.memory_space<hbm>> -> memref<128x128xf32, #tpu.memory_space<hbm>>
      tpu.wait_dma2 semaphore(%arg16 : memref<!tpu.dma_semaphore, #tpu.memory_space<semaphore_mem>>) src(%dma_wait3A_96 : memref<128x128xf32, #tpu.memory_space<hbm>>) dst(%dma_wait3A_93 : memref<128x128xf32, #tpu.memory_space<vmem>>)
      %dma_wait3A_97 = arith.constant 0 : i32
      %dma_wait3A_98 = arith.constant 0 : i32
      %dma_wait3A_99 = tpu.memref_slice %arg7[%dma_wait3A_97, %dma_wait3A_98] : memref<256x128xf32, #tpu.memory_space<vmem>> -> memref<128x128xf32, #tpu.memory_space<vmem>>
      %dma_wait3A_100 = arith.constant 0 : i32
      %dma_wait3A_101 = arith.constant 0 : i32
      %dma_wait3A_102 = tpu.memref_slice %arg2[%dma_wait3A_100, %dma_wait3A_101] : memref<320000x128xf32, #tpu.memory_space<hbm>> -> memref<128x128xf32, #tpu.memory_space<hbm>>
      %dma_wait3A_103 = arith.constant 0 : i32
      %dma_wait3A_104 = arith.constant 0 : i32
      %dma_wait3A_105 = tpu.memref_slice %arg7[%dma_wait3A_103, %dma_wait3A_104] : memref<256x128xf32, #tpu.memory_space<vmem>> -> memref<128x128xf32, #tpu.memory_space<vmem>>
      %dma_wait3A_106 = arith.constant 0 : i32
      %dma_wait3A_107 = arith.constant 0 : i32
      %dma_wait3A_108 = tpu.memref_slice %arg2[%dma_wait3A_106, %dma_wait3A_107] : memref<320000x128xf32, #tpu.memory_space<hbm>> -> memref<128x128xf32, #tpu.memory_space<hbm>>
      tpu.wait_dma2 semaphore(%arg17 : memref<!tpu.dma_semaphore, #tpu.memory_space<semaphore_mem>>) src(%dma_wait3A_108 : memref<128x128xf32, #tpu.memory_space<hbm>>) dst(%dma_wait3A_105 : memref<128x128xf32, #tpu.memory_space<vmem>>)
      %dma_wait3A_109 = arith.constant 128 : i32
      %dma_wait3A_110 = arith.constant 0 : i32
      %dma_wait3A_111 = tpu.memref_slice %arg7[%dma_wait3A_109, %dma_wait3A_110] : memref<256x128xf32, #tpu.memory_space<vmem>> -> memref<128x128xf32, #tpu.memory_space<vmem>>
      %dma_wait3A_112 = arith.constant 0 : i32
      %dma_wait3A_113 = arith.constant 0 : i32
      %dma_wait3A_114 = tpu.memref_slice %arg2[%dma_wait3A_112, %dma_wait3A_113] : memref<320000x128xf32, #tpu.memory_space<hbm>> -> memref<128x128xf32, #tpu.memory_space<hbm>>
      %dma_wait3A_115 = arith.constant 128 : i32
      %dma_wait3A_116 = arith.constant 0 : i32
      %dma_wait3A_117 = tpu.memref_slice %arg7[%dma_wait3A_115, %dma_wait3A_116] : memref<256x128xf32, #tpu.memory_space<vmem>> -> memref<128x128xf32, #tpu.memory_space<vmem>>
      %dma_wait3A_118 = arith.constant 0 : i32
      %dma_wait3A_119 = arith.constant 0 : i32
      %dma_wait3A_120 = tpu.memref_slice %arg2[%dma_wait3A_118, %dma_wait3A_119] : memref<320000x128xf32, #tpu.memory_space<hbm>> -> memref<128x128xf32, #tpu.memory_space<hbm>>
      tpu.wait_dma2 semaphore(%arg17 : memref<!tpu.dma_semaphore, #tpu.memory_space<semaphore_mem>>) src(%dma_wait3A_120 : memref<128x128xf32, #tpu.memory_space<hbm>>) dst(%dma_wait3A_117 : memref<128x128xf32, #tpu.memory_space<vmem>>)
    } else {
    }
    %ne3A_64 = arith.constant 31 : i32
    %ne3A_65 = arith.cmpi ne, %add3A, %ne3A_64 : i32
    %convert_element_type3A_66 = arith.extui %ne3A_65 : i1 to i32
    %cond3A_67 = arith.constant 0 : i32
    %cond3A_68 = arith.cmpi ne, %convert_element_type3A_66, %cond3A_67 : i32
    scf.if %cond3A_68 {
      "tpu.region"() ({
        %run_scoped3A = tpu.sem_alloc : memref<!tpu.dma_semaphore, #tpu.memory_space<semaphore_mem>>
        %dma_start3A = arith.constant 0 : i32
        %dma_start3A_74 = tpu.memref_slice %arg5[%multiple_of3A_10, %dma_start3A] : memref<10000x128xf32, #tpu.memory_space<hbm>> -> memref<320x128xf32, #tpu.memory_space<hbm>>
        %dma_start3A_75 = arith.constant 0 : i32
        %dma_start3A_76 = tpu.memref_slice %arg13[%multiple_of3A, %dma_start3A_75] : memref<5248x128xf32, #tpu.memory_space<vmem_shared>> -> memref<320x128xf32, #tpu.memory_space<vmem_shared>>
        tpu.enqueue_dma source(%dma_start3A_76 : memref<320x128xf32, #tpu.memory_space<vmem_shared>>) target(%dma_start3A_74 : memref<320x128xf32, #tpu.memory_space<hbm>>) target_semaphore(%run_scoped3A : memref<!tpu.dma_semaphore, #tpu.memory_space<semaphore_mem>>)
        %dma_wait3A = arith.constant 0 : i32
        %dma_wait3A_77 = tpu.memref_slice %arg5[%multiple_of3A_10, %dma_wait3A] : memref<10000x128xf32, #tpu.memory_space<hbm>> -> memref<320x128xf32, #tpu.memory_space<hbm>>
        %dma_wait3A_78 = arith.constant 0 : i32
        %dma_wait3A_79 = tpu.memref_slice %arg13[%multiple_of3A, %dma_wait3A_78] : memref<5248x128xf32, #tpu.memory_space<vmem_shared>> -> memref<320x128xf32, #tpu.memory_space<vmem_shared>>
        tpu.wait_dma2 semaphore(%run_scoped3A : memref<!tpu.dma_semaphore, #tpu.memory_space<semaphore_mem>>) src(%dma_wait3A_79 : memref<320x128xf32, #tpu.memory_space<vmem_shared>>) dst(%dma_wait3A_77 : memref<320x128xf32, #tpu.memory_space<hbm>>)
        tpu.yield
      }) : () -> ()
    } else {
    }
    %eq3A_69 = arith.constant 31 : i32
    %eq3A_70 = arith.cmpi eq, %add3A, %eq3A_69 : i32
    %convert_element_type3A_71 = arith.extui %eq3A_70 : i1 to i32
    %cond3A_72 = arith.constant 0 : i32
    %cond3A_73 = arith.cmpi ne, %convert_element_type3A_71, %cond3A_72 : i32
    scf.if %cond3A_73 {
      "tpu.region"() ({
        %run_scoped3A = tpu.sem_alloc : memref<!tpu.dma_semaphore, #tpu.memory_space<semaphore_mem>>
        %dma_start3A = arith.constant 0 : i32
        %dma_start3A_74 = tpu.memref_slice %arg5[%multiple_of3A_10, %dma_start3A] : memref<10000x128xf32, #tpu.memory_space<hbm>> -> memref<80x128xf32, #tpu.memory_space<hbm>>
        %dma_start3A_75 = arith.constant 0 : i32
        %dma_start3A_76 = tpu.memref_slice %arg13[%multiple_of3A, %dma_start3A_75] : memref<5248x128xf32, #tpu.memory_space<vmem_shared>> -> memref<80x128xf32, #tpu.memory_space<vmem_shared>>
        tpu.enqueue_dma source(%dma_start3A_76 : memref<80x128xf32, #tpu.memory_space<vmem_shared>>) target(%dma_start3A_74 : memref<80x128xf32, #tpu.memory_space<hbm>>) target_semaphore(%run_scoped3A : memref<!tpu.dma_semaphore, #tpu.memory_space<semaphore_mem>>)
        %dma_wait3A = arith.constant 0 : i32
        %dma_wait3A_77 = tpu.memref_slice %arg5[%multiple_of3A_10, %dma_wait3A] : memref<10000x128xf32, #tpu.memory_space<hbm>> -> memref<80x128xf32, #tpu.memory_space<hbm>>
        %dma_wait3A_78 = arith.constant 0 : i32
        %dma_wait3A_79 = tpu.memref_slice %arg13[%multiple_of3A, %dma_wait3A_78] : memref<5248x128xf32, #tpu.memory_space<vmem_shared>> -> memref<80x128xf32, #tpu.memory_space<vmem_shared>>
        tpu.wait_dma2 semaphore(%run_scoped3A : memref<!tpu.dma_semaphore, #tpu.memory_space<semaphore_mem>>) src(%dma_wait3A_79 : memref<80x128xf32, #tpu.memory_space<vmem_shared>>) dst(%dma_wait3A_77 : memref<80x128xf32, #tpu.memory_space<hbm>>)
        tpu.yield
      }) : () -> ()
    } else {
    }
    return
  }
}

</mosaic_0001>

<sc_bundles>
// kernel: kernel.3.cloned.1.call-start
scs
__scs_entry_jumppad:
0x0: {  	(pc) =	sbr.rel $0x88, $3  }
0x1: {  	(tag) =	ssettag $0x0;
	lr =	simm.s32 $0x1  }
0x2: {  	[smem:$0x3F9F] =	sst lr;
	_ =	strace $0xD0000000  }
0x3: {  	_ = 	snop  }
0x4: {  	_ = 	snop  }
0x5: {  	_ = 	snop  }
0x6: {  	_ = 	snop  }
0x7: {  	_ = 	snop  }
__scs_overlays_trampoline_lowered:
0x8: {  	[smem:$0x3FAE] =	sst s0  }
0x9: {  	[smem:$0x3FAF] =	sst s1  }
0xa: {  	[smem:$0x3FB0] =	sst s2  }
0xb: {  	[smem:$0x3FB1] =	sst s3  }
0xc: {  	[smem:$0x3FB2] =	sst s4  }
0xd: {  	[smem:$0x3FB3] =	sst s5  }
0xe: {  	[smem:$0x3FB4] =	sst s6  }
0xf: {  	[smem:$0x3FB5] =	sst s7  }
0x10: {  	[smem:$0x3FB6] =	sst s8  }
0x11: {  	[smem:$0x3FB7] =	sst s9;
	s0 =	simm.s32 @!p0 $0x0  }
0x12: {  	s1 =	sld [smem:$0x3F9D];
	s0 =	simm.s32 @p0 $0x1  }
0x13: {  	[smem:$0x3FB8] =	sst s0;
	s0 =	simm.s32 @!p1 $0x0  }
0x14: {  	s2 =	sld [smem:$0x3F9C];
	s0 =	simm.s32 @p1 $0x1  }
0x15: {  	[smem:$0x3FB9] =	sst s0;
	s0 =	simm.s32 @!p2 $0x0  }
0x16: {  	s3 =	sld [smem:$0x3FDB];
	s0 =	simm.s32 @p2 $0x1  }
0x17: {  	s4 =	simm.s32 $0x1BF5;
	[smem:$0x3FBB] =	sst s0  }
0x18: {  	s0 =	sld [smem:$0x3F9E];
	_ =	swait.ge [sflag:s4], $0x0  }
0x19: {  	s7 =	sld [smem:$0x3F9F]  }
0x1a: {  	s8 =	sadd.s32 $0xFFFFE003, lr  }
0x1b: {  	s9 =	sadd.s32 $0xFFFFFEF7, lr;
	s5 =	simm.s32 $0xFFFFFFFF;
	p2 =	slt.u32 s8, $0xFFFFF086  }
0x1c: {  	p1 =	slt.u32 s9, $0xF7A;
	s5 =	simm.s32 @!p2 $0x0  }
0x1d: {  	s5 =	simm.s32 @p1 $0x1;
	p0 =	seq.s32 s7, s2  }
0x1e: {  	s7 =	smul.u32 @!p0 $0xF7A, s2;
	p2 =	seq.s32 @!p0 s5, $0x0  }
0x1f: {  	s9 =	smul.u32 $0xF7A, s1;
	s8 =	simm.s32 @!p0 $0x1BF5;
	p2 =	por !p2, p0  }
0x20: {  	[sflag:s8] =	ssyncset.s32 @!p0 $0xFFFFF086;
	s6 =	sadd.s32 @!p0 s3, s7;
	s7 =	simm.s32 @!p0 $0x108  }
0x21: {  	s3 =	sadd.s32 s3, s9;
	s6 =	sadd.s32 @!p0 $0x88, s6;
	s7 =	simm.s32 @p2 $0x1082  }
0x22: {  	[simem:s7], [sflag:s8] =	dma.local @!p0 [hbm:s6], $0xF7A  }
0x23: {  	s9 =	sor.u32 $0xD0000000, s2;
	s6 =	simm.s32 $0x108;
	_ =	swait.ge @!p0 [sflag:s8], $0x0  }
0x24: {  	s3 =	sadd.s32 $0x88, s3;
	s6 =	simm.s32 @!p1 $0x1082;
	[sflag:s4] =	ssyncset.s32 $0xFFFFF086  }
0x25: {  	[simem:s6], [sflag:s4] =	dma.local [hbm:s3], $0xF7A  }
0x26: {  	[smem:$0x3F9F] =	sst s1;
	(tag) =	ssettag s2;
	_ =	strace s9  }
0x27: {  	s1 =	sld [smem:$0x3FAF]  }
0x28: {  	s2 =	sld [smem:$0x3FB0]  }
0x29: {  	s4 =	sld [smem:$0x3FB2]  }
0x2a: {  	p0 =	seq.s32 s5, $0x0;
	s5 =	sld [smem:$0x3FB3]  }
0x2b: {  	s6 =	sld [smem:$0x3FB4]  }
0x2c: {  	s7 =	sld [smem:$0x3FB5]  }
0x2d: {  	s3 =	simm.s32 $0x108;
	s8 =	sld [smem:$0x3FB6]  }
0x2e: {  	s3 =	simm.s32 @!p0 $0x1082;
	s9 =	sld [smem:$0x3FB7]  }
0x2f: {  	lr =	sadd.s32 s0, s3;
	s0 =	sld [smem:$0x3FAE]  }
0x30: {  	s3 =	sld [smem:$0x3FB1]  }
0x31: {  	[smem:$0x3FBA] =	sst s10  }
0x32: {  	s10 =	sld [smem:$0x3FB8];
	_ =	sdelay $0x3  }
0x33: {  	p0 =	seq.s32 s10, $0x1;
	s10 =	sld [smem:$0x3FBA];
	_ =	sdelay $0x3  }
0x34: {  	[smem:$0x3FBA] =	sst s10  }
0x35: {  	s10 =	sld [smem:$0x3FB9];
	_ =	sdelay $0x3  }
0x36: {  	p1 =	seq.s32 s10, $0x1;
	s10 =	sld [smem:$0x3FBA];
	_ =	sdelay $0x3  }
0x37: {  	[smem:$0x3FBA] =	sst s10  }
0x38: {  	s10 =	sld [smem:$0x3FBB]  }
0x39: {  	_ = 	snop;
	(pc) =	sbr.ind lr, $3  }
0x3a: {  	_ = 	snop  }
0x3b: {  	_ = 	snop  }
0x3c: {  	p2 =	seq.s32 s10, $0x1;
	s10 =	sld [smem:$0x3FBA]  }
0x3d: {  	_ =	shalt  }
0x3e: {  	_ =	shalt  }
0x3f: {  	_ =	shalt  }
0x40: {  	_ =	shalt  }
0x41: {  	_ =	shalt  }
0x42: {  	_ =	shalt  }
0x43: {  	_ =	shalt  }
0x44: {  	_ =	shalt  }
0x45: {  	_ =	shalt  }
0x46: {  	_ =	shalt  }
0x47: {  	_ =	shalt  }
0x48: {  	_ =	shalt  }
0x49: {  	_ =	shalt  }
0x4a: {  	_ =	shalt  }
0x4b: {  	_ =	shalt  }
0x4c: {  	_ =	shalt  }
0x4d: {  	_ =	shalt  }
0x4e: {  	_ =	shalt  }
0x4f: {  	_ =	shalt  }
0x50: {  	_ =	shalt  }
0x51: {  	_ =	shalt  }
0x52: {  	_ =	shalt  }
0x53: {  	_ =	shalt  }
0x54: {  	_ =	shalt  }
0x55: {  	_ =	shalt  }
0x56: {  	_ =	shalt  }
0x57: {  	_ =	shalt  }
0x58: {  	_ =	shalt  }
0x59: {  	_ =	shalt  }
0x5a: {  	_ =	shalt  }
0x5b: {  	_ =	shalt  }
0x5c: {  	_ =	shalt  }
0x5d: {  	_ =	shalt  }
0x5e: {  	_ =	shalt  }
0x5f: {  	_ =	shalt  }
0x60: {  	_ =	shalt  }
0x61: {  	_ =	shalt  }
0x62: {  	_ =	shalt  }
0x63: {  	_ =	shalt  }
0x64: {  	_ =	shalt  }
0x65: {  	_ =	shalt  }
0x66: {  	_ =	shalt  }
0x67: {  	_ =	shalt  }
0x68: {  	_ =	shalt  }
0x69: {  	_ =	shalt  }
0x6a: {  	_ =	shalt  }
0x6b: {  	_ =	shalt  }
0x6c: {  	_ =	shalt  }
0x6d: {  	_ =	shalt  }
0x6e: {  	_ =	shalt  }
0x6f: {  	_ =	shalt  }
0x70: {  	_ =	shalt  }
0x71: {  	_ =	shalt  }
0x72: {  	_ =	shalt  }
0x73: {  	_ =	shalt  }
0x74: {  	_ =	shalt  }
0x75: {  	_ =	shalt  }
0x76: {  	_ =	shalt  }
0x77: {  	_ =	shalt  }
0x78: {  	_ =	shalt  }
0x79: {  	_ =	shalt  }
0x7a: {  	_ =	shalt  }
0x7b: {  	_ =	shalt  }
0x7c: {  	_ =	shalt  }
0x7d: {  	_ =	shalt  }
0x7e: {  	_ =	shalt  }
0x7f: {  	_ =	shalt  }
0x80: {  	_ =	shalt  }
0x81: {  	_ =	shalt  }
0x82: {  	_ =	shalt  }
0x83: {  	_ =	shalt  }
0x84: {  	_ =	shalt  }
0x85: {  	_ =	shalt  }
0x86: {  	_ =	shalt  }
0x87: {  	_ =	shalt  }
.Lfunc_end0:
.L_simem_size_0:
called_computation_lowered:
.L_overlay_start_0:
0x88: {  	s2 =	sld [smem:$0x3FD9]  }
0x89: {  	s3 =	sld [smem:$0x3FFE];
	_ =	sdelay $0x1  }
0x8a: {  	s1 =	srdreg.scid  }
0x8b: {  	s0 =	sand.u32 $0x1, s1  }
0x8c: {  	s17 =	sshll.u32 s0, $0xA;
	s2 =	sadd.s32 s3, s2  }
0x8d: {  	s2 =	sadd.s32 s2, s17  }
0x8e: {  	[smem:$0x3FC6] =	sst s2  }
0x8f: {  	_ = 	snop  }
0x90: {  	s2 =	sld [smem:$0x3FC9]  }
0x91: {  	s18 =	sld [smem:$0x3FC8]  }
0x92: {  	s4 =	sld [smem:$0x3FD0];
	(tm) =	ssettm $0x1  }
0x93: {  	s5 =	sld [smem:$0x3FFB];
	_ =	sdelay $0x3  }
0x94: {  	_ =	strace s5  }
0x95: {  	s5 =	sld [smem:$0x3FFC];
	_ =	sdelay $0x3  }
0x96: {  	_ =	strace s5  }
0x97: {  	s5 =	sld [smem:$0x3FFD];
	_ =	sdelay $0x3  }
0x98: {  	_ =	strace s5  }
0x99: {  	_ =	strace $0x8FFFFFFF  }
0x9a: {  	s19 =	sld [smem:$0x3FDB];
	_ =	sdelay $0x1  }
0x9b: {  	s6 =	simm.s32 $_scs_section_size  }
0x9c: {  	s7 =	simm.s32 $_size__tile_overlayer_lowered;
	s8 =	simm.s32 $_tile_overlayer_lowered  }
0x9d: {  	s22 =	simm.s32 $0x1BFF;
	s21 =	sshll.u32 s8, $0x1;
	s5 =	sadd.s32 s6, s19  }
0x9e: {  	s9 =	simm.s32 $0x0;
	s20 =	sshll.u32 s7, $0x1;
	s7 =	sadd.s32 s21, s5  }
0x9f: {  	[timem:s9], [sflag:s22] =	dma.local [hbm:s7], s20  }
0xa0: {  	_ =	swait.ge [sflag:s22], s20  }
0xa1: {  	s6 =	ssub.s32 $0x0, s20;
	[sflag:s22] =	ssyncset.done $0x0  }
0xa2: {  	[sflag:s22] =	ssyncadd.s32 s6;
	_ =	sdelay $0x1  }
0xa3: {  	s23 =	simm.s32 $0x1B8B  }
0xa4: {  	_ =	swait.ge [sflag:s23], $0x1  }
0xa5: {  	[sflag:s23] =	ssyncset.done $0x0  }
0xa6: {  	s25 =	simm.s32 $0x1B8E;
	s24 =	sld [smem:$0x3FFE];
	[sflag:s23] =	ssyncadd.s32 $0xFFFFFFFF  }
0xa7: {  	s26 =	simm.s32 $execute0_lowered;
	[smem:$0x3FD2] =	sst s25  }
0xa8: {  	s7 =	sshll.u32 s26, $0x1;
	_ =	strace $0x80000046;
	[dreg:$0x1] =	wrdreg $0xFFFFFFFF  }
0xa9: {  	s28 =	simm.s32 $_size_execute0_lowered;
	s5 =	sadd.s32 s5, s7;
	[dreg:$0x0] =	wrdreg $0x0  }
0xaa: {  	s7 =	sshll.u32 s28, $0x1;
	[dreg:$0x2] =	wrdreg s5  }
0xab: {  	[dreg:$0x3] =	wrdreg s7  }
0xac: {  	[dreg:$0x4] =	wrdreg $0xC0  }
0xad: {  	_ =	task [dreg:s9], $0x5FFFF  }
0xae: {  	[dreg:$0x1] =	wrdreg $0xFFFFFFFF  }
0xaf: {  	[dreg:$0x0] =	wrdreg $0x60  }
0xb0: {  	[dreg:$0x2] =	wrdreg s2  }
0xb1: {  	[dreg:$0x3] =	wrdreg s18  }
0xb2: {  	[dreg:$0x4] =	wrdreg s24  }
0xb3: {  	[dreg:$0x5] =	wrdreg s4  }
0xb4: {  	[dreg:$0x6] =	wrdreg $0x104800  }
0xb5: {  	[dreg:$0x7] =	wrdreg $0x9  }
0xb6: {  	_ =	task.clear_ibuf [dreg:s9], $0x8FFFF;
	_ =	strace $0x90000046  }
0xb7: {  	s29 =	simm.s32 $0x9;
	_ =	strace $0x80000048  }
0xb8: {  	_ =	swait.ge [sflag:s29], $0x1  }
0xb9: {  	[sflag:s29] =	ssyncadd.s32 $0xFFFFFFFF  }
0xba: {  	_ =	strace $0x90000048  }
0xbb: {  	_ =	sfence  }
0xbc: {  	s30 =	sld [smem:$0x0];
	_ =	sdelay $0x2  }
0xbd: {  	s31 =	sshll.u32 s1, $0xD;
	s1 =	sshrl.u32 s1, $0x2  }
0xbe: {  	s3 =	sand.u32 $0x4000, s31;
	s1 =	sadd.s32 s1, s30  }
0xbf: {  	s0 =	sor.u32 s3, s0;
	s1 =	sshll.u32 s1, $0x11  }
0xc0: {  	s0 =	sor.u32 s1, s0  }
0xc1: {  	s0 =	sadd.s32 $0x8F2B, s0  }
0xc2: {  	[sflag:s0] =	ssyncadd.remote.s32 $0x1  }
0xc3: {  	_ =	sfence.sel $0xFFFF  }
0xc4: {  	[dreg:$0x0] =	wrdreg $0xFFFFFFFF;
	(pc) =	sbr.abs _section_cstart, $3  }
0xc5: {  	[dreg:$0x1] =	wrdreg $0xFFFFFFFF  }
0xc6: {  	_ =	task.clear_ibuf [dreg:s9], $0x2FFFF;
	_ =	strace $0x9FFFFFFF  }
0xc7: {  	(tm) =	ssettm $0x7FFFFFFF  }
tec
execute0_lowered:
.L_overlay_start_1:
0x0: {  	(tag) =	ssettag $0x1  }
0x1: {  	s1 =	rddreg [dreg:$0x0]  }
0x2: {  	s2 =	rddreg [dreg:$0x1]  }
0x3: {  	s0 =	rddreg [dreg:$0x2]  }
0x4: {  	s10 =	rddreg [dreg:$0x3]  }
0x5: {  	s3 =	rddreg [dreg:$0x4];
	s4 =	srdreg.scid;
	s5 =	simm.s32 $0x0  }
0x6: {  	s28 =	stileid.u32;
	s14 =	simm.s32 $0x8000;
	s15 =	simm.s32 $0x1  }
0x7: {  	s16 =	simm.s32 $0x10100;
	s17 =	simm.s32 $0x80;
	s18 =	simm.s32 $0x10200  }
0x8: {  	s19 =	simm.s32 $0x10280;
	s20 =	simm.s32 $0x4000;
	s21 =	simm.s32 $0x2  }
0x9: {  	s24 =	simm.s32 $0xC000;
	s26 =	simm.s32 $0x0;
	s8 =	smul.u32 $0x29000, s28  }
0xa: {  	s6 =	sand.u32 $0x1, s4;
	[smem:$0x7FF] =	sst s5;
	s9 =	smul.u32 $0x148, s28  }
0xb: {  	s7 =	sshll.u32 s6, $0x4;
	_ =	strace $0x80000047;
	s6 =	ssub.s32 $0x2, s6  }
0xc: {  	s12 =	sor.u32 s28, s7;
	s29 =	sshrl.u32 s6, $0x1;
	s8 =	sshrl.u32 s8, $0x2  }
0xd: {  	s25 =	sadd.s32 $0x147, s9;
	s7 =	sshll.u32 s12, $0x1;
	s22 =	smul.u32 $0x140, s12  }
0xe: {  	s11 =	ssub.s32 s6, s29;
	s6 =	sadd.s32 s8, s3;
	s13 =	smul.u32 $0x1400, s12  }
.Ltmp0:
0xf: {  	p0 =	seq.s32 s12, $0x1F;
	s0 =	sadd.s32 s7, s0;
	(pc) =	sbr.rel .LBB2_1-.Ltmp0, $4  }
0x10: {  	s30 =	sadd.s32 $0x8000, s6;
	s11 =	smax.u32 s11, $0x1;
	s0 =	sadd.s32 $0x200, s0  }
0x11: {  	[dreg:$0x7] =	wrdreg s30;
	s31 =	ssub.s32 s22, s9;
	s23 =	sadd.s32 $0x140, s22  }
0x12: {  	v4 =	vimm.f32 $0.0e+00;
	v3 =	vmov s25;
	s9 =	sadd.s32 s10, s13;
	s10 =	sadd.s32 $0x26C00, s10;
	s13 =	simm.s32 $0x5  }
0x13: {  	v0 =	vmov s22;
	s22 =	simm.s32 $0x10300;
	[dreg:$0x6] =	wrdreg s0;
	v1 =	vmov s23;
	s23 =	simm.s32 $0x10380;
	v2 =	vmov s31  }
.LBB2_12:
0x14: {  	_ =	swait.ge [sflag:s0], $0x4000  }
0x15: {  	[sflag:s0] =	ssyncset.done $0x0  }
0x16: {  	[sflag:s0] =	ssyncadd.s32 $0xFFFFC000  }
0x17: {  	_ =	swait.ge [sflag:s0], $0x4000  }
0x18: {  	[sflag:s0] =	ssyncset.done $0x0  }
0x19: {  	[sflag:s0] =	ssyncadd.s32 $0xFFFFC000  }
.LBB2_13:
0x1a: {  	s8 =	stileid.u32  }
0x1b: {  	s0 =	sshll.u32 @p0 s8, $0x6  }
0x1c: {  	s4 =	sshrl.u32 @p0 s6, $0x3;
	s0 =	sor.u32 @p0 $0x1C05, s0  }
0x1d: {  	[hbm:s10], [sflag:s0] =	dma.local @p0 [spmem:s4], $0x500  }
0x1e: {  	s0 =	simm.s32 @p0 $0x5  }
0x1f: {  	s26 =	sadd.s32 $0x1, s26;
	_ =	swait.ge @p0 [sflag:s0], $0x500  }
0x20: {  	p1 =	sne.s32 s26, s11;
	s4 =	sshll.u32 @!p0 s8, $0x6;
	[sflag:s0] =	ssyncset.done @p0 $0x0  }
0x21: {  	[sflag:s0] =	ssyncadd.s32 @p0 $0xFFFFFB00;
	s0 =	sor.u32 @!p0 $0x1C05, s4;
	s4 =	sshrl.u32 @!p0 s6, $0x3  }
0x22: {  	[hbm:s9], [sflag:s0] =	dma.local @!p0 [spmem:s4], $0x1400  }
.Ltmp1:
0x23: {  	_ = 	snop;
	(pc) =	sbr.rel @!p1 .LBB2_14-.Ltmp1, $4  }
0x24: {  	s0 =	simm.s32 @!p0 $0x5  }
0x25: {  	_ =	swait.ge @!p0 [sflag:s0], $0x1400  }
0x26: {  	[sflag:s0] =	ssyncset.done @!p0 $0x0  }
0x27: {  	s7 =	stileid.u32;
	[sflag:s0] =	ssyncadd.s32 @!p0 $0xFFFFEC00  }
.LBB2_1:
0x28: {  	s0 =	rddreg [dreg:$0x6];
	s4 =	simm.s32 $0x10400  }
0x29: {  	[tilespmem:s4], [sflag:$0x5] =	stream.linear.gather [hbm4b:s0+s5], $0x10, $0x38;
	[tilespmem:$0x1A880] =	vst v63  }
0x2a: {  	_ =	swait.ge [sflag:s13], $0x10  }
0x2b: {  	[sflag:s13] =	ssyncset.done $0x0  }
0x2c: {  	[sflag:s13] =	ssyncadd.s32 $0xFFFFFFF0  }
0x2d: {  	v5 =	vld [tilespmem:$0x10400];
	_ =	sdelay $0x4  }
0x2e: {  	(v2sf) =	vpush v5, $0x0  }
0x2f: {  	(v2sf) =	vpush v5, $0x1;
	_ =	sdelay $0xd  }
0x30: {  	s0 =	spop (v2sf)  }
0x31: {  	s12 =	spop (v2sf)  }
0x32: {  	s25 =	sadd.s32 $0xFF, s12  }
0x33: {  	s12 =	sshrl.u32 s0, $0x8;
	s29 =	sshrl.u32 s25, $0x8  }
0x34: {  	s28 =	ssub.s32 s29, s12  }
0x35: {  	p1 =	slt.s32 s28, $0x1  }
0x36: {  	s0 =	sand.u32 @!p1 $0xFFFFFF00, s0  }
0x37: {  	s25 =	sshll.u32 @!p1 s0, $0x4  }
0x38: {  	s30 =	simm.s32 @!p1 $0x0;
	s0 =	sshrl.u32 @!p1 s0, $0x3;
	s25 =	sadd.s32 @!p1 s1, s25  }
0x39: {  	[tilespmem:s30], [sflag:$0x1] =	stream.linear.gather @!p1 [hbm4b:s25+s30], $0x8000, $0x38;
	[tilespmem:$0x1A880] =	vst v63  }
0x3a: {  	s0 =	sadd.s32 @!p1 s2, s0;
	s25 =	simm.s32 @!p1 $0x10000  }
0x3b: {  	[tilespmem:s25], [sflag:$0x1] =	stream.linear.gather @!p1 [hbm4b:s0+s30], $0x100, $0x38;
	[tilespmem:$0x1A880] =	vst v63  }
0x3c: {  	s0 =	simm.s32 $0x0;
	s25 =	simm.s32 $0x200  }
.LBB2_2:
0x3d: {  	p1 =	sne.s32 s25, $0x1FE00;
	[tilespmem:s0+$0x8070] =	vst v4  }
0x3e: {  	[tilespmem:s0+$0x8000] =	vst v4  }
0x3f: {  	[tilespmem:s0+$0x8010] =	vst v4  }
.Ltmp2:
0x40: {  	[tilespmem:s0+$0x8020] =	vst v4;
	(pc) =	sbr.rel @p1 .LBB2_2-.Ltmp2, $4  }
0x41: {  	[tilespmem:s0+$0x8030] =	vst v4  }
0x42: {  	[tilespmem:s0+$0x8040] =	vst v4  }
0x43: {  	[tilespmem:s0+$0x8050] =	vst v4  }
0x44: {  	[tilespmem:s0+$0x8060] =	vst v4;
	s0 =	sshra.s32 s25, $0x2;
	s25 =	sadd.s32 $0x200, s25  }
0x45: {  	[tilespmem:s0+$0x8070] =	vst v4  }
0x46: {  	[tilespmem:s0+$0x8000] =	vst v4  }
0x47: {  	[tilespmem:s0+$0x8010] =	vst v4  }
0x48: {  	[tilespmem:s0+$0x8020] =	vst v4  }
0x49: {  	[tilespmem:s0+$0x8030] =	vst v4  }
0x4a: {  	[tilespmem:s0+$0x8040] =	vst v4  }
0x4b: {  	[tilespmem:s0+$0x8050] =	vst v4  }
0x4c: {  	[tilespmem:s0+$0x8060] =	vst v4;
	s8 =	sadd.s32 $0x1, s28  }
0x4d: {  	[spmem:s6] =	stream.linear.scatter [tilespmem:s14], [sflag:$0x5], $0x8000, $0x38;
	[tilespmem:$0x1A880] =	vst v63  }
0x4e: {  	s25 =	sand.u32 $0x1, s8  }
0x4f: {  	p1 =	slt.s32 s28, $0x0;
	p2 =	seq.s32 s25, $0x1  }
0x50: {  	s31 =	sshrl.u32 s8, $0x1F;
	p1 =	por !p1, !p2  }
0x51: {  	s0 =	sadd.s32 s31, s8;
	s25 =	simm.s32 $0x1;
	p1 =	por !p1, !p1  }
0x52: {  	s0 =	sshra.s32 s0, $0x1;
	s25 =	simm.s32 @!p1 $0x0  }
0x53: {  	_ =	swait.ge [sflag:s13], $0x8000;
	s30 =	ssub.s32 s0, s25  }
0x54: {  	[sflag:s13] =	ssyncset.done $0x0;
	p1 =	slt.s32 s30, $0x1  }
.Ltmp3:
0x55: {  	s7 =	rddreg [dreg:$0x7];
	[sflag:s13] =	ssyncadd.s32 $0xFFFF8000;
	(pc) =	sbr.rel @p1 .LBB2_9-.Ltmp3, $4  }
0x56: {  	[spmem:s7] =	stream.linear.scatter [tilespmem:s14], [sflag:$0x5], $0x2400, $0x38;
	[tilespmem:$0x1A880] =	vst v63  }
0x57: {  	_ =	swait.ge [sflag:s13], $0x2400  }
0x58: {  	[sflag:s13] =	ssyncset.done $0x0  }
0x59: {  	[sflag:s13] =	ssyncadd.s32 $0xFFFFDC00  }
.Ltmp4:
0x5a: {  	(pc) =	sbr.rel .LBB2_5-.Ltmp4, $3  }
0x5b: {  	_ =	sdelay $0x1  }
0x5c: {  	s0 =	sshll.u32 s12, $0xC;
	s25 =	simm.s32 $0x0  }
0x5d: {  	s31 =	sadd.s32 $0x2000, s0;
	s0 =	sshll.u32 s12, $0x5;
	s12 =	sadd.s32 $0x2, s12  }
.LBB2_7:
0x5e: {  	[spmem:s3] =	stream.indirect.scatter.add.f32 [tilespmem:s5], [sflag:$0x3], $0x80, s18, s17, $0xb8;
	[tilespmem:$0x1A880] =	vst v63  }
0x5f: {  	_ = 	snop  }
0x60: {  	[spmem:s3] =	stream.indirect.scatter.add.f32 [tilespmem:s20], [sflag:$0x3], $0x80, s19, s17, $0xb8;
	[tilespmem:$0x1A880] =	vst v63  }
.LBB2_8:
0x61: {  	s30 =	sadd.s32 $0xFFFFFFFF, s30  }
0x62: {  	p1 =	sne.s32 s30, $0x0  }
.Ltmp5:
0x63: {  	_ = 	snop;
	(pc) =	sbr.rel @!p1 .LBB2_9-.Ltmp5, $2  }
0x64: {  	_ =	sdelay $0x2  }
0x65: {  	s25 =	sadd.s32 $0x40, s25;
	s31 =	sadd.s32 $0x2000, s31;
	s12 =	sadd.s32 $0x2, s12  }
.LBB2_5:
0x66: {  	_ =	swait.ge [sflag:s15], $0x8000  }
0x67: {  	[sflag:s15] =	ssyncset.done $0x0  }
0x68: {  	[sflag:s15] =	ssyncadd.s32 $0xFFFF8000  }
0x69: {  	_ =	swait.ge [sflag:s15], $0x100  }
0x6a: {  	[sflag:s15] =	ssyncset.done $0x0  }
0x6b: {  	[sflag:s15] =	ssyncadd.s32 $0xFFFFFF00  }
0x6c: {  	v5 =	vld [tilespmem:$0x10000]  }
0x6d: {  	v6 =	vld [tilespmem:$0x10010]  }
0x6e: {  	v7 =	vld [tilespmem:$0x10020]  }
0x6f: {  	v8 =	vld [tilespmem:$0x10030]  }
0x70: {  	v9 =	vld [tilespmem:$0x10040]  }
0x71: {  	v10 =	vld [tilespmem:$0x10050]  }
0x72: {  	v11 =	vld [tilespmem:$0x10060];
	vm0 =	vge.s32 v5, v0  }
0x73: {  	v14 =	vld [tilespmem:$0x10090];
	vm1 =	vlt.s32 v5, v1;
	vm2 =	vge.s32 v6, v0;
	vm3 =	vlt.s32 v6, v1  }
0x74: {  	v57 =	vld [tilespmem:$0x100B0];
	v5 =	vsub.s32 v5, v2;
	v6 =	vsub.s32 v6, v2;
	vm12 =	vge.s32 v7, v0  }
0x75: {  	vm13 =	vlt.s32 v7, v1;
	v7 =	vsub.s32 v7, v2;
	vm15 =	vge.s32 v8, v0  }
0x76: {  	v12 =	vld [tilespmem:$0x10070];
	vm4 =	vlt.s32 v8, v1;
	v8 =	vsub.s32 v8, v2;
	vm6 =	vge.s32 v9, v0  }
0x77: {  	v13 =	vld [tilespmem:$0x10080];
	vm7 =	vlt.s32 v9, v1;
	vm8 =	vge.s32 v10, v0;
	vm9 =	vlt.s32 v10, v1  }
0x78: {  	v9 =	vsub.s32 v9, v2;
	v10 =	vsub.s32 v10, v2;
	vm10 =	vge.s32 v11, v0  }
0x79: {  	v59 =	vsub.s32 v14, v2;
	v62 =	vsub.s32 v57, v2;
	vm0 =	vmand vm0, vm1  }
0x7a: {  	vm11 =	vmand vm2, vm3;
	vm14 =	vmand vm12, vm13;
	vm5 =	vmand vm15, vm4  }
0x7b: {  	v15 =	vld [tilespmem:$0x100A0];
	vm1 =	vmand vm8, vm9;
	vm12 =	vge.s32 v12, v0;
	vm13 =	vlt.s32 v12, v1  }
0x7c: {  	vm15 =	vge.s32 v13, v0;
	vm8 =	vge.s32 v14, v0;
	vm9 =	vlt.s32 v14, v1  }
0x7d: {  	v5 =	vsel vm0, v5, v3;
	v6 =	vsel vm11, v6, v3;
	v7 =	vsel vm14, v7, v3  }
0x7e: {  	v58 =	vld [tilespmem:$0x100C0];
	v8 =	vsel vm5, v8, v3;
	vm0 =	vmand vm6, vm7;
	v10 =	vsel vm1, v10, v3  }
0x7f: {  	v60 =	vld [tilespmem:$0x100D0];
	vm11 =	vlt.s32 v11, v1;
	v11 =	vsub.s32 v11, v2;
	vm14 =	vmand vm12, vm13;
	[tilespmem:$0x10200] =	vst v5  }
0x80: {  	vm6 =	vlt.s32 v13, v1;
	vm12 =	vlt.s32 v15, v1;
	vm13 =	vge.s32 v57, v0;
	[tilespmem:$0x10210] =	vst v6  }
0x81: {  	v61 =	vld [tilespmem:$0x100E0];
	v9 =	vsel vm0, v9, v3;
	vm0 =	vmand vm10, vm11;
	v5 =	vsub.s32 v12, v2;
	[tilespmem:$0x10220] =	vst v7  }
0x82: {  	vm7 =	vmand vm15, vm6;
	v7 =	vsub.s32 v13, v2;
	[tilespmem:$0x10230] =	vst v8;
	vm10 =	vmand vm8, vm9  }
0x83: {  	vm11 =	vge.s32 v15, v0;
	[tilespmem:$0x10250] =	vst v10;
	vm15 =	vge.s32 v58, v0;
	vm6 =	vlt.s32 v58, v1  }
0x84: {  	vm8 =	vlt.s32 v60, v1;
	v6 =	vsel vm0, v11, v3;
	v5 =	vsel vm14, v5, v3;
	[tilespmem:$0x10240] =	vst v9  }
0x85: {  	v63 =	vld [tilespmem:$0x100F0];
	v7 =	vsel vm7, v7, v3;
	v8 =	vsel vm10, v59, v3;
	vm0 =	vmand vm11, vm12;
	[tilespmem:$0x10260] =	vst v6  }
0x86: {  	vm14 =	vlt.s32 v57, v1;
	vm7 =	vge.s32 v60, v0;
	vm10 =	vge.s32 v61, v0;
	[tilespmem:$0x10270] =	vst v5  }
0x87: {  	vm11 =	vlt.s32 v61, v1;
	v6 =	vsub.s32 v15, v2;
	vm1 =	vmand vm13, vm14;
	[tilespmem:$0x10280] =	vst v7  }
0x88: {  	s7 =	sadd.s32 $0xFFFFFFFF, s12;
	[tilespmem:$0x10290] =	vst v8;
	v7 =	vsub.s32 v58, v2;
	vm9 =	vmand vm7, vm8;
	v5 =	vsel vm0, v6, v3  }
0x89: {  	p1 =	sge.u32 s7, s29;
	vm12 =	vmand vm10, vm11;
	v6 =	vsel vm1, v62, v3;
	vm0 =	vmand vm15, vm6;
	[tilespmem:$0x102A0] =	vst v5  }
.Ltmp6:
0x8a: {  	vm13 =	vge.s32 v63, v0;
	v5 =	vsub.s32 v60, v2;
	v7 =	vsel vm0, v7, v3;
	[tilespmem:$0x102B0] =	vst v6;
	(pc) =	sbr.rel @p1 .LBB2_7-.Ltmp6, $4  }
0x8b: {  	vm14 =	vlt.s32 v63, v1;
	v6 =	vsub.s32 v61, v2;
	v5 =	vsel vm9, v5, v3;
	[tilespmem:$0x102C0] =	vst v7  }
0x8c: {  	vm15 =	vmand vm13, vm14;
	v6 =	vsel vm12, v6, v3;
	[tilespmem:$0x102D0] =	vst v5;
	v5 =	vsub.s32 v63, v2  }
0x8d: {  	[tilespmem:$0x102E0] =	vst v6;
	v5 =	vsel vm15, v5, v3  }
0x8e: {  	[tilespmem:$0x102F0] =	vst v5  }
0x8f: {  	p1 =	seq.s32 s25, $0x0  }
0x90: {  	s7 =	simm.s32 @!p1 $0x4  }
0x91: {  	_ =	swait.ge @!p1 [sflag:s7], $0x4000  }
0x92: {  	[sflag:s7] =	ssyncset.done @!p1 $0x0  }
0x93: {  	s8 =	sadd.s32 $0xFFFFF000, s31;
	[sflag:s7] =	ssyncadd.s32 @!p1 $0xFFFFC000  }
0x94: {  	s8 =	sand.u32 $0x1FFFF000, s8;
	_ =	swait.ge @!p1 [sflag:s7], $0x4000  }
0x95: {  	s4 =	sadd.s32 s1, s8;
	s8 =	sadd.s32 s25, s0;
	[sflag:s7] =	ssyncset.done @!p1 $0x0  }
0x96: {  	[sflag:s7] =	ssyncadd.s32 @!p1 $0xFFFFC000;
	s7 =	sadd.s32 $0x20, s8  }
0x97: {  	[tilespmem:s14], [sflag:$0x2] =	stream.linear.gather [hbm4b:s4+s5], $0x8000, $0x38;
	[tilespmem:$0x1A880] =	vst v63  }
0x98: {  	s7 =	sand.u32 $0x1FFFFFE0, s7  }
0x99: {  	s7 =	sadd.s32 s2, s7  }
0x9a: {  	[tilespmem:s16], [sflag:$0x2] =	stream.linear.gather [hbm4b:s7+s5], $0x100, $0x38;
	[tilespmem:$0x1A880] =	vst v63  }
0x9b: {  	_ = 	snop  }
0x9c: {  	[spmem:s3] =	stream.indirect.scatter.add.f32 [tilespmem:s5], [sflag:$0x3], $0x80, s18, s17, $0xb8;
	[tilespmem:$0x1A880] =	vst v63  }
0x9d: {  	_ = 	snop  }
0x9e: {  	[spmem:s3] =	stream.indirect.scatter.add.f32 [tilespmem:s20], [sflag:$0x3], $0x80, s19, s17, $0xb8;
	[tilespmem:$0x1A880] =	vst v63  }
0x9f: {  	_ =	swait.ge [sflag:s21], $0x8000  }
0xa0: {  	[sflag:s21] =	ssyncset.done $0x0  }
0xa1: {  	[sflag:s21] =	ssyncadd.s32 $0xFFFF8000  }
0xa2: {  	_ =	swait.ge [sflag:s21], $0x100  }
0xa3: {  	[sflag:s21] =	ssyncset.done $0x0  }
0xa4: {  	[sflag:s21] =	ssyncadd.s32 $0xFFFFFF00  }
0xa5: {  	v5 =	vld [tilespmem:$0x10100]  }
0xa6: {  	v6 =	vld [tilespmem:$0x10110]  }
0xa7: {  	v7 =	vld [tilespmem:$0x10120]  }
0xa8: {  	v8 =	vld [tilespmem:$0x10130]  }
0xa9: {  	v9 =	vld [tilespmem:$0x10140]  }
0xaa: {  	v10 =	vld [tilespmem:$0x10150]  }
0xab: {  	v11 =	vld [tilespmem:$0x10160];
	vm0 =	vge.s32 v5, v0  }
0xac: {  	v14 =	vld [tilespmem:$0x10190];
	vm1 =	vlt.s32 v5, v1;
	vm2 =	vge.s32 v6, v0;
	vm3 =	vlt.s32 v6, v1  }
0xad: {  	v57 =	vld [tilespmem:$0x101B0];
	v5 =	vsub.s32 v5, v2;
	v6 =	vsub.s32 v6, v2;
	vm12 =	vge.s32 v7, v0  }
0xae: {  	vm13 =	vlt.s32 v7, v1;
	v7 =	vsub.s32 v7, v2;
	vm15 =	vge.s32 v8, v0  }
0xaf: {  	v12 =	vld [tilespmem:$0x10170];
	vm4 =	vlt.s32 v8, v1;
	v8 =	vsub.s32 v8, v2;
	vm6 =	vge.s32 v9, v0  }
0xb0: {  	v13 =	vld [tilespmem:$0x10180];
	vm7 =	vlt.s32 v9, v1;
	vm8 =	vge.s32 v10, v0;
	vm9 =	vlt.s32 v10, v1  }
0xb1: {  	v9 =	vsub.s32 v9, v2;
	v10 =	vsub.s32 v10, v2;
	vm10 =	vge.s32 v11, v0  }
0xb2: {  	v59 =	vsub.s32 v14, v2;
	v62 =	vsub.s32 v57, v2;
	vm0 =	vmand vm0, vm1  }
0xb3: {  	vm11 =	vmand vm2, vm3;
	vm14 =	vmand vm12, vm13;
	vm5 =	vmand vm15, vm4  }
0xb4: {  	v15 =	vld [tilespmem:$0x101A0];
	vm1 =	vmand vm8, vm9;
	vm12 =	vge.s32 v12, v0;
	vm13 =	vlt.s32 v12, v1  }
0xb5: {  	vm15 =	vge.s32 v13, v0;
	vm8 =	vge.s32 v14, v0;
	vm9 =	vlt.s32 v14, v1  }
0xb6: {  	v5 =	vsel vm0, v5, v3;
	v6 =	vsel vm11, v6, v3;
	v7 =	vsel vm14, v7, v3  }
0xb7: {  	v58 =	vld [tilespmem:$0x101C0];
	v8 =	vsel vm5, v8, v3;
	vm0 =	vmand vm6, vm7;
	v10 =	vsel vm1, v10, v3  }
0xb8: {  	v60 =	vld [tilespmem:$0x101D0];
	vm11 =	vlt.s32 v11, v1;
	v11 =	vsub.s32 v11, v2;
	vm14 =	vmand vm12, vm13;
	[tilespmem:$0x10300] =	vst v5  }
0xb9: {  	vm6 =	vlt.s32 v13, v1;
	vm12 =	vlt.s32 v15, v1;
	vm13 =	vge.s32 v57, v0;
	[tilespmem:$0x10310] =	vst v6  }
0xba: {  	v61 =	vld [tilespmem:$0x101E0];
	v9 =	vsel vm0, v9, v3;
	vm0 =	vmand vm10, vm11;
	v5 =	vsub.s32 v12, v2;
	[tilespmem:$0x10320] =	vst v7  }
0xbb: {  	vm7 =	vmand vm15, vm6;
	v7 =	vsub.s32 v13, v2;
	[tilespmem:$0x10330] =	vst v8;
	vm10 =	vmand vm8, vm9  }
0xbc: {  	vm11 =	vge.s32 v15, v0;
	[tilespmem:$0x10350] =	vst v10;
	vm15 =	vge.s32 v58, v0;
	vm6 =	vlt.s32 v58, v1  }
0xbd: {  	vm8 =	vlt.s32 v60, v1;
	v6 =	vsel vm0, v11, v3;
	v5 =	vsel vm14, v5, v3;
	[tilespmem:$0x10340] =	vst v9  }
0xbe: {  	v63 =	vld [tilespmem:$0x101F0];
	v7 =	vsel vm7, v7, v3;
	v8 =	vsel vm10, v59, v3;
	vm0 =	vmand vm11, vm12;
	[tilespmem:$0x10360] =	vst v6  }
0xbf: {  	vm14 =	vlt.s32 v57, v1;
	vm7 =	vge.s32 v60, v0;
	vm10 =	vge.s32 v61, v0;
	[tilespmem:$0x10370] =	vst v5  }
0xc0: {  	vm11 =	vlt.s32 v61, v1;
	v6 =	vsub.s32 v15, v2;
	vm1 =	vmand vm13, vm14;
	[tilespmem:$0x10380] =	vst v7  }
0xc1: {  	[tilespmem:$0x10390] =	vst v8;
	v7 =	vsub.s32 v58, v2;
	vm9 =	vmand vm7, vm8;
	v5 =	vsel vm0, v6, v3  }
0xc2: {  	vm12 =	vmand vm10, vm11;
	v6 =	vsel vm1, v62, v3;
	vm0 =	vmand vm15, vm6;
	[tilespmem:$0x103A0] =	vst v5  }
0xc3: {  	vm13 =	vge.s32 v63, v0;
	v5 =	vsub.s32 v60, v2;
	v7 =	vsel vm0, v7, v3;
	[tilespmem:$0x103B0] =	vst v6  }
0xc4: {  	vm14 =	vlt.s32 v63, v1;
	v6 =	vsub.s32 v61, v2;
	v5 =	vsel vm9, v5, v3;
	[tilespmem:$0x103C0] =	vst v7  }
0xc5: {  	vm15 =	vmand vm13, vm14;
	v6 =	vsel vm12, v6, v3;
	[tilespmem:$0x103D0] =	vst v5;
	v5 =	vsub.s32 v63, v2  }
0xc6: {  	p1 =	sge.u32 s12, s29;
	[tilespmem:$0x103E0] =	vst v6;
	v5 =	vsel vm15, v5, v3  }
0xc7: {  	s7 =	simm.s32 @!p1 $0x3;
	[tilespmem:$0x103F0] =	vst v5  }
0xc8: {  	_ =	swait.ge @!p1 [sflag:s7], $0x4000  }
0xc9: {  	[sflag:s7] =	ssyncset.done @!p1 $0x0  }
0xca: {  	[sflag:s7] =	ssyncadd.s32 @!p1 $0xFFFFC000  }
0xcb: {  	_ =	swait.ge @!p1 [sflag:s7], $0x4000  }
0xcc: {  	s8 =	sand.u32 @!p1 $0x1FFFF000, s31;
	[sflag:s7] =	ssyncset.done @!p1 $0x0  }
0xcd: {  	[sflag:s7] =	ssyncadd.s32 @!p1 $0xFFFFC000;
	s7 =	sadd.s32 @!p1 s1, s8;
	s8 =	simm.s32 @!p1 $0x0  }
0xce: {  	[tilespmem:s8], [sflag:$0x1] =	stream.linear.gather @!p1 [hbm4b:s7+s8], $0x8000, $0x38;
	[tilespmem:$0x1A880] =	vst v63  }
0xcf: {  	s7 =	sadd.s32 @!p1 s25, s0  }
0xd0: {  	s7 =	sadd.s32 @!p1 $0x40, s7  }
0xd1: {  	s7 =	sand.u32 @!p1 $0x1FFFFFE0, s7  }
0xd2: {  	s4 =	simm.s32 @!p1 $0x10000;
	s7 =	sadd.s32 @!p1 s2, s7  }
0xd3: {  	[tilespmem:s4], [sflag:$0x1] =	stream.linear.gather @!p1 [hbm4b:s7+s8], $0x100, $0x38;
	[tilespmem:$0x1A880] =	vst v63  }
.Ltmp7:
0xd4: {  	_ = 	snop;
	(pc) =	sbr.rel .LBB2_8-.Ltmp7, $4  }
0xd5: {  	_ = 	snop  }
0xd6: {  	[spmem:s3] =	stream.indirect.scatter.add.f32 [tilespmem:s14], [sflag:$0x4], $0x80, s22, s17, $0xb8;
	[tilespmem:$0x1A880] =	vst v63  }
0xd7: {  	_ = 	snop  }
0xd8: {  	[spmem:s3] =	stream.indirect.scatter.add.f32 [tilespmem:s24], [sflag:$0x4], $0x80, s23, s17, $0xb8;
	[tilespmem:$0x1A880] =	vst v63  }
.LBB2_9:
0xd9: {  	p1 =	seq.s32 s28, $0x1  }
.Ltmp8:
0xda: {  	_ = 	snop;
	(pc) =	sbr.rel @p1 .LBB2_12-.Ltmp8, $2  }
0xdb: {  	_ =	sdelay $0x2  }
0xdc: {  	s0 =	simm.s32 $0x3  }
0xdd: {  	p1 =	slt.s32 s28, $0x2  }
.Ltmp9:
0xde: {  	_ = 	snop;
	(pc) =	sbr.rel @p1 .LBB2_13-.Ltmp9, $1  }
0xdf: {  	_ =	sdelay $0x3  }
0xe0: {  	s0 =	simm.s32 $0x3  }
0xe1: {  	_ =	swait.ge [sflag:s0], $0x4000  }
.Ltmp10:
0xe2: {  	[sflag:s0] =	ssyncset.done $0x0;
	(pc) =	sbr.rel .LBB2_12-.Ltmp10, $4  }
0xe3: {  	[sflag:s0] =	ssyncadd.s32 $0xFFFFC000  }
0xe4: {  	_ =	swait.ge [sflag:s0], $0x4000  }
0xe5: {  	[sflag:s0] =	ssyncset.done $0x0  }
0xe6: {  	[sflag:s0] =	ssyncadd.s32 $0xFFFFC000;
	s0 =	simm.s32 $0x4  }
.LBB2_14:
0xe7: {  	_ =	sfence.sel $0x180000  }
0xe8: {  	[bflag:$0x0] =	sbarrier.arrive $0xFFFF  }
0xe9: {  	_ =	strace $0x90000047  }
0xea: {  	[bflag:$0x2] =	sbarrier.arrive $0xFFFF  }
0xeb: {  	p0 =	sne.s32 s7, $0x0;
	s0 =	rddreg [dreg:$0x5]  }
0xec: {  	s0 =	sadd.s32 @!p0 $0x100000, s0  }
0xed: {  	[sflag:s0] =	ssyncadd.tile.s32 @!p0 $0x1;
	_ =	shalt  }
.Lfunc_end2:
_tile_overlayer_lowered:
.L_overlay_start_2:
0xee: {  	(tag) =	ssettag $0x2  }
0xef: {  	s0 =	rddreg [dreg:$0x0];
	s2 =	stileid.u32  }
0xf0: {  	s1 =	rddreg [dreg:$0x1];
	p0 =	sne.s32 s2, $0x0  }
0xf1: {  	s3 =	rddreg [dreg:$0x2];
	[bflag:$0x3] =	sbarrier.arrive $0xFFFF;
	s2 =	simm.s32 @!p0 $0x1C05  }
0xf2: {  	[timem:s3], [sflag:s2] =	dma.local @!p0 [hbm:s0], s1  }
0xf3: {  	s0 =	simm.s32 @!p0 $0x5  }
0xf4: {  	_ =	swait.ge @!p0 [sflag:s0], s1  }
0xf5: {  	s1 =	ssub.s32 @!p0 $0x0, s1;
	[sflag:s0] =	ssyncset.done @!p0 $0x0  }
0xf6: {  	[sflag:s0] =	ssyncadd.s32 @!p0 s1  }
0xf7: {  	[bflag:$0x3] =	sbarrier.arrive $0xFFFF  }
0xf8: {  	_ =	shalt  }

</sc_bundles>
